<compile_context>
chip_gen: v7x
topology: tpu7x:2x2x1
jax: 0.10.2.dev20260603
libtpu: 0.0.44.dev20260713+nightly
codegen_flags: <defaults>
</compile_context>

<pallas_src>
import functools

import jax
import jax.numpy as jnp
from jax import lax
from jax.experimental import pallas as pl
from jax.experimental.pallas import tpu as pltpu
from jax.experimental.pallas import tpu_sc as plsc

N = 10000
NPAD = 10240
TRASH = 10100
E = 320000
EPAD = 322560
B = 112
ROWS_ES = 90
ROWS_CS = 180
CH = 10
RT = 640
_MESH = plsc.VectorSubcoreMesh(
    core_axis_name="c", subcore_axis_name="s", num_cores=2, num_subcores=16)

f32 = jnp.float32


@functools.partial(
    pl.kernel,
    out_type=jax.ShapeDtypeStruct((2, NPAD, 8), f32),
    mesh=_MESH,
    compiler_params=pltpu.CompilerParams(use_tc_tiling_on_sc=False),
    scratch_types=[
        pltpu.VMEM((B,), jnp.int32),
        pltpu.VMEM((B, 8), f32),
        pltpu.VMEM_SHARED((NPAD, 8), f32),
    ],
)
def _sc_deg(dst2d, zeros8, ones8, out, idx_v, ones_v, acc):
    c = lax.axis_index("c")
    s = lax.axis_index("s")
    pltpu.sync_copy(zeros8.at[pl.ds(s * RT, RT)], acc.at[pl.ds(s * RT, RT)])
    pltpu.sync_copy(ones8, ones_v)
    base = c * (ROWS_ES * 16) + s * ROWS_ES
    plsc.subcore_barrier()

    def body(j, carry):
        pltpu.sync_copy(dst2d.at[base + j], idx_v)
        pltpu.sync_copy(ones_v, acc.at[idx_v], add=True)
        return carry

    lax.fori_loop(0, ROWS_ES, body, 0)
    plsc.subcore_barrier()
    pltpu.sync_copy(acc.at[pl.ds(s * RT, RT)], out.at[c, pl.ds(s * RT, RT)])


def _pipelined_chunk(table, acc, src_v, dst_v, bufs, gsems, ssems):
    def arm(j, x, gx, sx, nxt, gn, sn):
        pltpu.make_async_copy(table.at[src_v.at[j]], x, gx).wait()

        @pl.when(j + 2 < CH)
        def _():
            @pl.when(j >= 1)
            def _():
                pltpu.make_async_copy(nxt, acc.at[dst_v.at[j - 1]], sn).wait()

            pltpu.async_copy(table.at[src_v.at[j + 2]], nxt, gn)

        pltpu.async_copy(x, acc.at[dst_v.at[j]], sx, add=True)

    pltpu.async_copy(table.at[src_v.at[0]], bufs[0], gsems[0])
    pltpu.async_copy(table.at[src_v.at[1]], bufs[1], gsems[1])

    def step(j, carry):
        for m in range(3):
            @pl.when(lax.rem(j, 3) == m)
            def _(m=m):
                n = (m + 2) % 3
                arm(j, bufs[m], gsems[m], ssems[m],
                    bufs[n], gsems[n], ssems[n])

        return carry

    lax.fori_loop(0, CH, step, 0)
    for jj in (CH - 3, CH - 2, CH - 1):
        b = jj % 3
        pltpu.make_async_copy(bufs[b], acc.at[dst_v.at[jj]], ssems[b]).wait()


def _make_sc_agg_edge(d, tc_tiling=False, rows=ROWS_ES):
    @functools.partial(
        pl.kernel,
        out_type=jax.ShapeDtypeStruct((2, NPAD, d), f32),
        mesh=_MESH,
        compiler_params=pltpu.CompilerParams(use_tc_tiling_on_sc=tc_tiling),
        scratch_types=[
            pltpu.VMEM((CH, B), jnp.int32),
            pltpu.VMEM((CH, B), jnp.int32),
            pltpu.VMEM((B, d), f32),
            pltpu.VMEM((B, d), f32),
            pltpu.VMEM((B, d), f32),
            pltpu.VMEM_SHARED((NPAD, d), f32),
            pltpu.SemaphoreType.DMA,
            pltpu.SemaphoreType.DMA,
            pltpu.SemaphoreType.DMA,
            pltpu.SemaphoreType.DMA,
            pltpu.SemaphoreType.DMA,
            pltpu.SemaphoreType.DMA,
        ],
    )
    def agg(table, src2d, dst2d, zeros, out, src_v, dst_v, r0, r1, r2, acc,
            g0, g1, g2, s0, s1, s2):
        c = lax.axis_index("c")
        s = lax.axis_index("s")
        pltpu.sync_copy(zeros.at[pl.ds(s * RT, RT)], acc.at[pl.ds(s * RT, RT)])
        base = c * (rows * 16) + s * rows
        plsc.subcore_barrier()

        def chunk(ch, carry):
            pltpu.sync_copy(src2d.at[pl.ds(base + ch * CH, CH)], src_v)
            pltpu.sync_copy(dst2d.at[pl.ds(base + ch * CH, CH)], dst_v)
            _pipelined_chunk(table, acc, src_v, dst_v,
                             (r0, r1, r2), (g0, g1, g2), (s0, s1, s2))
            return carry

        lax.fori_loop(0, rows // CH, chunk, 0)
        plsc.subcore_barrier()
        pltpu.sync_copy(acc.at[pl.ds(s * RT, RT)], out.at[c, pl.ds(s * RT, RT)])

    return agg


_sc_agg_e128 = _make_sc_agg_edge(128)
_sc_agg_e40 = _make_sc_agg_edge(40)




@functools.partial(
    pl.kernel,
    out_type=jax.ShapeDtypeStruct((2, NPAD, 128), f32),
    mesh=_MESH,
    compiler_params=pltpu.CompilerParams(use_tc_tiling_on_sc=False),
    scratch_types=[
        pltpu.VMEM((CH, B), jnp.int32),
        pltpu.VMEM((CH, B), jnp.int32),
        pltpu.VMEM((B, 128), f32),
        pltpu.VMEM((B, 128), f32),
        pltpu.VMEM((B, 128), f32),
        pltpu.VMEM_SHARED((NPAD, 128), f32),
        pltpu.SemaphoreType.DMA,
        pltpu.SemaphoreType.DMA,
        pltpu.SemaphoreType.DMA,
        pltpu.SemaphoreType.DMA,
        pltpu.SemaphoreType.DMA,
        pltpu.SemaphoreType.DMA,
    ],
)
def _sc_agg_col(table2, src2d, dst2d, zeros, out, src_v, dst_v, r0, r1, r2,
                acc, g0, g1, g2, s0, s1, s2):
    c = lax.axis_index("c")
    s = lax.axis_index("s")
    pltpu.sync_copy(zeros.at[pl.ds(s * RT, RT)], acc.at[pl.ds(s * RT, RT)])
    off = c * N
    plsc.subcore_barrier()

    def chunk(ch, carry):
        pltpu.sync_copy(src2d.at[pl.ds(s * ROWS_CS + ch * CH, CH)], src_v)
        pltpu.sync_copy(dst2d.at[pl.ds(s * ROWS_CS + ch * CH, CH)], dst_v)

        def add_off(i, carry2):
            row = i // (B // 16)
            k = lax.rem(i, B // 16)
            sl = pl.ds(k * 16, 16)
            src_v[row, sl] = src_v[row, sl] + off
            return carry2

        lax.fori_loop(0, CH * (B // 16), add_off, 0)
        _pipelined_chunk(table2, acc, src_v, dst_v,
                         (r0, r1, r2), (g0, g1, g2), (s0, s1, s2))
        return carry

    lax.fori_loop(0, ROWS_CS // CH, chunk, 0)
    plsc.subcore_barrier()
    pltpu.sync_copy(acc.at[pl.ds(s * RT, RT)], out.at[c, pl.ds(s * RT, RT)])


_GRID = 10
_R = N // _GRID


def _tc_call(fn, out_shapes, in_specs, out_specs):
    return pl.pallas_call(
        fn,
        grid=(_GRID,),
        out_shape=out_shapes,
        in_specs=in_specs,
        out_specs=out_specs,
    )


def _k1_body(degp, feat, d8_o, y_o, z1_o):
    deg = degp[0][:, 0:1] + degp[1][:, 0:1] + 1.0
    d = lax.rsqrt(deg)
    d8_o[...] = jnp.broadcast_to(d, (_R, 8))
    y_o[...] = feat[...] * d
    z1_o[...] = feat[...] * (d * d)


def _k2_body(p1, d8, z1, w1, b1, w2, a_o, b_o, z2_o):
    d = d8[:, 0:1]
    t1 = d * (p1[0] + p1[1]) + z1[...]
    x1 = jnp.maximum(jnp.dot(t1, w1[...], preferred_element_type=f32)
                     + b1[...], 0.0)
    h2 = jnp.dot(x1, w2[...], preferred_element_type=f32)
    hs2 = h2 * d
    a_o[...] = hs2[:, :128]
    b_o[...] = hs2[:, 128:]
    z2_o[...] = h2 * (d * d)


def _k3_body(p2, d8, z2, w3, b2, hs3_o, z3_o):
    d = d8[:, 0:1]
    agg2 = jnp.concatenate([p2[0], p2[1]], axis=1)
    x2 = jnp.maximum(d * agg2 + z2[...] + b2[...], 0.0)
    h3 = jnp.dot(x2, w3[...], preferred_element_type=f32)
    hs3_o[...] = h3 * d
    z3_o[...] = h3 * (d * d)


def _k4_body(p3, d8, z3, b3, probs_o, x3_o):
    d = d8[:, 0:1]
    x3 = d * (p3[0] + p3[1]) + z3[...] + b3[...]
    m = jnp.max(x3, axis=-1, keepdims=True)
    e = jnp.exp(x3 - m)
    probs_o[...] = e / jnp.sum(e, axis=-1, keepdims=True)
    x3_o[...] = x3


def _row_spec(cols):
    return pl.BlockSpec((_R, cols), lambda i: (i, 0))


def _pair_spec(cols):
    return pl.BlockSpec((2, _R, cols), lambda i: (0, i, 0))


def _full_spec(r, c):
    return pl.BlockSpec((r, c), lambda i: (0, 0))


def kernel(feat, edge_index, W1, b1, W2, b2, W3, b3):
    src = edge_index[0]
    dst = edge_index[1]
    src_p = jnp.concatenate(
        [src, jnp.zeros((EPAD - E,), jnp.int32)]).reshape(EPAD // B, B)
    dst_p = jnp.concatenate(
        [dst, jnp.full((EPAD - E,), TRASH, jnp.int32)]).reshape(EPAD // B, B)
    zeros128 = jnp.zeros((NPAD, 128), f32)
    zeros40 = jnp.zeros((NPAD, 40), f32)
    zeros8 = jnp.zeros((NPAD, 8), f32)
    ones8 = jnp.ones((B, 8), f32)

    degp = _sc_deg(dst_p, zeros8, ones8)

    d8, y, z1 = _tc_call(
        _k1_body,
        [jax.ShapeDtypeStruct((N, 8), f32),
         jax.ShapeDtypeStruct((N, 128), f32),
         jax.ShapeDtypeStruct((N, 128), f32)],
        [_pair_spec(8), _row_spec(128)],
        [_row_spec(8), _row_spec(128), _row_spec(128)],
    )(degp, feat)

    p1 = _sc_agg_e128(y, src_p, dst_p, zeros128)

    hs2a, hs2b, z2 = _tc_call(
        _k2_body,
        [jax.ShapeDtypeStruct((N, 128), f32),
         jax.ShapeDtypeStruct((N, 128), f32),
         jax.ShapeDtypeStruct((N, 256), f32)],
        [_pair_spec(128), _row_spec(8), _row_spec(128),
         _full_spec(128, 256), _full_spec(1, 256), _full_spec(256, 256)],
        [_row_spec(128), _row_spec(128), _row_spec(256)],
    )(p1, d8, z1, W1, b1[None, :], W2)

    tab2 = jnp.concatenate([hs2a, hs2b], axis=0)
    p2 = _sc_agg_col(tab2, src_p, dst_p, zeros128)

    hs3, z3 = _tc_call(
        _k3_body,
        [jax.ShapeDtypeStruct((N, 40), f32),
         jax.ShapeDtypeStruct((N, 40), f32)],
        [_pair_spec(128), _row_spec(8), _row_spec(256),
         _full_spec(256, 40), _full_spec(1, 256)],
        [_row_spec(40), _row_spec(40)],
    )(p2, d8, z2, W3, b2[None, :])

    p3 = _sc_agg_e40(hs3, src_p, dst_p, zeros40)

    probs, x3 = _tc_call(
        _k4_body,
        [jax.ShapeDtypeStruct((N, 40), f32),
         jax.ShapeDtypeStruct((N, 40), f32)],
        [_pair_spec(40), _row_spec(8), _row_spec(40), _full_spec(1, 40)],
        [_row_spec(40), _row_spec(40)],
    )(p3, d8, z3, b3[None, :])

    return probs, x3

# --- scband reference (transcript-rebuilt; emitter-appended) ---
"""Pipeline reference for scband-gnn-38139309588892 (READ-ONLY COPY).

The authoritative reference and input builder live on the scoring server;
editing this copy changes nothing except your own understanding.
"""

import jax, jax.numpy as jnp
import numpy as np

N = 10000
E = 320000
D_IN = 128
D_H = 256
D_OUT = 40


def _glorot(key, shape):
    fan_in, fan_out = shape[0], shape[1]
    scale = jnp.sqrt(6.0 / (fan_in + fan_out))
    return jax.random.uniform(key, shape, dtype=jnp.float32, minval=-scale, maxval=scale)


def setup_inputs(seed: int = 0) -> dict:
    key = jax.random.key(seed)
    ks = jax.random.split(key, 8)
    feat = jax.random.normal(ks[0], (N, D_IN), dtype=jnp.float32)
    edge_index = jax.random.randint(ks[1], (2, E), 0, N, dtype=jnp.int32)
    W1 = _glorot(ks[2], (D_IN, D_H))
    b1 = jnp.zeros((D_H,), dtype=jnp.float32)
    W2 = _glorot(ks[3], (D_H, D_H))
    b2 = jnp.zeros((D_H,), dtype=jnp.float32)
    W3 = _glorot(ks[4], (D_H, D_OUT))
    b3 = jnp.zeros((D_OUT,), dtype=jnp.float32)
    return {"feat": feat, "edge_index": edge_index, "W1": W1, "b1": b1, "W2": W2, "b2": b2, "W3": W3, "b3": b3}


def _gcn_conv(x, edge_index, W, b):
    # GCNConv: linear transform then symmetric-normalized aggregation with self-loops
    src = edge_index[0]
    dst = edge_index[1]
    h = x @ W
    n = x.shape[0]
    deg = jnp.zeros((n,), dtype=jnp.float32).at[dst].add(1.0) + 1.0  # +1 for self-loop
    inv_sqrt_deg = 1.0 / jnp.sqrt(deg)
    coef = inv_sqrt_deg[src] * inv_sqrt_deg[dst]
    msg = h[src] * coef[:, None]
    agg = jnp.zeros_like(h).at[dst].add(msg)
    agg = agg + h * (inv_sqrt_deg * inv_sqrt_deg)[:, None]  # self-loop contribution
    return agg + b


def reference(feat, edge_index, W1, b1, W2, b2, W3, b3):
    # layer_num = 3, dropout -> identity (eval), bn=False -> Identity, linproj=False
    x = _gcn_conv(feat, edge_index, W1, b1)
    x = jax.nn.relu(x)
    x = _gcn_conv(x, edge_index, W2, b2)
    x = jax.nn.relu(x)
    x = _gcn_conv(x, edge_index, W3, b3)
    probs = jax.nn.softmax(x, axis=-1)
    return (probs, x)

if __name__ == "__main__":
    import jax
    _d = setup_inputs()
    print(jax.jit(kernel)(*tuple(_d.values())))

</pallas_src>

<mosaic_0001>
#map = affine_map<(d0, d1) -> (0, 0)>
#map1 = affine_map<(d0, d1) -> (0, 0, 0)>
module attributes {stable_mosaic.version = 14 : i64} {
  func.func @_sc_deg(%arg0: i32, %arg1: i32, %arg2: memref<2880x112xi32, #tpu.memory_space<hbm>>, %arg3: memref<10240x8xf32, #tpu.memory_space<hbm>>, %arg4: memref<112x8xf32, #tpu.memory_space<hbm>>, %arg5: memref<2x10240x8xf32, #tpu.memory_space<hbm>>, %arg6: memref<112xi32, #tpu.memory_space<vmem>>, %arg7: memref<112x8xf32, #tpu.memory_space<vmem>>, %arg8: memref<10240x8xf32, #tpu.memory_space<vmem_shared>>) attributes {dimension_semantics = [#tpu.dimension_semantics<core_parallel>, #tpu.dimension_semantics<subcore_parallel>], iteration_bounds = array<i64: 2, 16>, scalar_prefetch = 0 : i64, scratch_operands = 3 : i64, tpu.core_type = #tpu.core_type<sc_vector_subcore>, window_params = [{transform_indices = #map}, {transform_indices = #map}, {transform_indices = #map}, {transform_indices = #map1}]} {
    %mul3A = arith.constant 640 : i32
    %mul3A_0 = arith.muli %arg1, %mul3A : i32
    %mul3A_1 = arith.constant 640 : i32
    %mul3A_2 = arith.muli %arg1, %mul3A_1 : i32
    "tpu.region"() ({
      %run_scoped3A = tpu.sem_alloc : memref<!tpu.dma_semaphore, #tpu.memory_space<semaphore_mem>>
      %dma_start3A = arith.constant 0 : i32
      %dma_start3A_17 = tpu.memref_slice %arg8[%mul3A_2, %dma_start3A] : memref<10240x8xf32, #tpu.memory_space<vmem_shared>> -> memref<640x8xf32, #tpu.memory_space<vmem_shared>>
      %dma_start3A_18 = arith.constant 0 : i32
      %dma_start3A_19 = tpu.memref_slice %arg3[%mul3A_0, %dma_start3A_18] : memref<10240x8xf32, #tpu.memory_space<hbm>> -> memref<640x8xf32, #tpu.memory_space<hbm>>
      tpu.enqueue_dma source(%dma_start3A_19 : memref<640x8xf32, #tpu.memory_space<hbm>>) target(%dma_start3A_17 : memref<640x8xf32, #tpu.memory_space<vmem_shared>>) target_semaphore(%run_scoped3A : memref<!tpu.dma_semaphore, #tpu.memory_space<semaphore_mem>>)
      %dma_wait3A = arith.constant 0 : i32
      %dma_wait3A_20 = tpu.memref_slice %arg8[%mul3A_2, %dma_wait3A] : memref<10240x8xf32, #tpu.memory_space<vmem_shared>> -> memref<640x8xf32, #tpu.memory_space<vmem_shared>>
      %dma_wait3A_21 = arith.constant 0 : i32
      %dma_wait3A_22 = tpu.memref_slice %arg3[%mul3A_0, %dma_wait3A_21] : memref<10240x8xf32, #tpu.memory_space<hbm>> -> memref<640x8xf32, #tpu.memory_space<hbm>>
      tpu.wait_dma2 semaphore(%run_scoped3A : memref<!tpu.dma_semaphore, #tpu.memory_space<semaphore_mem>>) src(%dma_wait3A_22 : memref<640x8xf32, #tpu.memory_space<hbm>>) dst(%dma_wait3A_20 : memref<640x8xf32, #tpu.memory_space<vmem_shared>>)
      tpu.yield
    }) : () -> ()
    "tpu.region"() ({
      %run_scoped3A = tpu.sem_alloc : memref<!tpu.dma_semaphore, #tpu.memory_space<semaphore_mem>>
      tpu.enqueue_dma source(%arg4 : memref<112x8xf32, #tpu.memory_space<hbm>>) target(%arg7 : memref<112x8xf32, #tpu.memory_space<vmem>>) target_semaphore(%run_scoped3A : memref<!tpu.dma_semaphore, #tpu.memory_space<semaphore_mem>>)
      tpu.wait_dma2 semaphore(%run_scoped3A : memref<!tpu.dma_semaphore, #tpu.memory_space<semaphore_mem>>) src(%arg4 : memref<112x8xf32, #tpu.memory_space<hbm>>) dst(%arg7 : memref<112x8xf32, #tpu.memory_space<vmem>>)
      tpu.yield
    }) : () -> ()
    %mul3A_3 = arith.constant 1440 : i32
    %mul3A_4 = arith.muli %arg0, %mul3A_3 : i32
    %mul3A_5 = arith.constant 90 : i32
    %mul3A_6 = arith.muli %arg1, %mul3A_5 : i32
    %add3A = arith.addi %mul3A_4, %mul3A_6 : i32
    %barrier3A = arith.constant 0 : index
    tpu.barrier barrier_id(%barrier3A)
    %scan3A = arith.constant 0 : i32
    %scan3A_7 = arith.constant 0 : i32
    %scan3A_8 = arith.constant 90 : i32
    %scan3A_9 = arith.addi %scan3A_7, %scan3A_8 : i32
    %scan3A_10 = arith.constant 1 : i32
    scf.for %scan3A_17 = %scan3A_7 to %scan3A_9 step %scan3A_10  : i32 {
      %add3A_18 = arith.addi %add3A, %scan3A_17 : i32
      "tpu.region"() ({
        %run_scoped3A = tpu.sem_alloc : memref<!tpu.dma_semaphore, #tpu.memory_space<semaphore_mem>>
        %dma_start3A = arith.constant 0 : i32
        %dma_start3A_19 = tpu.memref_slice %arg2[%add3A_18, %dma_start3A] : memref<2880x112xi32, #tpu.memory_space<hbm>> -> memref<1x112xi32, #tpu.memory_space<hbm>>
        %dma_start3A_20 = tpu.memref_squeeze %dma_start3A_19 : memref<1x112xi32, #tpu.memory_space<hbm>> -> memref<112xi32, #tpu.memory_space<hbm>>
        %dma_start3A_21 = arith.constant 0 : i32
        %dma_start3A_22 = tpu.memref_slice %arg2[%add3A_18, %dma_start3A_21] : memref<2880x112xi32, #tpu.memory_space<hbm>> -> memref<1x112xi32, #tpu.memory_space<hbm>>
        %dma_start3A_23 = tpu.memref_squeeze %dma_start3A_22 : memref<1x112xi32, #tpu.memory_space<hbm>> -> memref<112xi32, #tpu.memory_space<hbm>>
        tpu.enqueue_dma source(%dma_start3A_23 : memref<112xi32, #tpu.memory_space<hbm>>) target(%arg6 : memref<112xi32, #tpu.memory_space<vmem>>) target_semaphore(%run_scoped3A : memref<!tpu.dma_semaphore, #tpu.memory_space<semaphore_mem>>)
        %dma_wait3A = arith.constant 0 : i32
        %dma_wait3A_24 = tpu.memref_slice %arg2[%add3A_18, %dma_wait3A] : memref<2880x112xi32, #tpu.memory_space<hbm>> -> memref<1x112xi32, #tpu.memory_space<hbm>>
        %dma_wait3A_25 = tpu.memref_squeeze %dma_wait3A_24 : memref<1x112xi32, #tpu.memory_space<hbm>> -> memref<112xi32, #tpu.memory_space<hbm>>
        %dma_wait3A_26 = arith.constant 0 : i32
        %dma_wait3A_27 = tpu.memref_slice %arg2[%add3A_18, %dma_wait3A_26] : memref<2880x112xi32, #tpu.memory_space<hbm>> -> memref<1x112xi32, #tpu.memory_space<hbm>>
        %dma_wait3A_28 = tpu.memref_squeeze %dma_wait3A_27 : memref<1x112xi32, #tpu.memory_space<hbm>> -> memref<112xi32, #tpu.memory_space<hbm>>
        tpu.wait_dma2 semaphore(%run_scoped3A : memref<!tpu.dma_semaphore, #tpu.memory_space<semaphore_mem>>) src(%dma_wait3A_28 : memref<112xi32, #tpu.memory_space<hbm>>) dst(%arg6 : memref<112xi32, #tpu.memory_space<vmem>>)
        tpu.yield
      }) : () -> ()
      "tpu.region"() ({
        %run_scoped3A = tpu.sem_alloc : memref<!tpu.dma_semaphore, #tpu.memory_space<semaphore_mem>>
        %dma_start3A = arith.constant 0 : i32
        %dma_start3A_19 = arith.constant 0 : i32
        %dma_start3A_20 = tpu.memref_slice %arg8[%dma_start3A, %dma_start3A_19] : memref<10240x8xf32, #tpu.memory_space<vmem_shared>> -> memref<10240x8xf32, #tpu.memory_space<vmem_shared>>
        tpu.enqueue_indirect_dma source(%arg7 : memref<112x8xf32, #tpu.memory_space<vmem>>) target(%dma_start3A_20 : memref<10240x8xf32, #tpu.memory_space<vmem_shared>>) offsets(%arg6 : memref<112xi32, #tpu.memory_space<vmem>>) semaphore(%run_scoped3A : memref<!tpu.dma_semaphore, #tpu.memory_space<semaphore_mem>>) {add = true}
        %dma_wait3A = arith.constant 0 : i32
        %dma_wait3A_21 = arith.constant 0 : i32
        %dma_wait3A_22 = tpu.memref_slice %arg8[%dma_wait3A, %dma_wait3A_21] : memref<10240x8xf32, #tpu.memory_space<vmem_shared>> -> memref<10240x8xf32, #tpu.memory_space<vmem_shared>>
        tpu.wait_indirect_dma semaphore(%run_scoped3A : memref<!tpu.dma_semaphore, #tpu.memory_space<semaphore_mem>>) src(%arg7 : memref<112x8xf32, #tpu.memory_space<vmem>>) dst(%dma_wait3A_22 : memref<10240x8xf32, #tpu.memory_space<vmem_shared>>)
        tpu.yield
      }) : () -> ()
    }
    %scan3A_11 = arith.constant 90 : i32
    %barrier3A_12 = arith.constant 0 : index
    tpu.barrier barrier_id(%barrier3A_12)
    %mul3A_13 = arith.constant 640 : i32
    %mul3A_14 = arith.muli %arg1, %mul3A_13 : i32
    %mul3A_15 = arith.constant 640 : i32
    %mul3A_16 = arith.muli %arg1, %mul3A_15 : i32
    "tpu.region"() ({
      %run_scoped3A = tpu.sem_alloc : memref<!tpu.dma_semaphore, #tpu.memory_space<semaphore_mem>>
      %dma_start3A = arith.constant 0 : i32
      %dma_start3A_17 = tpu.memref_slice %arg5[%arg0, %mul3A_16, %dma_start3A] : memref<2x10240x8xf32, #tpu.memory_space<hbm>> -> memref<1x640x8xf32, #tpu.memory_space<hbm>>
      %dma_start3A_18 = tpu.memref_squeeze %dma_start3A_17 : memref<1x640x8xf32, #tpu.memory_space<hbm>> -> memref<640x8xf32, #tpu.memory_space<hbm>>
      %dma_start3A_19 = arith.constant 0 : i32
      %dma_start3A_20 = tpu.memref_slice %arg8[%mul3A_14, %dma_start3A_19] : memref<10240x8xf32, #tpu.memory_space<vmem_shared>> -> memref<640x8xf32, #tpu.memory_space<vmem_shared>>
      tpu.enqueue_dma source(%dma_start3A_20 : memref<640x8xf32, #tpu.memory_space<vmem_shared>>) target(%dma_start3A_18 : memref<640x8xf32, #tpu.memory_space<hbm>>) target_semaphore(%run_scoped3A : memref<!tpu.dma_semaphore, #tpu.memory_space<semaphore_mem>>)
      %dma_wait3A = arith.constant 0 : i32
      %dma_wait3A_21 = tpu.memref_slice %arg5[%arg0, %mul3A_16, %dma_wait3A] : memref<2x10240x8xf32, #tpu.memory_space<hbm>> -> memref<1x640x8xf32, #tpu.memory_space<hbm>>
      %dma_wait3A_22 = tpu.memref_squeeze %dma_wait3A_21 : memref<1x640x8xf32, #tpu.memory_space<hbm>> -> memref<640x8xf32, #tpu.memory_space<hbm>>
      %dma_wait3A_23 = arith.constant 0 : i32
      %dma_wait3A_24 = tpu.memref_slice %arg8[%mul3A_14, %dma_wait3A_23] : memref<10240x8xf32, #tpu.memory_space<vmem_shared>> -> memref<640x8xf32, #tpu.memory_space<vmem_shared>>
      tpu.wait_dma2 semaphore(%run_scoped3A : memref<!tpu.dma_semaphore, #tpu.memory_space<semaphore_mem>>) src(%dma_wait3A_24 : memref<640x8xf32, #tpu.memory_space<vmem_shared>>) dst(%dma_wait3A_22 : memref<640x8xf32, #tpu.memory_space<hbm>>)
      tpu.yield
    }) : () -> ()
    return
  }
}

#map = affine_map<(d0, d1) -> (0, 0)>
#map1 = affine_map<(d0, d1) -> (0, 0, 0)>
module attributes {stable_mosaic.version = 14 : i64} {
  func.func @_sc_agg_col(%arg0: i32, %arg1: i32, %arg2: memref<20000x128xf32, #tpu.memory_space<hbm>>, %arg3: memref<2880x112xi32, #tpu.memory_space<hbm>>, %arg4: memref<2880x112xi32, #tpu.memory_space<hbm>>, %arg5: memref<10240x128xf32, #tpu.memory_space<hbm>>, %arg6: memref<2x10240x128xf32, #tpu.memory_space<hbm>>, %arg7: memref<10x112xi32, #tpu.memory_space<vmem>>, %arg8: memref<10x112xi32, #tpu.memory_space<vmem>>, %arg9: memref<112x128xf32, #tpu.memory_space<vmem>>, %arg10: memref<112x128xf32, #tpu.memory_space<vmem>>, %arg11: memref<112x128xf32, #tpu.memory_space<vmem>>, %arg12: memref<10240x128xf32, #tpu.memory_space<vmem_shared>>, %arg13: memref<!tpu.dma_semaphore, #tpu.memory_space<semaphore_mem>>, %arg14: memref<!tpu.dma_semaphore, #tpu.memory_space<semaphore_mem>>, %arg15: memref<!tpu.dma_semaphore, #tpu.memory_space<semaphore_mem>>, %arg16: memref<!tpu.dma_semaphore, #tpu.memory_space<semaphore_mem>>, %arg17: memref<!tpu.dma_semaphore, #tpu.memory_space<semaphore_mem>>, %arg18: memref<!tpu.dma_semaphore, #tpu.memory_space<semaphore_mem>>) attributes {dimension_semantics = [#tpu.dimension_semantics<core_parallel>, #tpu.dimension_semantics<subcore_parallel>], iteration_bounds = array<i64: 2, 16>, scalar_prefetch = 0 : i64, scratch_operands = 12 : i64, tpu.core_type = #tpu.core_type<sc_vector_subcore>, window_params = [{transform_indices = #map}, {transform_indices = #map}, {transform_indices = #map}, {transform_indices = #map}, {transform_indices = #map1}]} {
    %mul3A = arith.constant 640 : i32
    %mul3A_0 = arith.muli %arg1, %mul3A : i32
    %mul3A_1 = arith.constant 640 : i32
    %mul3A_2 = arith.muli %arg1, %mul3A_1 : i32
    "tpu.region"() ({
      %run_scoped3A = tpu.sem_alloc : memref<!tpu.dma_semaphore, #tpu.memory_space<semaphore_mem>>
      %dma_start3A = arith.constant 0 : i32
      %dma_start3A_15 = tpu.memref_slice %arg12[%mul3A_2, %dma_start3A] : memref<10240x128xf32, #tpu.memory_space<vmem_shared>> -> memref<640x128xf32, #tpu.memory_space<vmem_shared>>
      %dma_start3A_16 = arith.constant 0 : i32
      %dma_start3A_17 = tpu.memref_slice %arg5[%mul3A_0, %dma_start3A_16] : memref<10240x128xf32, #tpu.memory_space<hbm>> -> memref<640x128xf32, #tpu.memory_space<hbm>>
      tpu.enqueue_dma source(%dma_start3A_17 : memref<640x128xf32, #tpu.memory_space<hbm>>) target(%dma_start3A_15 : memref<640x128xf32, #tpu.memory_space<vmem_shared>>) target_semaphore(%run_scoped3A : memref<!tpu.dma_semaphore, #tpu.memory_space<semaphore_mem>>)
      %dma_wait3A = arith.constant 0 : i32
      %dma_wait3A_18 = tpu.memref_slice %arg12[%mul3A_2, %dma_wait3A] : memref<10240x128xf32, #tpu.memory_space<vmem_shared>> -> memref<640x128xf32, #tpu.memory_space<vmem_shared>>
      %dma_wait3A_19 = arith.constant 0 : i32
      %dma_wait3A_20 = tpu.memref_slice %arg5[%mul3A_0, %dma_wait3A_19] : memref<10240x128xf32, #tpu.memory_space<hbm>> -> memref<640x128xf32, #tpu.memory_space<hbm>>
      tpu.wait_dma2 semaphore(%run_scoped3A : memref<!tpu.dma_semaphore, #tpu.memory_space<semaphore_mem>>) src(%dma_wait3A_20 : memref<640x128xf32, #tpu.memory_space<hbm>>) dst(%dma_wait3A_18 : memref<640x128xf32, #tpu.memory_space<vmem_shared>>)
      tpu.yield
    }) : () -> ()
    %mul3A_3 = arith.constant 10000 : i32
    %mul3A_4 = arith.muli %arg0, %mul3A_3 : i32
    %barrier3A = arith.constant 0 : index
    tpu.barrier barrier_id(%barrier3A)
    %scan3A = arith.constant 0 : i32
    %scan3A_5 = arith.constant 0 : i32
    %scan3A_6 = arith.constant 18 : i32
    %scan3A_7 = arith.addi %scan3A_5, %scan3A_6 : i32
    %scan3A_8 = arith.constant 1 : i32
    scf.for %scan3A_15 = %scan3A_5 to %scan3A_7 step %scan3A_8  : i32 {
      %mul3A_16 = arith.constant 180 : i32
      %mul3A_17 = arith.muli %arg1, %mul3A_16 : i32
      %mul3A_18 = arith.constant 10 : i32
      %mul3A_19 = arith.muli %scan3A_15, %mul3A_18 : i32
      %add3A = arith.addi %mul3A_17, %mul3A_19 : i32
      "tpu.region"() ({
        %run_scoped3A = tpu.sem_alloc : memref<!tpu.dma_semaphore, #tpu.memory_space<semaphore_mem>>
        %dma_start3A_70 = arith.constant 0 : i32
        %dma_start3A_71 = tpu.memref_slice %arg3[%add3A, %dma_start3A_70] : memref<2880x112xi32, #tpu.memory_space<hbm>> -> memref<10x112xi32, #tpu.memory_space<hbm>>
        %dma_start3A_72 = arith.constant 0 : i32
        %dma_start3A_73 = tpu.memref_slice %arg3[%add3A, %dma_start3A_72] : memref<2880x112xi32, #tpu.memory_space<hbm>> -> memref<10x112xi32, #tpu.memory_space<hbm>>
        tpu.enqueue_dma source(%dma_start3A_73 : memref<10x112xi32, #tpu.memory_space<hbm>>) target(%arg7 : memref<10x112xi32, #tpu.memory_space<vmem>>) target_semaphore(%run_scoped3A : memref<!tpu.dma_semaphore, #tpu.memory_space<semaphore_mem>>)
        %dma_wait3A_74 = arith.constant 0 : i32
        %dma_wait3A_75 = tpu.memref_slice %arg3[%add3A, %dma_wait3A_74] : memref<2880x112xi32, #tpu.memory_space<hbm>> -> memref<10x112xi32, #tpu.memory_space<hbm>>
        %dma_wait3A_76 = arith.constant 0 : i32
        %dma_wait3A_77 = tpu.memref_slice %arg3[%add3A, %dma_wait3A_76] : memref<2880x112xi32, #tpu.memory_space<hbm>> -> memref<10x112xi32, #tpu.memory_space<hbm>>
        tpu.wait_dma2 semaphore(%run_scoped3A : memref<!tpu.dma_semaphore, #tpu.memory_space<semaphore_mem>>) src(%dma_wait3A_77 : memref<10x112xi32, #tpu.memory_space<hbm>>) dst(%arg7 : memref<10x112xi32, #tpu.memory_space<vmem>>)
        tpu.yield
      }) : () -> ()
      %mul3A_20 = arith.constant 180 : i32
      %mul3A_21 = arith.muli %arg1, %mul3A_20 : i32
      %mul3A_22 = arith.constant 10 : i32
      %mul3A_23 = arith.muli %scan3A_15, %mul3A_22 : i32
      %add3A_24 = arith.addi %mul3A_21, %mul3A_23 : i32
      "tpu.region"() ({
        %run_scoped3A = tpu.sem_alloc : memref<!tpu.dma_semaphore, #tpu.memory_space<semaphore_mem>>
        %dma_start3A_70 = arith.constant 0 : i32
        %dma_start3A_71 = tpu.memref_slice %arg4[%add3A_24, %dma_start3A_70] : memref<2880x112xi32, #tpu.memory_space<hbm>> -> memref<10x112xi32, #tpu.memory_space<hbm>>
        %dma_start3A_72 = arith.constant 0 : i32
        %dma_start3A_73 = tpu.memref_slice %arg4[%add3A_24, %dma_start3A_72] : memref<2880x112xi32, #tpu.memory_space<hbm>> -> memref<10x112xi32, #tpu.memory_space<hbm>>
        tpu.enqueue_dma source(%dma_start3A_73 : memref<10x112xi32, #tpu.memory_space<hbm>>) target(%arg8 : memref<10x112xi32, #tpu.memory_space<vmem>>) target_semaphore(%run_scoped3A : memref<!tpu.dma_semaphore, #tpu.memory_space<semaphore_mem>>)
        %dma_wait3A_74 = arith.constant 0 : i32
        %dma_wait3A_75 = tpu.memref_slice %arg4[%add3A_24, %dma_wait3A_74] : memref<2880x112xi32, #tpu.memory_space<hbm>> -> memref<10x112xi32, #tpu.memory_space<hbm>>
        %dma_wait3A_76 = arith.constant 0 : i32
        %dma_wait3A_77 = tpu.memref_slice %arg4[%add3A_24, %dma_wait3A_76] : memref<2880x112xi32, #tpu.memory_space<hbm>> -> memref<10x112xi32, #tpu.memory_space<hbm>>
        tpu.wait_dma2 semaphore(%run_scoped3A : memref<!tpu.dma_semaphore, #tpu.memory_space<semaphore_mem>>) src(%dma_wait3A_77 : memref<10x112xi32, #tpu.memory_space<hbm>>) dst(%arg8 : memref<10x112xi32, #tpu.memory_space<vmem>>)
        tpu.yield
      }) : () -> ()
      %scan3A_25 = arith.constant 0 : i32
      %scan3A_26 = arith.constant 0 : i32
      %scan3A_27 = arith.constant 70 : i32
      %scan3A_28 = arith.addi %scan3A_26, %scan3A_27 : i32
      %scan3A_29 = arith.constant 1 : i32
      scf.for %scan3A_70 = %scan3A_26 to %scan3A_28 step %scan3A_29  : i32 {
        %jit3A = arith.constant 7 : i32
        %div3A = arith.divsi %scan3A_70, %jit3A : i32
        %sign3A = arith.constant 0 : i32
        %sign3A_71 = arith.cmpi sgt, %scan3A_70, %sign3A : i32
        %sign3A_72 = arith.extui %sign3A_71 : i1 to i32
        %sign3A_73 = arith.constant 0 : i32
        %sign3A_74 = arith.cmpi slt, %scan3A_70, %sign3A_73 : i32
        %sign3A_75 = arith.extui %sign3A_74 : i1 to i32
        %sign3A_76 = arith.subi %sign3A_72, %sign3A_75 : i32
        %sign3A_77 = arith.constant 0 : i32
        %sign3A_78 = arith.cmpi sgt, %jit3A, %sign3A_77 : i32
        %sign3A_79 = arith.extui %sign3A_78 : i1 to i32
        %sign3A_80 = arith.constant 0 : i32
        %sign3A_81 = arith.cmpi slt, %jit3A, %sign3A_80 : i32
        %sign3A_82 = arith.extui %sign3A_81 : i1 to i32
        %sign3A_83 = arith.subi %sign3A_79, %sign3A_82 : i32
        %ne3A = arith.cmpi ne, %sign3A_76, %sign3A_83 : i32
        %rem3A = arith.remsi %scan3A_70, %jit3A : i32
        %ne3A_84 = arith.constant 0 : i32
        %ne3A_85 = arith.cmpi ne, %rem3A, %ne3A_84 : i32
        %and3A = arith.andi %ne3A, %ne3A_85 : i1
        %sub3A = arith.constant 1 : i32
        %sub3A_86 = arith.subi %div3A, %sub3A : i32
        %select_n3A = arith.select %and3A, %sub3A_86, %div3A : i32
        %rem3A_87 = arith.constant 7 : i32
        %rem3A_88 = arith.remsi %scan3A_70, %rem3A_87 : i32
        %mul3A_89 = arith.constant 16 : i32
        %mul3A_90 = arith.muli %rem3A_88, %mul3A_89 : i32
        %get3A = arith.index_cast %select_n3A : i32 to index
        %get3A_91 = arith.index_cast %mul3A_90 : i32 to index
        %get3A_92 = tpu.vector_load %arg7[%get3A, %get3A_91] {strides = array<i32>} : memref<10x112xi32, #tpu.memory_space<vmem>>, vector<1x16xi32>,
        %get3A_93 = vector.shape_cast %get3A_92 : vector<1x16xi32> to vector<16xi32>
        %add3A_94 = vector.broadcast %mul3A_4 : i32 to vector<16xi32>
        %add3A_95 = arith.addi %get3A_93, %add3A_94 : vector<16xi32>
        %swap3A = arith.index_cast %select_n3A : i32 to index
        %swap3A_96 = arith.index_cast %mul3A_90 : i32 to index
        %swap3A_97 = tpu.vector_load %arg7[%swap3A, %swap3A_96] {strides = array<i32>} : memref<10x112xi32, #tpu.memory_space<vmem>>, vector<1x16xi32>,
        %swap3A_98 = vector.shape_cast %swap3A_97 : vector<1x16xi32> to vector<16xi32>
        %swap3A_99 = vector.shape_cast %add3A_95 : vector<16xi32> to vector<1x16xi32>
        tpu.vector_store %arg7[%swap3A, %swap3A_96], %swap3A_99 {strides = array<i32>} : memref<10x112xi32, #tpu.memory_space<vmem>>, vector<1x16xi32>,
      }
      %scan3A_30 = arith.constant 70 : i32
      %dma_start3A = arith.constant 0 : i32
      %dma_start3A_31 = arith.constant 0 : i32
      %dma_start3A_32 = tpu.memref_slice %arg7[%dma_start3A, %dma_start3A_31] : memref<10x112xi32, #tpu.memory_space<vmem>> -> memref<1x112xi32, #tpu.memory_space<vmem>>
      %dma_start3A_33 = tpu.memref_squeeze %dma_start3A_32 : memref<1x112xi32, #tpu.memory_space<vmem>> -> memref<112xi32, #tpu.memory_space<vmem>>
      %dma_start3A_34 = arith.constant 0 : i32
      %dma_start3A_35 = arith.constant 0 : i32
      %dma_start3A_36 = tpu.memref_slice %arg2[%dma_start3A_34, %dma_start3A_35] : memref<20000x128xf32, #tpu.memory_space<hbm>> -> memref<20000x128xf32, #tpu.memory_space<hbm>>
      tpu.enqueue_indirect_dma source(%dma_start3A_36 : memref<20000x128xf32, #tpu.memory_space<hbm>>) target(%arg9 : memref<112x128xf32, #tpu.memory_space<vmem>>) offsets(%dma_start3A_33 : memref<112xi32, #tpu.memory_space<vmem>>) semaphore(%arg13 : memref<!tpu.dma_semaphore, #tpu.memory_space<semaphore_mem>>)
      %dma_start3A_37 = arith.constant 1 : i32
      %dma_start3A_38 = arith.constant 0 : i32
      %dma_start3A_39 = tpu.memref_slice %arg7[%dma_start3A_37, %dma_start3A_38] : memref<10x112xi32, #tpu.memory_space<vmem>> -> memref<1x112xi32, #tpu.memory_space<vmem>>
      %dma_start3A_40 = tpu.memref_squeeze %dma_start3A_39 : memref<1x112xi32, #tpu.memory_space<vmem>> -> memref<112xi32, #tpu.memory_space<vmem>>
      %dma_start3A_41 = arith.constant 0 : i32
      %dma_start3A_42 = arith.constant 0 : i32
      %dma_start3A_43 = tpu.memref_slice %arg2[%dma_start3A_41, %dma_start3A_42] : memref<20000x128xf32, #tpu.memory_space<hbm>> -> memref<20000x128xf32, #tpu.memory_space<hbm>>
      tpu.enqueue_indirect_dma source(%dma_start3A_43 : memref<20000x128xf32, #tpu.memory_space<hbm>>) target(%arg10 : memref<112x128xf32, #tpu.memory_space<vmem>>) offsets(%dma_start3A_40 : memref<112xi32, #tpu.memory_space<vmem>>) semaphore(%arg14 : memref<!tpu.dma_semaphore, #tpu.memory_space<semaphore_mem>>)
      %scan3A_44 = arith.constant 0 : i32
      %scan3A_45 = arith.constant 0 : i32
      %scan3A_46 = arith.constant 10 : i32
      %scan3A_47 = arith.addi %scan3A_45, %scan3A_46 : i32
      %scan3A_48 = arith.constant 1 : i32
      scf.for %scan3A_70 = %scan3A_45 to %scan3A_47 step %scan3A_48  : i32 {
        %rem3A = arith.constant 3 : i32
        %rem3A_71 = arith.remsi %scan3A_70, %rem3A : i32
        %eq3A = arith.constant 0 : i32
        %eq3A_72 = arith.cmpi eq, %rem3A_71, %eq3A : i32
        %convert_element_type3A = arith.extui %eq3A_72 : i1 to i32
        %cond3A = arith.constant 0 : i32
        %cond3A_73 = arith.cmpi ne, %convert_element_type3A, %cond3A : i32
        scf.if %cond3A_73 {
          %dma_wait3A_88 = arith.constant 0 : i32
          %dma_wait3A_89 = tpu.memref_slice %arg7[%scan3A_70, %dma_wait3A_88] : memref<10x112xi32, #tpu.memory_space<vmem>> -> memref<1x112xi32, #tpu.memory_space<vmem>>
          %dma_wait3A_90 = tpu.memref_squeeze %dma_wait3A_89 : memref<1x112xi32, #tpu.memory_space<vmem>> -> memref<112xi32, #tpu.memory_space<vmem>>
          %dma_wait3A_91 = arith.constant 0 : i32
          %dma_wait3A_92 = arith.constant 0 : i32
          %dma_wait3A_93 = tpu.memref_slice %arg2[%dma_wait3A_91, %dma_wait3A_92] : memref<20000x128xf32, #tpu.memory_space<hbm>> -> memref<20000x128xf32, #tpu.memory_space<hbm>>
          tpu.wait_indirect_dma semaphore(%arg13 : memref<!tpu.dma_semaphore, #tpu.memory_space<semaphore_mem>>) src(%dma_wait3A_93 : memref<20000x128xf32, #tpu.memory_space<hbm>>) dst(%arg9 : memref<112x128xf32, #tpu.memory_space<vmem>>)
          %add3A_94 = arith.constant 2 : i32
          %add3A_95 = arith.addi %scan3A_70, %add3A_94 : i32
          %lt3A = arith.constant 10 : i32
          %lt3A_96 = arith.cmpi slt, %add3A_95, %lt3A : i32
          %convert_element_type3A_97 = arith.extui %lt3A_96 : i1 to i32
          %cond3A_98 = arith.constant 0 : i32
          %cond3A_99 = arith.cmpi ne, %convert_element_type3A_97, %cond3A_98 : i32
          scf.if %cond3A_99 {
            %ge3A = arith.constant 1 : i32
            %ge3A_106 = arith.cmpi sge, %scan3A_70, %ge3A : i32
            %convert_element_type3A_107 = arith.extui %ge3A_106 : i1 to i32
            %cond3A_108 = arith.constant 0 : i32
            %cond3A_109 = arith.cmpi ne, %convert_element_type3A_107, %cond3A_108 : i32
            scf.if %cond3A_109 {
              %sub3A = arith.constant 1 : i32
              %sub3A_118 = arith.subi %scan3A_70, %sub3A : i32
              %dma_wait3A_119 = arith.constant 0 : i32
              %dma_wait3A_120 = tpu.memref_slice %arg8[%sub3A_118, %dma_wait3A_119] : memref<10x112xi32, #tpu.memory_space<vmem>> -> memref<1x112xi32, #tpu.memory_space<vmem>>
              %dma_wait3A_121 = tpu.memref_squeeze %dma_wait3A_120 : memref<1x112xi32, #tpu.memory_space<vmem>> -> memref<112xi32, #tpu.memory_space<vmem>>
              %dma_wait3A_122 = arith.constant 0 : i32
              %dma_wait3A_123 = arith.constant 0 : i32
              %dma_wait3A_124 = tpu.memref_slice %arg12[%dma_wait3A_122, %dma_wait3A_123] : memref<10240x128xf32, #tpu.memory_space<vmem_shared>> -> memref<10240x128xf32, #tpu.memory_space<vmem_shared>>
              tpu.wait_indirect_dma semaphore(%arg18 : memref<!tpu.dma_semaphore, #tpu.memory_space<semaphore_mem>>) src(%arg11 : memref<112x128xf32, #tpu.memory_space<vmem>>) dst(%dma_wait3A_124 : memref<10240x128xf32, #tpu.memory_space<vmem_shared>>)
            } else {
            }
            %add3A_110 = arith.constant 2 : i32
            %add3A_111 = arith.addi %scan3A_70, %add3A_110 : i32
            %dma_start3A_112 = arith.constant 0 : i32
            %dma_start3A_113 = tpu.memref_slice %arg7[%add3A_111, %dma_start3A_112] : memref<10x112xi32, #tpu.memory_space<vmem>> -> memref<1x112xi32, #tpu.memory_space<vmem>>
            %dma_start3A_114 = tpu.memref_squeeze %dma_start3A_113 : memref<1x112xi32, #tpu.memory_space<vmem>> -> memref<112xi32, #tpu.memory_space<vmem>>
            %dma_start3A_115 = arith.constant 0 : i32
            %dma_start3A_116 = arith.constant 0 : i32
            %dma_start3A_117 = tpu.memref_slice %arg2[%dma_start3A_115, %dma_start3A_116] : memref<20000x128xf32, #tpu.memory_space<hbm>> -> memref<20000x128xf32, #tpu.memory_space<hbm>>
            tpu.enqueue_indirect_dma source(%dma_start3A_117 : memref<20000x128xf32, #tpu.memory_space<hbm>>) target(%arg11 : memref<112x128xf32, #tpu.memory_space<vmem>>) offsets(%dma_start3A_114 : memref<112xi32, #tpu.memory_space<vmem>>) semaphore(%arg15 : memref<!tpu.dma_semaphore, #tpu.memory_space<semaphore_mem>>)
          } else {
          }
          %dma_start3A_100 = arith.constant 0 : i32
          %dma_start3A_101 = tpu.memref_slice %arg8[%scan3A_70, %dma_start3A_100] : memref<10x112xi32, #tpu.memory_space<vmem>> -> memref<1x112xi32, #tpu.memory_space<vmem>>
          %dma_start3A_102 = tpu.memref_squeeze %dma_start3A_101 : memref<1x112xi32, #tpu.memory_space<vmem>> -> memref<112xi32, #tpu.memory_space<vmem>>
          %dma_start3A_103 = arith.constant 0 : i32
          %dma_start3A_104 = arith.constant 0 : i32
          %dma_start3A_105 = tpu.memref_slice %arg12[%dma_start3A_103, %dma_start3A_104] : memref<10240x128xf32, #tpu.memory_space<vmem_shared>> -> memref<10240x128xf32, #tpu.memory_space<vmem_shared>>
          tpu.enqueue_indirect_dma source(%arg9 : memref<112x128xf32, #tpu.memory_space<vmem>>) target(%dma_start3A_105 : memref<10240x128xf32, #tpu.memory_space<vmem_shared>>) offsets(%dma_start3A_102 : memref<112xi32, #tpu.memory_space<vmem>>) semaphore(%arg16 : memref<!tpu.dma_semaphore, #tpu.memory_space<semaphore_mem>>) {add = true}
        } else {
        }
        %rem3A_74 = arith.constant 3 : i32
        %rem3A_75 = arith.remsi %scan3A_70, %rem3A_74 : i32
        %eq3A_76 = arith.constant 1 : i32
        %eq3A_77 = arith.cmpi eq, %rem3A_75, %eq3A_76 : i32
        %convert_element_type3A_78 = arith.extui %eq3A_77 : i1 to i32
        %cond3A_79 = arith.constant 0 : i32
        %cond3A_80 = arith.cmpi ne, %convert_element_type3A_78, %cond3A_79 : i32
        scf.if %cond3A_80 {
          %dma_wait3A_88 = arith.constant 0 : i32
          %dma_wait3A_89 = tpu.memref_slice %arg7[%scan3A_70, %dma_wait3A_88] : memref<10x112xi32, #tpu.memory_space<vmem>> -> memref<1x112xi32, #tpu.memory_space<vmem>>
          %dma_wait3A_90 = tpu.memref_squeeze %dma_wait3A_89 : memref<1x112xi32, #tpu.memory_space<vmem>> -> memref<112xi32, #tpu.memory_space<vmem>>
          %dma_wait3A_91 = arith.constant 0 : i32
          %dma_wait3A_92 = arith.constant 0 : i32
          %dma_wait3A_93 = tpu.memref_slice %arg2[%dma_wait3A_91, %dma_wait3A_92] : memref<20000x128xf32, #tpu.memory_space<hbm>> -> memref<20000x128xf32, #tpu.memory_space<hbm>>
          tpu.wait_indirect_dma semaphore(%arg14 : memref<!tpu.dma_semaphore, #tpu.memory_space<semaphore_mem>>) src(%dma_wait3A_93 : memref<20000x128xf32, #tpu.memory_space<hbm>>) dst(%arg10 : memref<112x128xf32, #tpu.memory_space<vmem>>)
          %add3A_94 = arith.constant 2 : i32
          %add3A_95 = arith.addi %scan3A_70, %add3A_94 : i32
          %lt3A = arith.constant 10 : i32
          %lt3A_96 = arith.cmpi slt, %add3A_95, %lt3A : i32
          %convert_element_type3A_97 = arith.extui %lt3A_96 : i1 to i32
          %cond3A_98 = arith.constant 0 : i32
          %cond3A_99 = arith.cmpi ne, %convert_element_type3A_97, %cond3A_98 : i32
          scf.if %cond3A_99 {
            %ge3A = arith.constant 1 : i32
            %ge3A_106 = arith.cmpi sge, %scan3A_70, %ge3A : i32
            %convert_element_type3A_107 = arith.extui %ge3A_106 : i1 to i32
            %cond3A_108 = arith.constant 0 : i32
            %cond3A_109 = arith.cmpi ne, %convert_element_type3A_107, %cond3A_108 : i32
            scf.if %cond3A_109 {
              %sub3A = arith.constant 1 : i32
              %sub3A_118 = arith.subi %scan3A_70, %sub3A : i32
              %dma_wait3A_119 = arith.constant 0 : i32
              %dma_wait3A_120 = tpu.memref_slice %arg8[%sub3A_118, %dma_wait3A_119] : memref<10x112xi32, #tpu.memory_space<vmem>> -> memref<1x112xi32, #tpu.memory_space<vmem>>
              %dma_wait3A_121 = tpu.memref_squeeze %dma_wait3A_120 : memref<1x112xi32, #tpu.memory_space<vmem>> -> memref<112xi32, #tpu.memory_space<vmem>>
              %dma_wait3A_122 = arith.constant 0 : i32
              %dma_wait3A_123 = arith.constant 0 : i32
              %dma_wait3A_124 = tpu.memref_slice %arg12[%dma_wait3A_122, %dma_wait3A_123] : memref<10240x128xf32, #tpu.memory_space<vmem_shared>> -> memref<10240x128xf32, #tpu.memory_space<vmem_shared>>
              tpu.wait_indirect_dma semaphore(%arg16 : memref<!tpu.dma_semaphore, #tpu.memory_space<semaphore_mem>>) src(%arg9 : memref<112x128xf32, #tpu.memory_space<vmem>>) dst(%dma_wait3A_124 : memref<10240x128xf32, #tpu.memory_space<vmem_shared>>)
            } else {
            }
            %add3A_110 = arith.constant 2 : i32
            %add3A_111 = arith.addi %scan3A_70, %add3A_110 : i32
            %dma_start3A_112 = arith.constant 0 : i32
            %dma_start3A_113 = tpu.memref_slice %arg7[%add3A_111, %dma_start3A_112] : memref<10x112xi32, #tpu.memory_space<vmem>> -> memref<1x112xi32, #tpu.memory_space<vmem>>
            %dma_start3A_114 = tpu.memref_squeeze %dma_start3A_113 : memref<1x112xi32, #tpu.memory_space<vmem>> -> memref<112xi32, #tpu.memory_space<vmem>>
            %dma_start3A_115 = arith.constant 0 : i32
            %dma_start3A_116 = arith.constant 0 : i32
            %dma_start3A_117 = tpu.memref_slice %arg2[%dma_start3A_115, %dma_start3A_116] : memref<20000x128xf32, #tpu.memory_space<hbm>> -> memref<20000x128xf32, #tpu.memory_space<hbm>>
            tpu.enqueue_indirect_dma source(%dma_start3A_117 : memref<20000x128xf32, #tpu.memory_space<hbm>>) target(%arg9 : memref<112x128xf32, #tpu.memory_space<vmem>>) offsets(%dma_start3A_114 : memref<112xi32, #tpu.memory_space<vmem>>) semaphore(%arg13 : memref<!tpu.dma_semaphore, #tpu.memory_space<semaphore_mem>>)
          } else {
          }
          %dma_start3A_100 = arith.constant 0 : i32
          %dma_start3A_101 = tpu.memref_slice %arg8[%scan3A_70, %dma_start3A_100] : memref<10x112xi32, #tpu.memory_space<vmem>> -> memref<1x112xi32, #tpu.memory_space<vmem>>
          %dma_start3A_102 = tpu.memref_squeeze %dma_start3A_101 : memref<1x112xi32, #tpu.memory_space<vmem>> -> memref<112xi32, #tpu.memory_space<vmem>>
          %dma_start3A_103 = arith.constant 0 : i32
          %dma_start3A_104 = arith.constant 0 : i32
          %dma_start3A_105 = tpu.memref_slice %arg12[%dma_start3A_103, %dma_start3A_104] : memref<10240x128xf32, #tpu.memory_space<vmem_shared>> -> memref<10240x128xf32, #tpu.memory_space<vmem_shared>>
          tpu.enqueue_indirect_dma source(%arg10 : memref<112x128xf32, #tpu.memory_space<vmem>>) target(%dma_start3A_105 : memref<10240x128xf32, #tpu.memory_space<vmem_shared>>) offsets(%dma_start3A_102 : memref<112xi32, #tpu.memory_space<vmem>>) semaphore(%arg17 : memref<!tpu.dma_semaphore, #tpu.memory_space<semaphore_mem>>) {add = true}
        } else {
        }
        %rem3A_81 = arith.constant 3 : i32
        %rem3A_82 = arith.remsi %scan3A_70, %rem3A_81 : i32
        %eq3A_83 = arith.constant 2 : i32
        %eq3A_84 = arith.cmpi eq, %rem3A_82, %eq3A_83 : i32
        %convert_element_type3A_85 = arith.extui %eq3A_84 : i1 to i32
        %cond3A_86 = arith.constant 0 : i32
        %cond3A_87 = arith.cmpi ne, %convert_element_type3A_85, %cond3A_86 : i32
        scf.if %cond3A_87 {
          %dma_wait3A_88 = arith.constant 0 : i32
          %dma_wait3A_89 = tpu.memref_slice %arg7[%scan3A_70, %dma_wait3A_88] : memref<10x112xi32, #tpu.memory_space<vmem>> -> memref<1x112xi32, #tpu.memory_space<vmem>>
          %dma_wait3A_90 = tpu.memref_squeeze %dma_wait3A_89 : memref<1x112xi32, #tpu.memory_space<vmem>> -> memref<112xi32, #tpu.memory_space<vmem>>
          %dma_wait3A_91 = arith.constant 0 : i32
          %dma_wait3A_92 = arith.constant 0 : i32
          %dma_wait3A_93 = tpu.memref_slice %arg2[%dma_wait3A_91, %dma_wait3A_92] : memref<20000x128xf32, #tpu.memory_space<hbm>> -> memref<20000x128xf32, #tpu.memory_space<hbm>>
          tpu.wait_indirect_dma semaphore(%arg15 : memref<!tpu.dma_semaphore, #tpu.memory_space<semaphore_mem>>) src(%dma_wait3A_93 : memref<20000x128xf32, #tpu.memory_space<hbm>>) dst(%arg11 : memref<112x128xf32, #tpu.memory_space<vmem>>)
          %add3A_94 = arith.constant 2 : i32
          %add3A_95 = arith.addi %scan3A_70, %add3A_94 : i32
          %lt3A = arith.constant 10 : i32
          %lt3A_96 = arith.cmpi slt, %add3A_95, %lt3A : i32
          %convert_element_type3A_97 = arith.extui %lt3A_96 : i1 to i32
          %cond3A_98 = arith.constant 0 : i32
          %cond3A_99 = arith.cmpi ne, %convert_element_type3A_97, %cond3A_98 : i32
          scf.if %cond3A_99 {
            %ge3A = arith.constant 1 : i32
            %ge3A_106 = arith.cmpi sge, %scan3A_70, %ge3A : i32
            %convert_element_type3A_107 = arith.extui %ge3A_106 : i1 to i32
            %cond3A_108 = arith.constant 0 : i32
            %cond3A_109 = arith.cmpi ne, %convert_element_type3A_107, %cond3A_108 : i32
            scf.if %cond3A_109 {
              %sub3A = arith.constant 1 : i32
              %sub3A_118 = arith.subi %scan3A_70, %sub3A : i32
              %dma_wait3A_119 = arith.constant 0 : i32
              %dma_wait3A_120 = tpu.memref_slice %arg8[%sub3A_118, %dma_wait3A_119] : memref<10x112xi32, #tpu.memory_space<vmem>> -> memref<1x112xi32, #tpu.memory_space<vmem>>
              %dma_wait3A_121 = tpu.memref_squeeze %dma_wait3A_120 : memref<1x112xi32, #tpu.memory_space<vmem>> -> memref<112xi32, #tpu.memory_space<vmem>>
              %dma_wait3A_122 = arith.constant 0 : i32
              %dma_wait3A_123 = arith.constant 0 : i32
              %dma_wait3A_124 = tpu.memref_slice %arg12[%dma_wait3A_122, %dma_wait3A_123] : memref<10240x128xf32, #tpu.memory_space<vmem_shared>> -> memref<10240x128xf32, #tpu.memory_space<vmem_shared>>
              tpu.wait_indirect_dma semaphore(%arg17 : memref<!tpu.dma_semaphore, #tpu.memory_space<semaphore_mem>>) src(%arg10 : memref<112x128xf32, #tpu.memory_space<vmem>>) dst(%dma_wait3A_124 : memref<10240x128xf32, #tpu.memory_space<vmem_shared>>)
            } else {
            }
            %add3A_110 = arith.constant 2 : i32
            %add3A_111 = arith.addi %scan3A_70, %add3A_110 : i32
            %dma_start3A_112 = arith.constant 0 : i32
            %dma_start3A_113 = tpu.memref_slice %arg7[%add3A_111, %dma_start3A_112] : memref<10x112xi32, #tpu.memory_space<vmem>> -> memref<1x112xi32, #tpu.memory_space<vmem>>
            %dma_start3A_114 = tpu.memref_squeeze %dma_start3A_113 : memref<1x112xi32, #tpu.memory_space<vmem>> -> memref<112xi32, #tpu.memory_space<vmem>>
            %dma_start3A_115 = arith.constant 0 : i32
            %dma_start3A_116 = arith.constant 0 : i32
            %dma_start3A_117 = tpu.memref_slice %arg2[%dma_start3A_115, %dma_start3A_116] : memref<20000x128xf32, #tpu.memory_space<hbm>> -> memref<20000x128xf32, #tpu.memory_space<hbm>>
            tpu.enqueue_indirect_dma source(%dma_start3A_117 : memref<20000x128xf32, #tpu.memory_space<hbm>>) target(%arg10 : memref<112x128xf32, #tpu.memory_space<vmem>>) offsets(%dma_start3A_114 : memref<112xi32, #tpu.memory_space<vmem>>) semaphore(%arg14 : memref<!tpu.dma_semaphore, #tpu.memory_space<semaphore_mem>>)
          } else {
          }
          %dma_start3A_100 = arith.constant 0 : i32
          %dma_start3A_101 = tpu.memref_slice %arg8[%scan3A_70, %dma_start3A_100] : memref<10x112xi32, #tpu.memory_space<vmem>> -> memref<1x112xi32, #tpu.memory_space<vmem>>
          %dma_start3A_102 = tpu.memref_squeeze %dma_start3A_101 : memref<1x112xi32, #tpu.memory_space<vmem>> -> memref<112xi32, #tpu.memory_space<vmem>>
          %dma_start3A_103 = arith.constant 0 : i32
          %dma_start3A_104 = arith.constant 0 : i32
          %dma_start3A_105 = tpu.memref_slice %arg12[%dma_start3A_103, %dma_start3A_104] : memref<10240x128xf32, #tpu.memory_space<vmem_shared>> -> memref<10240x128xf32, #tpu.memory_space<vmem_shared>>
          tpu.enqueue_indirect_dma source(%arg11 : memref<112x128xf32, #tpu.memory_space<vmem>>) target(%dma_start3A_105 : memref<10240x128xf32, #tpu.memory_space<vmem_shared>>) offsets(%dma_start3A_102 : memref<112xi32, #tpu.memory_space<vmem>>) semaphore(%arg18 : memref<!tpu.dma_semaphore, #tpu.memory_space<semaphore_mem>>) {add = true}
        } else {
        }
      }
      %scan3A_49 = arith.constant 10 : i32
      %dma_wait3A = arith.constant 7 : i32
      %dma_wait3A_50 = arith.constant 0 : i32
      %dma_wait3A_51 = tpu.memref_slice %arg8[%dma_wait3A, %dma_wait3A_50] : memref<10x112xi32, #tpu.memory_space<vmem>> -> memref<1x112xi32, #tpu.memory_space<vmem>>
      %dma_wait3A_52 = tpu.memref_squeeze %dma_wait3A_51 : memref<1x112xi32, #tpu.memory_space<vmem>> -> memref<112xi32, #tpu.memory_space<vmem>>
      %dma_wait3A_53 = arith.constant 0 : i32
      %dma_wait3A_54 = arith.constant 0 : i32
      %dma_wait3A_55 = tpu.memref_slice %arg12[%dma_wait3A_53, %dma_wait3A_54] : memref<10240x128xf32, #tpu.memory_space<vmem_shared>> -> memref<10240x128xf32, #tpu.memory_space<vmem_shared>>
      tpu.wait_indirect_dma semaphore(%arg17 : memref<!tpu.dma_semaphore, #tpu.memory_space<semaphore_mem>>) src(%arg10 : memref<112x128xf32, #tpu.memory_space<vmem>>) dst(%dma_wait3A_55 : memref<10240x128xf32, #tpu.memory_space<vmem_shared>>)
      %dma_wait3A_56 = arith.constant 8 : i32
      %dma_wait3A_57 = arith.constant 0 : i32
      %dma_wait3A_58 = tpu.memref_slice %arg8[%dma_wait3A_56, %dma_wait3A_57] : memref<10x112xi32, #tpu.memory_space<vmem>> -> memref<1x112xi32, #tpu.memory_space<vmem>>
      %dma_wait3A_59 = tpu.memref_squeeze %dma_wait3A_58 : memref<1x112xi32, #tpu.memory_space<vmem>> -> memref<112xi32, #tpu.memory_space<vmem>>
      %dma_wait3A_60 = arith.constant 0 : i32
      %dma_wait3A_61 = arith.constant 0 : i32
      %dma_wait3A_62 = tpu.memref_slice %arg12[%dma_wait3A_60, %dma_wait3A_61] : memref<10240x128xf32, #tpu.memory_space<vmem_shared>> -> memref<10240x128xf32, #tpu.memory_space<vmem_shared>>
      tpu.wait_indirect_dma semaphore(%arg18 : memref<!tpu.dma_semaphore, #tpu.memory_space<semaphore_mem>>) src(%arg11 : memref<112x128xf32, #tpu.memory_space<vmem>>) dst(%dma_wait3A_62 : memref<10240x128xf32, #tpu.memory_space<vmem_shared>>)
      %dma_wait3A_63 = arith.constant 9 : i32
      %dma_wait3A_64 = arith.constant 0 : i32
      %dma_wait3A_65 = tpu.memref_slice %arg8[%dma_wait3A_63, %dma_wait3A_64] : memref<10x112xi32, #tpu.memory_space<vmem>> -> memref<1x112xi32, #tpu.memory_space<vmem>>
      %dma_wait3A_66 = tpu.memref_squeeze %dma_wait3A_65 : memref<1x112xi32, #tpu.memory_space<vmem>> -> memref<112xi32, #tpu.memory_space<vmem>>
      %dma_wait3A_67 = arith.constant 0 : i32
      %dma_wait3A_68 = arith.constant 0 : i32
      %dma_wait3A_69 = tpu.memref_slice %arg12[%dma_wait3A_67, %dma_wait3A_68] : memref<10240x128xf32, #tpu.memory_space<vmem_shared>> -> memref<10240x128xf32, #tpu.memory_space<vmem_shared>>
      tpu.wait_indirect_dma semaphore(%arg16 : memref<!tpu.dma_semaphore, #tpu.memory_space<semaphore_mem>>) src(%arg9 : memref<112x128xf32, #tpu.memory_space<vmem>>) dst(%dma_wait3A_69 : memref<10240x128xf32, #tpu.memory_space<vmem_shared>>)
    }
    %scan3A_9 = arith.constant 18 : i32
    %barrier3A_10 = arith.constant 0 : index
    tpu.barrier barrier_id(%barrier3A_10)
    %mul3A_11 = arith.constant 640 : i32
    %mul3A_12 = arith.muli %arg1, %mul3A_11 : i32
    %mul3A_13 = arith.constant 640 : i32
    %mul3A_14 = arith.muli %arg1, %mul3A_13 : i32
    "tpu.region"() ({
      %run_scoped3A = tpu.sem_alloc : memref<!tpu.dma_semaphore, #tpu.memory_space<semaphore_mem>>
      %dma_start3A = arith.constant 0 : i32
      %dma_start3A_15 = tpu.memref_slice %arg6[%arg0, %mul3A_14, %dma_start3A] : memref<2x10240x128xf32, #tpu.memory_space<hbm>> -> memref<1x640x128xf32, #tpu.memory_space<hbm>>
      %dma_start3A_16 = tpu.memref_squeeze %dma_start3A_15 : memref<1x640x128xf32, #tpu.memory_space<hbm>> -> memref<640x128xf32, #tpu.memory_space<hbm>>
      %dma_start3A_17 = arith.constant 0 : i32
      %dma_start3A_18 = tpu.memref_slice %arg12[%mul3A_12, %dma_start3A_17] : memref<10240x128xf32, #tpu.memory_space<vmem_shared>> -> memref<640x128xf32, #tpu.memory_space<vmem_shared>>
      tpu.enqueue_dma source(%dma_start3A_18 : memref<640x128xf32, #tpu.memory_space<vmem_shared>>) target(%dma_start3A_16 : memref<640x128xf32, #tpu.memory_space<hbm>>) target_semaphore(%run_scoped3A : memref<!tpu.dma_semaphore, #tpu.memory_space<semaphore_mem>>)
      %dma_wait3A = arith.constant 0 : i32
      %dma_wait3A_19 = tpu.memref_slice %arg6[%arg0, %mul3A_14, %dma_wait3A] : memref<2x10240x128xf32, #tpu.memory_space<hbm>> -> memref<1x640x128xf32, #tpu.memory_space<hbm>>
      %dma_wait3A_20 = tpu.memref_squeeze %dma_wait3A_19 : memref<1x640x128xf32, #tpu.memory_space<hbm>> -> memref<640x128xf32, #tpu.memory_space<hbm>>
      %dma_wait3A_21 = arith.constant 0 : i32
      %dma_wait3A_22 = tpu.memref_slice %arg12[%mul3A_12, %dma_wait3A_21] : memref<10240x128xf32, #tpu.memory_space<vmem_shared>> -> memref<640x128xf32, #tpu.memory_space<vmem_shared>>
      tpu.wait_dma2 semaphore(%run_scoped3A : memref<!tpu.dma_semaphore, #tpu.memory_space<semaphore_mem>>) src(%dma_wait3A_22 : memref<640x128xf32, #tpu.memory_space<vmem_shared>>) dst(%dma_wait3A_20 : memref<640x128xf32, #tpu.memory_space<hbm>>)
      tpu.yield
    }) : () -> ()
    return
  }
}

#map = affine_map<(d0, d1) -> (0, 0)>
#map1 = affine_map<(d0, d1) -> (0, 0, 0)>
module attributes {stable_mosaic.version = 14 : i64} {
  func.func @agg(%arg0: i32, %arg1: i32, %arg2: memref<10000x40xf32, #tpu.memory_space<hbm>>, %arg3: memref<2880x112xi32, #tpu.memory_space<hbm>>, %arg4: memref<2880x112xi32, #tpu.memory_space<hbm>>, %arg5: memref<10240x40xf32, #tpu.memory_space<hbm>>, %arg6: memref<2x10240x40xf32, #tpu.memory_space<hbm>>, %arg7: memref<10x112xi32, #tpu.memory_space<vmem>>, %arg8: memref<10x112xi32, #tpu.memory_space<vmem>>, %arg9: memref<112x40xf32, #tpu.memory_space<vmem>>, %arg10: memref<112x40xf32, #tpu.memory_space<vmem>>, %arg11: memref<112x40xf32, #tpu.memory_space<vmem>>, %arg12: memref<10240x40xf32, #tpu.memory_space<vmem_shared>>, %arg13: memref<!tpu.dma_semaphore, #tpu.memory_space<semaphore_mem>>, %arg14: memref<!tpu.dma_semaphore, #tpu.memory_space<semaphore_mem>>, %arg15: memref<!tpu.dma_semaphore, #tpu.memory_space<semaphore_mem>>, %arg16: memref<!tpu.dma_semaphore, #tpu.memory_space<semaphore_mem>>, %arg17: memref<!tpu.dma_semaphore, #tpu.memory_space<semaphore_mem>>, %arg18: memref<!tpu.dma_semaphore, #tpu.memory_space<semaphore_mem>>) attributes {dimension_semantics = [#tpu.dimension_semantics<core_parallel>, #tpu.dimension_semantics<subcore_parallel>], iteration_bounds = array<i64: 2, 16>, scalar_prefetch = 0 : i64, scratch_operands = 12 : i64, tpu.core_type = #tpu.core_type<sc_vector_subcore>, window_params = [{transform_indices = #map}, {transform_indices = #map}, {transform_indices = #map}, {transform_indices = #map}, {transform_indices = #map1}]} {
    %mul3A = arith.constant 640 : i32
    %mul3A_0 = arith.muli %arg1, %mul3A : i32
    %mul3A_1 = arith.constant 640 : i32
    %mul3A_2 = arith.muli %arg1, %mul3A_1 : i32
    "tpu.region"() ({
      %run_scoped3A = tpu.sem_alloc : memref<!tpu.dma_semaphore, #tpu.memory_space<semaphore_mem>>
      %dma_start3A = arith.constant 0 : i32
      %dma_start3A_17 = tpu.memref_slice %arg12[%mul3A_2, %dma_start3A] : memref<10240x40xf32, #tpu.memory_space<vmem_shared>> -> memref<640x40xf32, #tpu.memory_space<vmem_shared>>
      %dma_start3A_18 = arith.constant 0 : i32
      %dma_start3A_19 = tpu.memref_slice %arg5[%mul3A_0, %dma_start3A_18] : memref<10240x40xf32, #tpu.memory_space<hbm>> -> memref<640x40xf32, #tpu.memory_space<hbm>>
      tpu.enqueue_dma source(%dma_start3A_19 : memref<640x40xf32, #tpu.memory_space<hbm>>) target(%dma_start3A_17 : memref<640x40xf32, #tpu.memory_space<vmem_shared>>) target_semaphore(%run_scoped3A : memref<!tpu.dma_semaphore, #tpu.memory_space<semaphore_mem>>)
      %dma_wait3A = arith.constant 0 : i32
      %dma_wait3A_20 = tpu.memref_slice %arg12[%mul3A_2, %dma_wait3A] : memref<10240x40xf32, #tpu.memory_space<vmem_shared>> -> memref<640x40xf32, #tpu.memory_space<vmem_shared>>
      %dma_wait3A_21 = arith.constant 0 : i32
      %dma_wait3A_22 = tpu.memref_slice %arg5[%mul3A_0, %dma_wait3A_21] : memref<10240x40xf32, #tpu.memory_space<hbm>> -> memref<640x40xf32, #tpu.memory_space<hbm>>
      tpu.wait_dma2 semaphore(%run_scoped3A : memref<!tpu.dma_semaphore, #tpu.memory_space<semaphore_mem>>) src(%dma_wait3A_22 : memref<640x40xf32, #tpu.memory_space<hbm>>) dst(%dma_wait3A_20 : memref<640x40xf32, #tpu.memory_space<vmem_shared>>)
      tpu.yield
    }) : () -> ()
    %mul3A_3 = arith.constant 1440 : i32
    %mul3A_4 = arith.muli %arg0, %mul3A_3 : i32
    %mul3A_5 = arith.constant 90 : i32
    %mul3A_6 = arith.muli %arg1, %mul3A_5 : i32
    %add3A = arith.addi %mul3A_4, %mul3A_6 : i32
    %barrier3A = arith.constant 0 : index
    tpu.barrier barrier_id(%barrier3A)
    %scan3A = arith.constant 0 : i32
    %scan3A_7 = arith.constant 0 : i32
    %scan3A_8 = arith.constant 9 : i32
    %scan3A_9 = arith.addi %scan3A_7, %scan3A_8 : i32
    %scan3A_10 = arith.constant 1 : i32
    scf.for %scan3A_17 = %scan3A_7 to %scan3A_9 step %scan3A_10  : i32 {
      %mul3A_18 = arith.constant 10 : i32
      %mul3A_19 = arith.muli %scan3A_17, %mul3A_18 : i32
      %add3A_20 = arith.addi %add3A, %mul3A_19 : i32
      "tpu.region"() ({
        %run_scoped3A = tpu.sem_alloc : memref<!tpu.dma_semaphore, #tpu.memory_space<semaphore_mem>>
        %dma_start3A_63 = arith.constant 0 : i32
        %dma_start3A_64 = tpu.memref_slice %arg3[%add3A_20, %dma_start3A_63] : memref<2880x112xi32, #tpu.memory_space<hbm>> -> memref<10x112xi32, #tpu.memory_space<hbm>>
        %dma_start3A_65 = arith.constant 0 : i32
        %dma_start3A_66 = tpu.memref_slice %arg3[%add3A_20, %dma_start3A_65] : memref<2880x112xi32, #tpu.memory_space<hbm>> -> memref<10x112xi32, #tpu.memory_space<hbm>>
        tpu.enqueue_dma source(%dma_start3A_66 : memref<10x112xi32, #tpu.memory_space<hbm>>) target(%arg7 : memref<10x112xi32, #tpu.memory_space<vmem>>) target_semaphore(%run_scoped3A : memref<!tpu.dma_semaphore, #tpu.memory_space<semaphore_mem>>)
        %dma_wait3A_67 = arith.constant 0 : i32
        %dma_wait3A_68 = tpu.memref_slice %arg3[%add3A_20, %dma_wait3A_67] : memref<2880x112xi32, #tpu.memory_space<hbm>> -> memref<10x112xi32, #tpu.memory_space<hbm>>
        %dma_wait3A_69 = arith.constant 0 : i32
        %dma_wait3A_70 = tpu.memref_slice %arg3[%add3A_20, %dma_wait3A_69] : memref<2880x112xi32, #tpu.memory_space<hbm>> -> memref<10x112xi32, #tpu.memory_space<hbm>>
        tpu.wait_dma2 semaphore(%run_scoped3A : memref<!tpu.dma_semaphore, #tpu.memory_space<semaphore_mem>>) src(%dma_wait3A_70 : memref<10x112xi32, #tpu.memory_space<hbm>>) dst(%arg7 : memref<10x112xi32, #tpu.memory_space<vmem>>)
        tpu.yield
      }) : () -> ()
      %mul3A_21 = arith.constant 10 : i32
      %mul3A_22 = arith.muli %scan3A_17, %mul3A_21 : i32
      %add3A_23 = arith.addi %add3A, %mul3A_22 : i32
      "tpu.region"() ({
        %run_scoped3A = tpu.sem_alloc : memref<!tpu.dma_semaphore, #tpu.memory_space<semaphore_mem>>
        %dma_start3A_63 = arith.constant 0 : i32
        %dma_start3A_64 = tpu.memref_slice %arg4[%add3A_23, %dma_start3A_63] : memref<2880x112xi32, #tpu.memory_space<hbm>> -> memref<10x112xi32, #tpu.memory_space<hbm>>
        %dma_start3A_65 = arith.constant 0 : i32
        %dma_start3A_66 = tpu.memref_slice %arg4[%add3A_23, %dma_start3A_65] : memref<2880x112xi32, #tpu.memory_space<hbm>> -> memref<10x112xi32, #tpu.memory_space<hbm>>
        tpu.enqueue_dma source(%dma_start3A_66 : memref<10x112xi32, #tpu.memory_space<hbm>>) target(%arg8 : memref<10x112xi32, #tpu.memory_space<vmem>>) target_semaphore(%run_scoped3A : memref<!tpu.dma_semaphore, #tpu.memory_space<semaphore_mem>>)
        %dma_wait3A_67 = arith.constant 0 : i32
        %dma_wait3A_68 = tpu.memref_slice %arg4[%add3A_23, %dma_wait3A_67] : memref<2880x112xi32, #tpu.memory_space<hbm>> -> memref<10x112xi32, #tpu.memory_space<hbm>>
        %dma_wait3A_69 = arith.constant 0 : i32
        %dma_wait3A_70 = tpu.memref_slice %arg4[%add3A_23, %dma_wait3A_69] : memref<2880x112xi32, #tpu.memory_space<hbm>> -> memref<10x112xi32, #tpu.memory_space<hbm>>
        tpu.wait_dma2 semaphore(%run_scoped3A : memref<!tpu.dma_semaphore, #tpu.memory_space<semaphore_mem>>) src(%dma_wait3A_70 : memref<10x112xi32, #tpu.memory_space<hbm>>) dst(%arg8 : memref<10x112xi32, #tpu.memory_space<vmem>>)
        tpu.yield
      }) : () -> ()
      %dma_start3A = arith.constant 0 : i32
      %dma_start3A_24 = arith.constant 0 : i32
      %dma_start3A_25 = tpu.memref_slice %arg7[%dma_start3A, %dma_start3A_24] : memref<10x112xi32, #tpu.memory_space<vmem>> -> memref<1x112xi32, #tpu.memory_space<vmem>>
      %dma_start3A_26 = tpu.memref_squeeze %dma_start3A_25 : memref<1x112xi32, #tpu.memory_space<vmem>> -> memref<112xi32, #tpu.memory_space<vmem>>
      %dma_start3A_27 = arith.constant 0 : i32
      %dma_start3A_28 = arith.constant 0 : i32
      %dma_start3A_29 = tpu.memref_slice %arg2[%dma_start3A_27, %dma_start3A_28] : memref<10000x40xf32, #tpu.memory_space<hbm>> -> memref<10000x40xf32, #tpu.memory_space<hbm>>
      tpu.enqueue_indirect_dma source(%dma_start3A_29 : memref<10000x40xf32, #tpu.memory_space<hbm>>) target(%arg9 : memref<112x40xf32, #tpu.memory_space<vmem>>) offsets(%dma_start3A_26 : memref<112xi32, #tpu.memory_space<vmem>>) semaphore(%arg13 : memref<!tpu.dma_semaphore, #tpu.memory_space<semaphore_mem>>)
      %dma_start3A_30 = arith.constant 1 : i32
      %dma_start3A_31 = arith.constant 0 : i32
      %dma_start3A_32 = tpu.memref_slice %arg7[%dma_start3A_30, %dma_start3A_31] : memref<10x112xi32, #tpu.memory_space<vmem>> -> memref<1x112xi32, #tpu.memory_space<vmem>>
      %dma_start3A_33 = tpu.memref_squeeze %dma_start3A_32 : memref<1x112xi32, #tpu.memory_space<vmem>> -> memref<112xi32, #tpu.memory_space<vmem>>
      %dma_start3A_34 = arith.constant 0 : i32
      %dma_start3A_35 = arith.constant 0 : i32
      %dma_start3A_36 = tpu.memref_slice %arg2[%dma_start3A_34, %dma_start3A_35] : memref<10000x40xf32, #tpu.memory_space<hbm>> -> memref<10000x40xf32, #tpu.memory_space<hbm>>
      tpu.enqueue_indirect_dma source(%dma_start3A_36 : memref<10000x40xf32, #tpu.memory_space<hbm>>) target(%arg10 : memref<112x40xf32, #tpu.memory_space<vmem>>) offsets(%dma_start3A_33 : memref<112xi32, #tpu.memory_space<vmem>>) semaphore(%arg14 : memref<!tpu.dma_semaphore, #tpu.memory_space<semaphore_mem>>)
      %scan3A_37 = arith.constant 0 : i32
      %scan3A_38 = arith.constant 0 : i32
      %scan3A_39 = arith.constant 10 : i32
      %scan3A_40 = arith.addi %scan3A_38, %scan3A_39 : i32
      %scan3A_41 = arith.constant 1 : i32
      scf.for %scan3A_63 = %scan3A_38 to %scan3A_40 step %scan3A_41  : i32 {
        %rem3A = arith.constant 3 : i32
        %rem3A_64 = arith.remsi %scan3A_63, %rem3A : i32
        %eq3A = arith.constant 0 : i32
        %eq3A_65 = arith.cmpi eq, %rem3A_64, %eq3A : i32
        %convert_element_type3A = arith.extui %eq3A_65 : i1 to i32
        %cond3A = arith.constant 0 : i32
        %cond3A_66 = arith.cmpi ne, %convert_element_type3A, %cond3A : i32
        scf.if %cond3A_66 {
          %dma_wait3A_81 = arith.constant 0 : i32
          %dma_wait3A_82 = tpu.memref_slice %arg7[%scan3A_63, %dma_wait3A_81] : memref<10x112xi32, #tpu.memory_space<vmem>> -> memref<1x112xi32, #tpu.memory_space<vmem>>
          %dma_wait3A_83 = tpu.memref_squeeze %dma_wait3A_82 : memref<1x112xi32, #tpu.memory_space<vmem>> -> memref<112xi32, #tpu.memory_space<vmem>>
          %dma_wait3A_84 = arith.constant 0 : i32
          %dma_wait3A_85 = arith.constant 0 : i32
          %dma_wait3A_86 = tpu.memref_slice %arg2[%dma_wait3A_84, %dma_wait3A_85] : memref<10000x40xf32, #tpu.memory_space<hbm>> -> memref<10000x40xf32, #tpu.memory_space<hbm>>
          tpu.wait_indirect_dma semaphore(%arg13 : memref<!tpu.dma_semaphore, #tpu.memory_space<semaphore_mem>>) src(%dma_wait3A_86 : memref<10000x40xf32, #tpu.memory_space<hbm>>) dst(%arg9 : memref<112x40xf32, #tpu.memory_space<vmem>>)
          %add3A_87 = arith.constant 2 : i32
          %add3A_88 = arith.addi %scan3A_63, %add3A_87 : i32
          %lt3A = arith.constant 10 : i32
          %lt3A_89 = arith.cmpi slt, %add3A_88, %lt3A : i32
          %convert_element_type3A_90 = arith.extui %lt3A_89 : i1 to i32
          %cond3A_91 = arith.constant 0 : i32
          %cond3A_92 = arith.cmpi ne, %convert_element_type3A_90, %cond3A_91 : i32
          scf.if %cond3A_92 {
            %ge3A = arith.constant 1 : i32
            %ge3A_99 = arith.cmpi sge, %scan3A_63, %ge3A : i32
            %convert_element_type3A_100 = arith.extui %ge3A_99 : i1 to i32
            %cond3A_101 = arith.constant 0 : i32
            %cond3A_102 = arith.cmpi ne, %convert_element_type3A_100, %cond3A_101 : i32
            scf.if %cond3A_102 {
              %sub3A = arith.constant 1 : i32
              %sub3A_111 = arith.subi %scan3A_63, %sub3A : i32
              %dma_wait3A_112 = arith.constant 0 : i32
              %dma_wait3A_113 = tpu.memref_slice %arg8[%sub3A_111, %dma_wait3A_112] : memref<10x112xi32, #tpu.memory_space<vmem>> -> memref<1x112xi32, #tpu.memory_space<vmem>>
              %dma_wait3A_114 = tpu.memref_squeeze %dma_wait3A_113 : memref<1x112xi32, #tpu.memory_space<vmem>> -> memref<112xi32, #tpu.memory_space<vmem>>
              %dma_wait3A_115 = arith.constant 0 : i32
              %dma_wait3A_116 = arith.constant 0 : i32
              %dma_wait3A_117 = tpu.memref_slice %arg12[%dma_wait3A_115, %dma_wait3A_116] : memref<10240x40xf32, #tpu.memory_space<vmem_shared>> -> memref<10240x40xf32, #tpu.memory_space<vmem_shared>>
              tpu.wait_indirect_dma semaphore(%arg18 : memref<!tpu.dma_semaphore, #tpu.memory_space<semaphore_mem>>) src(%arg11 : memref<112x40xf32, #tpu.memory_space<vmem>>) dst(%dma_wait3A_117 : memref<10240x40xf32, #tpu.memory_space<vmem_shared>>)
            } else {
            }
            %add3A_103 = arith.constant 2 : i32
            %add3A_104 = arith.addi %scan3A_63, %add3A_103 : i32
            %dma_start3A_105 = arith.constant 0 : i32
            %dma_start3A_106 = tpu.memref_slice %arg7[%add3A_104, %dma_start3A_105] : memref<10x112xi32, #tpu.memory_space<vmem>> -> memref<1x112xi32, #tpu.memory_space<vmem>>
            %dma_start3A_107 = tpu.memref_squeeze %dma_start3A_106 : memref<1x112xi32, #tpu.memory_space<vmem>> -> memref<112xi32, #tpu.memory_space<vmem>>
            %dma_start3A_108 = arith.constant 0 : i32
            %dma_start3A_109 = arith.constant 0 : i32
            %dma_start3A_110 = tpu.memref_slice %arg2[%dma_start3A_108, %dma_start3A_109] : memref<10000x40xf32, #tpu.memory_space<hbm>> -> memref<10000x40xf32, #tpu.memory_space<hbm>>
            tpu.enqueue_indirect_dma source(%dma_start3A_110 : memref<10000x40xf32, #tpu.memory_space<hbm>>) target(%arg11 : memref<112x40xf32, #tpu.memory_space<vmem>>) offsets(%dma_start3A_107 : memref<112xi32, #tpu.memory_space<vmem>>) semaphore(%arg15 : memref<!tpu.dma_semaphore, #tpu.memory_space<semaphore_mem>>)
          } else {
          }
          %dma_start3A_93 = arith.constant 0 : i32
          %dma_start3A_94 = tpu.memref_slice %arg8[%scan3A_63, %dma_start3A_93] : memref<10x112xi32, #tpu.memory_space<vmem>> -> memref<1x112xi32, #tpu.memory_space<vmem>>
          %dma_start3A_95 = tpu.memref_squeeze %dma_start3A_94 : memref<1x112xi32, #tpu.memory_space<vmem>> -> memref<112xi32, #tpu.memory_space<vmem>>
          %dma_start3A_96 = arith.constant 0 : i32
          %dma_start3A_97 = arith.constant 0 : i32
          %dma_start3A_98 = tpu.memref_slice %arg12[%dma_start3A_96, %dma_start3A_97] : memref<10240x40xf32, #tpu.memory_space<vmem_shared>> -> memref<10240x40xf32, #tpu.memory_space<vmem_shared>>
          tpu.enqueue_indirect_dma source(%arg9 : memref<112x40xf32, #tpu.memory_space<vmem>>) target(%dma_start3A_98 : memref<10240x40xf32, #tpu.memory_space<vmem_shared>>) offsets(%dma_start3A_95 : memref<112xi32, #tpu.memory_space<vmem>>) semaphore(%arg16 : memref<!tpu.dma_semaphore, #tpu.memory_space<semaphore_mem>>) {add = true}
        } else {
        }
        %rem3A_67 = arith.constant 3 : i32
        %rem3A_68 = arith.remsi %scan3A_63, %rem3A_67 : i32
        %eq3A_69 = arith.constant 1 : i32
        %eq3A_70 = arith.cmpi eq, %rem3A_68, %eq3A_69 : i32
        %convert_element_type3A_71 = arith.extui %eq3A_70 : i1 to i32
        %cond3A_72 = arith.constant 0 : i32
        %cond3A_73 = arith.cmpi ne, %convert_element_type3A_71, %cond3A_72 : i32
        scf.if %cond3A_73 {
          %dma_wait3A_81 = arith.constant 0 : i32
          %dma_wait3A_82 = tpu.memref_slice %arg7[%scan3A_63, %dma_wait3A_81] : memref<10x112xi32, #tpu.memory_space<vmem>> -> memref<1x112xi32, #tpu.memory_space<vmem>>
          %dma_wait3A_83 = tpu.memref_squeeze %dma_wait3A_82 : memref<1x112xi32, #tpu.memory_space<vmem>> -> memref<112xi32, #tpu.memory_space<vmem>>
          %dma_wait3A_84 = arith.constant 0 : i32
          %dma_wait3A_85 = arith.constant 0 : i32
          %dma_wait3A_86 = tpu.memref_slice %arg2[%dma_wait3A_84, %dma_wait3A_85] : memref<10000x40xf32, #tpu.memory_space<hbm>> -> memref<10000x40xf32, #tpu.memory_space<hbm>>
          tpu.wait_indirect_dma semaphore(%arg14 : memref<!tpu.dma_semaphore, #tpu.memory_space<semaphore_mem>>) src(%dma_wait3A_86 : memref<10000x40xf32, #tpu.memory_space<hbm>>) dst(%arg10 : memref<112x40xf32, #tpu.memory_space<vmem>>)
          %add3A_87 = arith.constant 2 : i32
          %add3A_88 = arith.addi %scan3A_63, %add3A_87 : i32
          %lt3A = arith.constant 10 : i32
          %lt3A_89 = arith.cmpi slt, %add3A_88, %lt3A : i32
          %convert_element_type3A_90 = arith.extui %lt3A_89 : i1 to i32
          %cond3A_91 = arith.constant 0 : i32
          %cond3A_92 = arith.cmpi ne, %convert_element_type3A_90, %cond3A_91 : i32
          scf.if %cond3A_92 {
            %ge3A = arith.constant 1 : i32
            %ge3A_99 = arith.cmpi sge, %scan3A_63, %ge3A : i32
            %convert_element_type3A_100 = arith.extui %ge3A_99 : i1 to i32
            %cond3A_101 = arith.constant 0 : i32
            %cond3A_102 = arith.cmpi ne, %convert_element_type3A_100, %cond3A_101 : i32
            scf.if %cond3A_102 {
              %sub3A = arith.constant 1 : i32
              %sub3A_111 = arith.subi %scan3A_63, %sub3A : i32
              %dma_wait3A_112 = arith.constant 0 : i32
              %dma_wait3A_113 = tpu.memref_slice %arg8[%sub3A_111, %dma_wait3A_112] : memref<10x112xi32, #tpu.memory_space<vmem>> -> memref<1x112xi32, #tpu.memory_space<vmem>>
              %dma_wait3A_114 = tpu.memref_squeeze %dma_wait3A_113 : memref<1x112xi32, #tpu.memory_space<vmem>> -> memref<112xi32, #tpu.memory_space<vmem>>
              %dma_wait3A_115 = arith.constant 0 : i32
              %dma_wait3A_116 = arith.constant 0 : i32
              %dma_wait3A_117 = tpu.memref_slice %arg12[%dma_wait3A_115, %dma_wait3A_116] : memref<10240x40xf32, #tpu.memory_space<vmem_shared>> -> memref<10240x40xf32, #tpu.memory_space<vmem_shared>>
              tpu.wait_indirect_dma semaphore(%arg16 : memref<!tpu.dma_semaphore, #tpu.memory_space<semaphore_mem>>) src(%arg9 : memref<112x40xf32, #tpu.memory_space<vmem>>) dst(%dma_wait3A_117 : memref<10240x40xf32, #tpu.memory_space<vmem_shared>>)
            } else {
            }
            %add3A_103 = arith.constant 2 : i32
            %add3A_104 = arith.addi %scan3A_63, %add3A_103 : i32
            %dma_start3A_105 = arith.constant 0 : i32
            %dma_start3A_106 = tpu.memref_slice %arg7[%add3A_104, %dma_start3A_105] : memref<10x112xi32, #tpu.memory_space<vmem>> -> memref<1x112xi32, #tpu.memory_space<vmem>>
            %dma_start3A_107 = tpu.memref_squeeze %dma_start3A_106 : memref<1x112xi32, #tpu.memory_space<vmem>> -> memref<112xi32, #tpu.memory_space<vmem>>
            %dma_start3A_108 = arith.constant 0 : i32
            %dma_start3A_109 = arith.constant 0 : i32
            %dma_start3A_110 = tpu.memref_slice %arg2[%dma_start3A_108, %dma_start3A_109] : memref<10000x40xf32, #tpu.memory_space<hbm>> -> memref<10000x40xf32, #tpu.memory_space<hbm>>
            tpu.enqueue_indirect_dma source(%dma_start3A_110 : memref<10000x40xf32, #tpu.memory_space<hbm>>) target(%arg9 : memref<112x40xf32, #tpu.memory_space<vmem>>) offsets(%dma_start3A_107 : memref<112xi32, #tpu.memory_space<vmem>>) semaphore(%arg13 : memref<!tpu.dma_semaphore, #tpu.memory_space<semaphore_mem>>)
          } else {
          }
          %dma_start3A_93 = arith.constant 0 : i32
          %dma_start3A_94 = tpu.memref_slice %arg8[%scan3A_63, %dma_start3A_93] : memref<10x112xi32, #tpu.memory_space<vmem>> -> memref<1x112xi32, #tpu.memory_space<vmem>>
          %dma_start3A_95 = tpu.memref_squeeze %dma_start3A_94 : memref<1x112xi32, #tpu.memory_space<vmem>> -> memref<112xi32, #tpu.memory_space<vmem>>
          %dma_start3A_96 = arith.constant 0 : i32
          %dma_start3A_97 = arith.constant 0 : i32
          %dma_start3A_98 = tpu.memref_slice %arg12[%dma_start3A_96, %dma_start3A_97] : memref<10240x40xf32, #tpu.memory_space<vmem_shared>> -> memref<10240x40xf32, #tpu.memory_space<vmem_shared>>
          tpu.enqueue_indirect_dma source(%arg10 : memref<112x40xf32, #tpu.memory_space<vmem>>) target(%dma_start3A_98 : memref<10240x40xf32, #tpu.memory_space<vmem_shared>>) offsets(%dma_start3A_95 : memref<112xi32, #tpu.memory_space<vmem>>) semaphore(%arg17 : memref<!tpu.dma_semaphore, #tpu.memory_space<semaphore_mem>>) {add = true}
        } else {
        }
        %rem3A_74 = arith.constant 3 : i32
        %rem3A_75 = arith.remsi %scan3A_63, %rem3A_74 : i32
        %eq3A_76 = arith.constant 2 : i32
        %eq3A_77 = arith.cmpi eq, %rem3A_75, %eq3A_76 : i32
        %convert_element_type3A_78 = arith.extui %eq3A_77 : i1 to i32
        %cond3A_79 = arith.constant 0 : i32
        %cond3A_80 = arith.cmpi ne, %convert_element_type3A_78, %cond3A_79 : i32
        scf.if %cond3A_80 {
          %dma_wait3A_81 = arith.constant 0 : i32
          %dma_wait3A_82 = tpu.memref_slice %arg7[%scan3A_63, %dma_wait3A_81] : memref<10x112xi32, #tpu.memory_space<vmem>> -> memref<1x112xi32, #tpu.memory_space<vmem>>
          %dma_wait3A_83 = tpu.memref_squeeze %dma_wait3A_82 : memref<1x112xi32, #tpu.memory_space<vmem>> -> memref<112xi32, #tpu.memory_space<vmem>>
          %dma_wait3A_84 = arith.constant 0 : i32
          %dma_wait3A_85 = arith.constant 0 : i32
          %dma_wait3A_86 = tpu.memref_slice %arg2[%dma_wait3A_84, %dma_wait3A_85] : memref<10000x40xf32, #tpu.memory_space<hbm>> -> memref<10000x40xf32, #tpu.memory_space<hbm>>
          tpu.wait_indirect_dma semaphore(%arg15 : memref<!tpu.dma_semaphore, #tpu.memory_space<semaphore_mem>>) src(%dma_wait3A_86 : memref<10000x40xf32, #tpu.memory_space<hbm>>) dst(%arg11 : memref<112x40xf32, #tpu.memory_space<vmem>>)
          %add3A_87 = arith.constant 2 : i32
          %add3A_88 = arith.addi %scan3A_63, %add3A_87 : i32
          %lt3A = arith.constant 10 : i32
          %lt3A_89 = arith.cmpi slt, %add3A_88, %lt3A : i32
          %convert_element_type3A_90 = arith.extui %lt3A_89 : i1 to i32
          %cond3A_91 = arith.constant 0 : i32
          %cond3A_92 = arith.cmpi ne, %convert_element_type3A_90, %cond3A_91 : i32
          scf.if %cond3A_92 {
            %ge3A = arith.constant 1 : i32
            %ge3A_99 = arith.cmpi sge, %scan3A_63, %ge3A : i32
            %convert_element_type3A_100 = arith.extui %ge3A_99 : i1 to i32
            %cond3A_101 = arith.constant 0 : i32
            %cond3A_102 = arith.cmpi ne, %convert_element_type3A_100, %cond3A_101 : i32
            scf.if %cond3A_102 {
              %sub3A = arith.constant 1 : i32
              %sub3A_111 = arith.subi %scan3A_63, %sub3A : i32
              %dma_wait3A_112 = arith.constant 0 : i32
              %dma_wait3A_113 = tpu.memref_slice %arg8[%sub3A_111, %dma_wait3A_112] : memref<10x112xi32, #tpu.memory_space<vmem>> -> memref<1x112xi32, #tpu.memory_space<vmem>>
              %dma_wait3A_114 = tpu.memref_squeeze %dma_wait3A_113 : memref<1x112xi32, #tpu.memory_space<vmem>> -> memref<112xi32, #tpu.memory_space<vmem>>
              %dma_wait3A_115 = arith.constant 0 : i32
              %dma_wait3A_116 = arith.constant 0 : i32
              %dma_wait3A_117 = tpu.memref_slice %arg12[%dma_wait3A_115, %dma_wait3A_116] : memref<10240x40xf32, #tpu.memory_space<vmem_shared>> -> memref<10240x40xf32, #tpu.memory_space<vmem_shared>>
              tpu.wait_indirect_dma semaphore(%arg17 : memref<!tpu.dma_semaphore, #tpu.memory_space<semaphore_mem>>) src(%arg10 : memref<112x40xf32, #tpu.memory_space<vmem>>) dst(%dma_wait3A_117 : memref<10240x40xf32, #tpu.memory_space<vmem_shared>>)
            } else {
            }
            %add3A_103 = arith.constant 2 : i32
            %add3A_104 = arith.addi %scan3A_63, %add3A_103 : i32
            %dma_start3A_105 = arith.constant 0 : i32
            %dma_start3A_106 = tpu.memref_slice %arg7[%add3A_104, %dma_start3A_105] : memref<10x112xi32, #tpu.memory_space<vmem>> -> memref<1x112xi32, #tpu.memory_space<vmem>>
            %dma_start3A_107 = tpu.memref_squeeze %dma_start3A_106 : memref<1x112xi32, #tpu.memory_space<vmem>> -> memref<112xi32, #tpu.memory_space<vmem>>
            %dma_start3A_108 = arith.constant 0 : i32
            %dma_start3A_109 = arith.constant 0 : i32
            %dma_start3A_110 = tpu.memref_slice %arg2[%dma_start3A_108, %dma_start3A_109] : memref<10000x40xf32, #tpu.memory_space<hbm>> -> memref<10000x40xf32, #tpu.memory_space<hbm>>
            tpu.enqueue_indirect_dma source(%dma_start3A_110 : memref<10000x40xf32, #tpu.memory_space<hbm>>) target(%arg10 : memref<112x40xf32, #tpu.memory_space<vmem>>) offsets(%dma_start3A_107 : memref<112xi32, #tpu.memory_space<vmem>>) semaphore(%arg14 : memref<!tpu.dma_semaphore, #tpu.memory_space<semaphore_mem>>)
          } else {
          }
          %dma_start3A_93 = arith.constant 0 : i32
          %dma_start3A_94 = tpu.memref_slice %arg8[%scan3A_63, %dma_start3A_93] : memref<10x112xi32, #tpu.memory_space<vmem>> -> memref<1x112xi32, #tpu.memory_space<vmem>>
          %dma_start3A_95 = tpu.memref_squeeze %dma_start3A_94 : memref<1x112xi32, #tpu.memory_space<vmem>> -> memref<112xi32, #tpu.memory_space<vmem>>
          %dma_start3A_96 = arith.constant 0 : i32
          %dma_start3A_97 = arith.constant 0 : i32
          %dma_start3A_98 = tpu.memref_slice %arg12[%dma_start3A_96, %dma_start3A_97] : memref<10240x40xf32, #tpu.memory_space<vmem_shared>> -> memref<10240x40xf32, #tpu.memory_space<vmem_shared>>
          tpu.enqueue_indirect_dma source(%arg11 : memref<112x40xf32, #tpu.memory_space<vmem>>) target(%dma_start3A_98 : memref<10240x40xf32, #tpu.memory_space<vmem_shared>>) offsets(%dma_start3A_95 : memref<112xi32, #tpu.memory_space<vmem>>) semaphore(%arg18 : memref<!tpu.dma_semaphore, #tpu.memory_space<semaphore_mem>>) {add = true}
        } else {
        }
      }
      %scan3A_42 = arith.constant 10 : i32
      %dma_wait3A = arith.constant 7 : i32
      %dma_wait3A_43 = arith.constant 0 : i32
      %dma_wait3A_44 = tpu.memref_slice %arg8[%dma_wait3A, %dma_wait3A_43] : memref<10x112xi32, #tpu.memory_space<vmem>> -> memref<1x112xi32, #tpu.memory_space<vmem>>
      %dma_wait3A_45 = tpu.memref_squeeze %dma_wait3A_44 : memref<1x112xi32, #tpu.memory_space<vmem>> -> memref<112xi32, #tpu.memory_space<vmem>>
      %dma_wait3A_46 = arith.constant 0 : i32
      %dma_wait3A_47 = arith.constant 0 : i32
      %dma_wait3A_48 = tpu.memref_slice %arg12[%dma_wait3A_46, %dma_wait3A_47] : memref<10240x40xf32, #tpu.memory_space<vmem_shared>> -> memref<10240x40xf32, #tpu.memory_space<vmem_shared>>
      tpu.wait_indirect_dma semaphore(%arg17 : memref<!tpu.dma_semaphore, #tpu.memory_space<semaphore_mem>>) src(%arg10 : memref<112x40xf32, #tpu.memory_space<vmem>>) dst(%dma_wait3A_48 : memref<10240x40xf32, #tpu.memory_space<vmem_shared>>)
      %dma_wait3A_49 = arith.constant 8 : i32
      %dma_wait3A_50 = arith.constant 0 : i32
      %dma_wait3A_51 = tpu.memref_slice %arg8[%dma_wait3A_49, %dma_wait3A_50] : memref<10x112xi32, #tpu.memory_space<vmem>> -> memref<1x112xi32, #tpu.memory_space<vmem>>
      %dma_wait3A_52 = tpu.memref_squeeze %dma_wait3A_51 : memref<1x112xi32, #tpu.memory_space<vmem>> -> memref<112xi32, #tpu.memory_space<vmem>>
      %dma_wait3A_53 = arith.constant 0 : i32
      %dma_wait3A_54 = arith.constant 0 : i32
      %dma_wait3A_55 = tpu.memref_slice %arg12[%dma_wait3A_53, %dma_wait3A_54] : memref<10240x40xf32, #tpu.memory_space<vmem_shared>> -> memref<10240x40xf32, #tpu.memory_space<vmem_shared>>
      tpu.wait_indirect_dma semaphore(%arg18 : memref<!tpu.dma_semaphore, #tpu.memory_space<semaphore_mem>>) src(%arg11 : memref<112x40xf32, #tpu.memory_space<vmem>>) dst(%dma_wait3A_55 : memref<10240x40xf32, #tpu.memory_space<vmem_shared>>)
      %dma_wait3A_56 = arith.constant 9 : i32
      %dma_wait3A_57 = arith.constant 0 : i32
      %dma_wait3A_58 = tpu.memref_slice %arg8[%dma_wait3A_56, %dma_wait3A_57] : memref<10x112xi32, #tpu.memory_space<vmem>> -> memref<1x112xi32, #tpu.memory_space<vmem>>
      %dma_wait3A_59 = tpu.memref_squeeze %dma_wait3A_58 : memref<1x112xi32, #tpu.memory_space<vmem>> -> memref<112xi32, #tpu.memory_space<vmem>>
      %dma_wait3A_60 = arith.constant 0 : i32
      %dma_wait3A_61 = arith.constant 0 : i32
      %dma_wait3A_62 = tpu.memref_slice %arg12[%dma_wait3A_60, %dma_wait3A_61] : memref<10240x40xf32, #tpu.memory_space<vmem_shared>> -> memref<10240x40xf32, #tpu.memory_space<vmem_shared>>
      tpu.wait_indirect_dma semaphore(%arg16 : memref<!tpu.dma_semaphore, #tpu.memory_space<semaphore_mem>>) src(%arg9 : memref<112x40xf32, #tpu.memory_space<vmem>>) dst(%dma_wait3A_62 : memref<10240x40xf32, #tpu.memory_space<vmem_shared>>)
    }
    %scan3A_11 = arith.constant 9 : i32
    %barrier3A_12 = arith.constant 0 : index
    tpu.barrier barrier_id(%barrier3A_12)
    %mul3A_13 = arith.constant 640 : i32
    %mul3A_14 = arith.muli %arg1, %mul3A_13 : i32
    %mul3A_15 = arith.constant 640 : i32
    %mul3A_16 = arith.muli %arg1, %mul3A_15 : i32
    "tpu.region"() ({
      %run_scoped3A = tpu.sem_alloc : memref<!tpu.dma_semaphore, #tpu.memory_space<semaphore_mem>>
      %dma_start3A = arith.constant 0 : i32
      %dma_start3A_17 = tpu.memref_slice %arg6[%arg0, %mul3A_16, %dma_start3A] : memref<2x10240x40xf32, #tpu.memory_space<hbm>> -> memref<1x640x40xf32, #tpu.memory_space<hbm>>
      %dma_start3A_18 = tpu.memref_squeeze %dma_start3A_17 : memref<1x640x40xf32, #tpu.memory_space<hbm>> -> memref<640x40xf32, #tpu.memory_space<hbm>>
      %dma_start3A_19 = arith.constant 0 : i32
      %dma_start3A_20 = tpu.memref_slice %arg12[%mul3A_14, %dma_start3A_19] : memref<10240x40xf32, #tpu.memory_space<vmem_shared>> -> memref<640x40xf32, #tpu.memory_space<vmem_shared>>
      tpu.enqueue_dma source(%dma_start3A_20 : memref<640x40xf32, #tpu.memory_space<vmem_shared>>) target(%dma_start3A_18 : memref<640x40xf32, #tpu.memory_space<hbm>>) target_semaphore(%run_scoped3A : memref<!tpu.dma_semaphore, #tpu.memory_space<semaphore_mem>>)
      %dma_wait3A = arith.constant 0 : i32
      %dma_wait3A_21 = tpu.memref_slice %arg6[%arg0, %mul3A_16, %dma_wait3A] : memref<2x10240x40xf32, #tpu.memory_space<hbm>> -> memref<1x640x40xf32, #tpu.memory_space<hbm>>
      %dma_wait3A_22 = tpu.memref_squeeze %dma_wait3A_21 : memref<1x640x40xf32, #tpu.memory_space<hbm>> -> memref<640x40xf32, #tpu.memory_space<hbm>>
      %dma_wait3A_23 = arith.constant 0 : i32
      %dma_wait3A_24 = tpu.memref_slice %arg12[%mul3A_14, %dma_wait3A_23] : memref<10240x40xf32, #tpu.memory_space<vmem_shared>> -> memref<640x40xf32, #tpu.memory_space<vmem_shared>>
      tpu.wait_dma2 semaphore(%run_scoped3A : memref<!tpu.dma_semaphore, #tpu.memory_space<semaphore_mem>>) src(%dma_wait3A_24 : memref<640x40xf32, #tpu.memory_space<vmem_shared>>) dst(%dma_wait3A_22 : memref<640x40xf32, #tpu.memory_space<hbm>>)
      tpu.yield
    }) : () -> ()
    return
  }
}

#map = affine_map<(d0, d1) -> (0, 0)>
#map1 = affine_map<(d0, d1) -> (0, 0, 0)>
module attributes {stable_mosaic.version = 14 : i64} {
  func.func @agg(%arg0: i32, %arg1: i32, %arg2: memref<10000x128xf32, #tpu.memory_space<hbm>>, %arg3: memref<2880x112xi32, #tpu.memory_space<hbm>>, %arg4: memref<2880x112xi32, #tpu.memory_space<hbm>>, %arg5: memref<10240x128xf32, #tpu.memory_space<hbm>>, %arg6: memref<2x10240x128xf32, #tpu.memory_space<hbm>>, %arg7: memref<10x112xi32, #tpu.memory_space<vmem>>, %arg8: memref<10x112xi32, #tpu.memory_space<vmem>>, %arg9: memref<112x128xf32, #tpu.memory_space<vmem>>, %arg10: memref<112x128xf32, #tpu.memory_space<vmem>>, %arg11: memref<112x128xf32, #tpu.memory_space<vmem>>, %arg12: memref<10240x128xf32, #tpu.memory_space<vmem_shared>>, %arg13: memref<!tpu.dma_semaphore, #tpu.memory_space<semaphore_mem>>, %arg14: memref<!tpu.dma_semaphore, #tpu.memory_space<semaphore_mem>>, %arg15: memref<!tpu.dma_semaphore, #tpu.memory_space<semaphore_mem>>, %arg16: memref<!tpu.dma_semaphore, #tpu.memory_space<semaphore_mem>>, %arg17: memref<!tpu.dma_semaphore, #tpu.memory_space<semaphore_mem>>, %arg18: memref<!tpu.dma_semaphore, #tpu.memory_space<semaphore_mem>>) attributes {dimension_semantics = [#tpu.dimension_semantics<core_parallel>, #tpu.dimension_semantics<subcore_parallel>], iteration_bounds = array<i64: 2, 16>, scalar_prefetch = 0 : i64, scratch_operands = 12 : i64, tpu.core_type = #tpu.core_type<sc_vector_subcore>, window_params = [{transform_indices = #map}, {transform_indices = #map}, {transform_indices = #map}, {transform_indices = #map}, {transform_indices = #map1}]} {
    %mul3A = arith.constant 640 : i32
    %mul3A_0 = arith.muli %arg1, %mul3A : i32
    %mul3A_1 = arith.constant 640 : i32
    %mul3A_2 = arith.muli %arg1, %mul3A_1 : i32
    "tpu.region"() ({
      %run_scoped3A = tpu.sem_alloc : memref<!tpu.dma_semaphore, #tpu.memory_space<semaphore_mem>>
      %dma_start3A = arith.constant 0 : i32
      %dma_start3A_17 = tpu.memref_slice %arg12[%mul3A_2, %dma_start3A] : memref<10240x128xf32, #tpu.memory_space<vmem_shared>> -> memref<640x128xf32, #tpu.memory_space<vmem_shared>>
      %dma_start3A_18 = arith.constant 0 : i32
      %dma_start3A_19 = tpu.memref_slice %arg5[%mul3A_0, %dma_start3A_18] : memref<10240x128xf32, #tpu.memory_space<hbm>> -> memref<640x128xf32, #tpu.memory_space<hbm>>
      tpu.enqueue_dma source(%dma_start3A_19 : memref<640x128xf32, #tpu.memory_space<hbm>>) target(%dma_start3A_17 : memref<640x128xf32, #tpu.memory_space<vmem_shared>>) target_semaphore(%run_scoped3A : memref<!tpu.dma_semaphore, #tpu.memory_space<semaphore_mem>>)
      %dma_wait3A = arith.constant 0 : i32
      %dma_wait3A_20 = tpu.memref_slice %arg12[%mul3A_2, %dma_wait3A] : memref<10240x128xf32, #tpu.memory_space<vmem_shared>> -> memref<640x128xf32, #tpu.memory_space<vmem_shared>>
      %dma_wait3A_21 = arith.constant 0 : i32
      %dma_wait3A_22 = tpu.memref_slice %arg5[%mul3A_0, %dma_wait3A_21] : memref<10240x128xf32, #tpu.memory_space<hbm>> -> memref<640x128xf32, #tpu.memory_space<hbm>>
      tpu.wait_dma2 semaphore(%run_scoped3A : memref<!tpu.dma_semaphore, #tpu.memory_space<semaphore_mem>>) src(%dma_wait3A_22 : memref<640x128xf32, #tpu.memory_space<hbm>>) dst(%dma_wait3A_20 : memref<640x128xf32, #tpu.memory_space<vmem_shared>>)
      tpu.yield
    }) : () -> ()
    %mul3A_3 = arith.constant 1440 : i32
    %mul3A_4 = arith.muli %arg0, %mul3A_3 : i32
    %mul3A_5 = arith.constant 90 : i32
    %mul3A_6 = arith.muli %arg1, %mul3A_5 : i32
    %add3A = arith.addi %mul3A_4, %mul3A_6 : i32
    %barrier3A = arith.constant 0 : index
    tpu.barrier barrier_id(%barrier3A)
    %scan3A = arith.constant 0 : i32
    %scan3A_7 = arith.constant 0 : i32
    %scan3A_8 = arith.constant 9 : i32
    %scan3A_9 = arith.addi %scan3A_7, %scan3A_8 : i32
    %scan3A_10 = arith.constant 1 : i32
    scf.for %scan3A_17 = %scan3A_7 to %scan3A_9 step %scan3A_10  : i32 {
      %mul3A_18 = arith.constant 10 : i32
      %mul3A_19 = arith.muli %scan3A_17, %mul3A_18 : i32
      %add3A_20 = arith.addi %add3A, %mul3A_19 : i32
      "tpu.region"() ({
        %run_scoped3A = tpu.sem_alloc : memref<!tpu.dma_semaphore, #tpu.memory_space<semaphore_mem>>
        %dma_start3A_63 = arith.constant 0 : i32
        %dma_start3A_64 = tpu.memref_slice %arg3[%add3A_20, %dma_start3A_63] : memref<2880x112xi32, #tpu.memory_space<hbm>> -> memref<10x112xi32, #tpu.memory_space<hbm>>
        %dma_start3A_65 = arith.constant 0 : i32
        %dma_start3A_66 = tpu.memref_slice %arg3[%add3A_20, %dma_start3A_65] : memref<2880x112xi32, #tpu.memory_space<hbm>> -> memref<10x112xi32, #tpu.memory_space<hbm>>
        tpu.enqueue_dma source(%dma_start3A_66 : memref<10x112xi32, #tpu.memory_space<hbm>>) target(%arg7 : memref<10x112xi32, #tpu.memory_space<vmem>>) target_semaphore(%run_scoped3A : memref<!tpu.dma_semaphore, #tpu.memory_space<semaphore_mem>>)
        %dma_wait3A_67 = arith.constant 0 : i32
        %dma_wait3A_68 = tpu.memref_slice %arg3[%add3A_20, %dma_wait3A_67] : memref<2880x112xi32, #tpu.memory_space<hbm>> -> memref<10x112xi32, #tpu.memory_space<hbm>>
        %dma_wait3A_69 = arith.constant 0 : i32
        %dma_wait3A_70 = tpu.memref_slice %arg3[%add3A_20, %dma_wait3A_69] : memref<2880x112xi32, #tpu.memory_space<hbm>> -> memref<10x112xi32, #tpu.memory_space<hbm>>
        tpu.wait_dma2 semaphore(%run_scoped3A : memref<!tpu.dma_semaphore, #tpu.memory_space<semaphore_mem>>) src(%dma_wait3A_70 : memref<10x112xi32, #tpu.memory_space<hbm>>) dst(%arg7 : memref<10x112xi32, #tpu.memory_space<vmem>>)
        tpu.yield
      }) : () -> ()
      %mul3A_21 = arith.constant 10 : i32
      %mul3A_22 = arith.muli %scan3A_17, %mul3A_21 : i32
      %add3A_23 = arith.addi %add3A, %mul3A_22 : i32
      "tpu.region"() ({
        %run_scoped3A = tpu.sem_alloc : memref<!tpu.dma_semaphore, #tpu.memory_space<semaphore_mem>>
        %dma_start3A_63 = arith.constant 0 : i32
        %dma_start3A_64 = tpu.memref_slice %arg4[%add3A_23, %dma_start3A_63] : memref<2880x112xi32, #tpu.memory_space<hbm>> -> memref<10x112xi32, #tpu.memory_space<hbm>>
        %dma_start3A_65 = arith.constant 0 : i32
        %dma_start3A_66 = tpu.memref_slice %arg4[%add3A_23, %dma_start3A_65] : memref<2880x112xi32, #tpu.memory_space<hbm>> -> memref<10x112xi32, #tpu.memory_space<hbm>>
        tpu.enqueue_dma source(%dma_start3A_66 : memref<10x112xi32, #tpu.memory_space<hbm>>) target(%arg8 : memref<10x112xi32, #tpu.memory_space<vmem>>) target_semaphore(%run_scoped3A : memref<!tpu.dma_semaphore, #tpu.memory_space<semaphore_mem>>)
        %dma_wait3A_67 = arith.constant 0 : i32
        %dma_wait3A_68 = tpu.memref_slice %arg4[%add3A_23, %dma_wait3A_67] : memref<2880x112xi32, #tpu.memory_space<hbm>> -> memref<10x112xi32, #tpu.memory_space<hbm>>
        %dma_wait3A_69 = arith.constant 0 : i32
        %dma_wait3A_70 = tpu.memref_slice %arg4[%add3A_23, %dma_wait3A_69] : memref<2880x112xi32, #tpu.memory_space<hbm>> -> memref<10x112xi32, #tpu.memory_space<hbm>>
        tpu.wait_dma2 semaphore(%run_scoped3A : memref<!tpu.dma_semaphore, #tpu.memory_space<semaphore_mem>>) src(%dma_wait3A_70 : memref<10x112xi32, #tpu.memory_space<hbm>>) dst(%arg8 : memref<10x112xi32, #tpu.memory_space<vmem>>)
        tpu.yield
      }) : () -> ()
      %dma_start3A = arith.constant 0 : i32
      %dma_start3A_24 = arith.constant 0 : i32
      %dma_start3A_25 = tpu.memref_slice %arg7[%dma_start3A, %dma_start3A_24] : memref<10x112xi32, #tpu.memory_space<vmem>> -> memref<1x112xi32, #tpu.memory_space<vmem>>
      %dma_start3A_26 = tpu.memref_squeeze %dma_start3A_25 : memref<1x112xi32, #tpu.memory_space<vmem>> -> memref<112xi32, #tpu.memory_space<vmem>>
      %dma_start3A_27 = arith.constant 0 : i32
      %dma_start3A_28 = arith.constant 0 : i32
      %dma_start3A_29 = tpu.memref_slice %arg2[%dma_start3A_27, %dma_start3A_28] : memref<10000x128xf32, #tpu.memory_space<hbm>> -> memref<10000x128xf32, #tpu.memory_space<hbm>>
      tpu.enqueue_indirect_dma source(%dma_start3A_29 : memref<10000x128xf32, #tpu.memory_space<hbm>>) target(%arg9 : memref<112x128xf32, #tpu.memory_space<vmem>>) offsets(%dma_start3A_26 : memref<112xi32, #tpu.memory_space<vmem>>) semaphore(%arg13 : memref<!tpu.dma_semaphore, #tpu.memory_space<semaphore_mem>>)
      %dma_start3A_30 = arith.constant 1 : i32
      %dma_start3A_31 = arith.constant 0 : i32
      %dma_start3A_32 = tpu.memref_slice %arg7[%dma_start3A_30, %dma_start3A_31] : memref<10x112xi32, #tpu.memory_space<vmem>> -> memref<1x112xi32, #tpu.memory_space<vmem>>
      %dma_start3A_33 = tpu.memref_squeeze %dma_start3A_32 : memref<1x112xi32, #tpu.memory_space<vmem>> -> memref<112xi32, #tpu.memory_space<vmem>>
      %dma_start3A_34 = arith.constant 0 : i32
      %dma_start3A_35 = arith.constant 0 : i32
      %dma_start3A_36 = tpu.memref_slice %arg2[%dma_start3A_34, %dma_start3A_35] : memref<10000x128xf32, #tpu.memory_space<hbm>> -> memref<10000x128xf32, #tpu.memory_space<hbm>>
      tpu.enqueue_indirect_dma source(%dma_start3A_36 : memref<10000x128xf32, #tpu.memory_space<hbm>>) target(%arg10 : memref<112x128xf32, #tpu.memory_space<vmem>>) offsets(%dma_start3A_33 : memref<112xi32, #tpu.memory_space<vmem>>) semaphore(%arg14 : memref<!tpu.dma_semaphore, #tpu.memory_space<semaphore_mem>>)
      %scan3A_37 = arith.constant 0 : i32
      %scan3A_38 = arith.constant 0 : i32
      %scan3A_39 = arith.constant 10 : i32
      %scan3A_40 = arith.addi %scan3A_38, %scan3A_39 : i32
      %scan3A_41 = arith.constant 1 : i32
      scf.for %scan3A_63 = %scan3A_38 to %scan3A_40 step %scan3A_41  : i32 {
        %rem3A = arith.constant 3 : i32
        %rem3A_64 = arith.remsi %scan3A_63, %rem3A : i32
        %eq3A = arith.constant 0 : i32
        %eq3A_65 = arith.cmpi eq, %rem3A_64, %eq3A : i32
        %convert_element_type3A = arith.extui %eq3A_65 : i1 to i32
        %cond3A = arith.constant 0 : i32
        %cond3A_66 = arith.cmpi ne, %convert_element_type3A, %cond3A : i32
        scf.if %cond3A_66 {
          %dma_wait3A_81 = arith.constant 0 : i32
          %dma_wait3A_82 = tpu.memref_slice %arg7[%scan3A_63, %dma_wait3A_81] : memref<10x112xi32, #tpu.memory_space<vmem>> -> memref<1x112xi32, #tpu.memory_space<vmem>>
          %dma_wait3A_83 = tpu.memref_squeeze %dma_wait3A_82 : memref<1x112xi32, #tpu.memory_space<vmem>> -> memref<112xi32, #tpu.memory_space<vmem>>
          %dma_wait3A_84 = arith.constant 0 : i32
          %dma_wait3A_85 = arith.constant 0 : i32
          %dma_wait3A_86 = tpu.memref_slice %arg2[%dma_wait3A_84, %dma_wait3A_85] : memref<10000x128xf32, #tpu.memory_space<hbm>> -> memref<10000x128xf32, #tpu.memory_space<hbm>>
          tpu.wait_indirect_dma semaphore(%arg13 : memref<!tpu.dma_semaphore, #tpu.memory_space<semaphore_mem>>) src(%dma_wait3A_86 : memref<10000x128xf32, #tpu.memory_space<hbm>>) dst(%arg9 : memref<112x128xf32, #tpu.memory_space<vmem>>)
          %add3A_87 = arith.constant 2 : i32
          %add3A_88 = arith.addi %scan3A_63, %add3A_87 : i32
          %lt3A = arith.constant 10 : i32
          %lt3A_89 = arith.cmpi slt, %add3A_88, %lt3A : i32
          %convert_element_type3A_90 = arith.extui %lt3A_89 : i1 to i32
          %cond3A_91 = arith.constant 0 : i32
          %cond3A_92 = arith.cmpi ne, %convert_element_type3A_90, %cond3A_91 : i32
          scf.if %cond3A_92 {
            %ge3A = arith.constant 1 : i32
            %ge3A_99 = arith.cmpi sge, %scan3A_63, %ge3A : i32
            %convert_element_type3A_100 = arith.extui %ge3A_99 : i1 to i32
            %cond3A_101 = arith.constant 0 : i32
            %cond3A_102 = arith.cmpi ne, %convert_element_type3A_100, %cond3A_101 : i32
            scf.if %cond3A_102 {
              %sub3A = arith.constant 1 : i32
              %sub3A_111 = arith.subi %scan3A_63, %sub3A : i32
              %dma_wait3A_112 = arith.constant 0 : i32
              %dma_wait3A_113 = tpu.memref_slice %arg8[%sub3A_111, %dma_wait3A_112] : memref<10x112xi32, #tpu.memory_space<vmem>> -> memref<1x112xi32, #tpu.memory_space<vmem>>
              %dma_wait3A_114 = tpu.memref_squeeze %dma_wait3A_113 : memref<1x112xi32, #tpu.memory_space<vmem>> -> memref<112xi32, #tpu.memory_space<vmem>>
              %dma_wait3A_115 = arith.constant 0 : i32
              %dma_wait3A_116 = arith.constant 0 : i32
              %dma_wait3A_117 = tpu.memref_slice %arg12[%dma_wait3A_115, %dma_wait3A_116] : memref<10240x128xf32, #tpu.memory_space<vmem_shared>> -> memref<10240x128xf32, #tpu.memory_space<vmem_shared>>
              tpu.wait_indirect_dma semaphore(%arg18 : memref<!tpu.dma_semaphore, #tpu.memory_space<semaphore_mem>>) src(%arg11 : memref<112x128xf32, #tpu.memory_space<vmem>>) dst(%dma_wait3A_117 : memref<10240x128xf32, #tpu.memory_space<vmem_shared>>)
            } else {
            }
            %add3A_103 = arith.constant 2 : i32
            %add3A_104 = arith.addi %scan3A_63, %add3A_103 : i32
            %dma_start3A_105 = arith.constant 0 : i32
            %dma_start3A_106 = tpu.memref_slice %arg7[%add3A_104, %dma_start3A_105] : memref<10x112xi32, #tpu.memory_space<vmem>> -> memref<1x112xi32, #tpu.memory_space<vmem>>
            %dma_start3A_107 = tpu.memref_squeeze %dma_start3A_106 : memref<1x112xi32, #tpu.memory_space<vmem>> -> memref<112xi32, #tpu.memory_space<vmem>>
            %dma_start3A_108 = arith.constant 0 : i32
            %dma_start3A_109 = arith.constant 0 : i32
            %dma_start3A_110 = tpu.memref_slice %arg2[%dma_start3A_108, %dma_start3A_109] : memref<10000x128xf32, #tpu.memory_space<hbm>> -> memref<10000x128xf32, #tpu.memory_space<hbm>>
            tpu.enqueue_indirect_dma source(%dma_start3A_110 : memref<10000x128xf32, #tpu.memory_space<hbm>>) target(%arg11 : memref<112x128xf32, #tpu.memory_space<vmem>>) offsets(%dma_start3A_107 : memref<112xi32, #tpu.memory_space<vmem>>) semaphore(%arg15 : memref<!tpu.dma_semaphore, #tpu.memory_space<semaphore_mem>>)
          } else {
          }
          %dma_start3A_93 = arith.constant 0 : i32
          %dma_start3A_94 = tpu.memref_slice %arg8[%scan3A_63, %dma_start3A_93] : memref<10x112xi32, #tpu.memory_space<vmem>> -> memref<1x112xi32, #tpu.memory_space<vmem>>
          %dma_start3A_95 = tpu.memref_squeeze %dma_start3A_94 : memref<1x112xi32, #tpu.memory_space<vmem>> -> memref<112xi32, #tpu.memory_space<vmem>>
          %dma_start3A_96 = arith.constant 0 : i32
          %dma_start3A_97 = arith.constant 0 : i32
          %dma_start3A_98 = tpu.memref_slice %arg12[%dma_start3A_96, %dma_start3A_97] : memref<10240x128xf32, #tpu.memory_space<vmem_shared>> -> memref<10240x128xf32, #tpu.memory_space<vmem_shared>>
          tpu.enqueue_indirect_dma source(%arg9 : memref<112x128xf32, #tpu.memory_space<vmem>>) target(%dma_start3A_98 : memref<10240x128xf32, #tpu.memory_space<vmem_shared>>) offsets(%dma_start3A_95 : memref<112xi32, #tpu.memory_space<vmem>>) semaphore(%arg16 : memref<!tpu.dma_semaphore, #tpu.memory_space<semaphore_mem>>) {add = true}
        } else {
        }
        %rem3A_67 = arith.constant 3 : i32
        %rem3A_68 = arith.remsi %scan3A_63, %rem3A_67 : i32
        %eq3A_69 = arith.constant 1 : i32
        %eq3A_70 = arith.cmpi eq, %rem3A_68, %eq3A_69 : i32
        %convert_element_type3A_71 = arith.extui %eq3A_70 : i1 to i32
        %cond3A_72 = arith.constant 0 : i32
        %cond3A_73 = arith.cmpi ne, %convert_element_type3A_71, %cond3A_72 : i32
        scf.if %cond3A_73 {
          %dma_wait3A_81 = arith.constant 0 : i32
          %dma_wait3A_82 = tpu.memref_slice %arg7[%scan3A_63, %dma_wait3A_81] : memref<10x112xi32, #tpu.memory_space<vmem>> -> memref<1x112xi32, #tpu.memory_space<vmem>>
          %dma_wait3A_83 = tpu.memref_squeeze %dma_wait3A_82 : memref<1x112xi32, #tpu.memory_space<vmem>> -> memref<112xi32, #tpu.memory_space<vmem>>
          %dma_wait3A_84 = arith.constant 0 : i32
          %dma_wait3A_85 = arith.constant 0 : i32
          %dma_wait3A_86 = tpu.memref_slice %arg2[%dma_wait3A_84, %dma_wait3A_85] : memref<10000x128xf32, #tpu.memory_space<hbm>> -> memref<10000x128xf32, #tpu.memory_space<hbm>>
          tpu.wait_indirect_dma semaphore(%arg14 : memref<!tpu.dma_semaphore, #tpu.memory_space<semaphore_mem>>) src(%dma_wait3A_86 : memref<10000x128xf32, #tpu.memory_space<hbm>>) dst(%arg10 : memref<112x128xf32, #tpu.memory_space<vmem>>)
          %add3A_87 = arith.constant 2 : i32
          %add3A_88 = arith.addi %scan3A_63, %add3A_87 : i32
          %lt3A = arith.constant 10 : i32
          %lt3A_89 = arith.cmpi slt, %add3A_88, %lt3A : i32
          %convert_element_type3A_90 = arith.extui %lt3A_89 : i1 to i32
          %cond3A_91 = arith.constant 0 : i32
          %cond3A_92 = arith.cmpi ne, %convert_element_type3A_90, %cond3A_91 : i32
          scf.if %cond3A_92 {
            %ge3A = arith.constant 1 : i32
            %ge3A_99 = arith.cmpi sge, %scan3A_63, %ge3A : i32
            %convert_element_type3A_100 = arith.extui %ge3A_99 : i1 to i32
            %cond3A_101 = arith.constant 0 : i32
            %cond3A_102 = arith.cmpi ne, %convert_element_type3A_100, %cond3A_101 : i32
            scf.if %cond3A_102 {
              %sub3A = arith.constant 1 : i32
              %sub3A_111 = arith.subi %scan3A_63, %sub3A : i32
              %dma_wait3A_112 = arith.constant 0 : i32
              %dma_wait3A_113 = tpu.memref_slice %arg8[%sub3A_111, %dma_wait3A_112] : memref<10x112xi32, #tpu.memory_space<vmem>> -> memref<1x112xi32, #tpu.memory_space<vmem>>
              %dma_wait3A_114 = tpu.memref_squeeze %dma_wait3A_113 : memref<1x112xi32, #tpu.memory_space<vmem>> -> memref<112xi32, #tpu.memory_space<vmem>>
              %dma_wait3A_115 = arith.constant 0 : i32
              %dma_wait3A_116 = arith.constant 0 : i32
              %dma_wait3A_117 = tpu.memref_slice %arg12[%dma_wait3A_115, %dma_wait3A_116] : memref<10240x128xf32, #tpu.memory_space<vmem_shared>> -> memref<10240x128xf32, #tpu.memory_space<vmem_shared>>
              tpu.wait_indirect_dma semaphore(%arg16 : memref<!tpu.dma_semaphore, #tpu.memory_space<semaphore_mem>>) src(%arg9 : memref<112x128xf32, #tpu.memory_space<vmem>>) dst(%dma_wait3A_117 : memref<10240x128xf32, #tpu.memory_space<vmem_shared>>)
            } else {
            }
            %add3A_103 = arith.constant 2 : i32
            %add3A_104 = arith.addi %scan3A_63, %add3A_103 : i32
            %dma_start3A_105 = arith.constant 0 : i32
            %dma_start3A_106 = tpu.memref_slice %arg7[%add3A_104, %dma_start3A_105] : memref<10x112xi32, #tpu.memory_space<vmem>> -> memref<1x112xi32, #tpu.memory_space<vmem>>
            %dma_start3A_107 = tpu.memref_squeeze %dma_start3A_106 : memref<1x112xi32, #tpu.memory_space<vmem>> -> memref<112xi32, #tpu.memory_space<vmem>>
            %dma_start3A_108 = arith.constant 0 : i32
            %dma_start3A_109 = arith.constant 0 : i32
            %dma_start3A_110 = tpu.memref_slice %arg2[%dma_start3A_108, %dma_start3A_109] : memref<10000x128xf32, #tpu.memory_space<hbm>> -> memref<10000x128xf32, #tpu.memory_space<hbm>>
            tpu.enqueue_indirect_dma source(%dma_start3A_110 : memref<10000x128xf32, #tpu.memory_space<hbm>>) target(%arg9 : memref<112x128xf32, #tpu.memory_space<vmem>>) offsets(%dma_start3A_107 : memref<112xi32, #tpu.memory_space<vmem>>) semaphore(%arg13 : memref<!tpu.dma_semaphore, #tpu.memory_space<semaphore_mem>>)
          } else {
          }
          %dma_start3A_93 = arith.constant 0 : i32
          %dma_start3A_94 = tpu.memref_slice %arg8[%scan3A_63, %dma_start3A_93] : memref<10x112xi32, #tpu.memory_space<vmem>> -> memref<1x112xi32, #tpu.memory_space<vmem>>
          %dma_start3A_95 = tpu.memref_squeeze %dma_start3A_94 : memref<1x112xi32, #tpu.memory_space<vmem>> -> memref<112xi32, #tpu.memory_space<vmem>>
          %dma_start3A_96 = arith.constant 0 : i32
          %dma_start3A_97 = arith.constant 0 : i32
          %dma_start3A_98 = tpu.memref_slice %arg12[%dma_start3A_96, %dma_start3A_97] : memref<10240x128xf32, #tpu.memory_space<vmem_shared>> -> memref<10240x128xf32, #tpu.memory_space<vmem_shared>>
          tpu.enqueue_indirect_dma source(%arg10 : memref<112x128xf32, #tpu.memory_space<vmem>>) target(%dma_start3A_98 : memref<10240x128xf32, #tpu.memory_space<vmem_shared>>) offsets(%dma_start3A_95 : memref<112xi32, #tpu.memory_space<vmem>>) semaphore(%arg17 : memref<!tpu.dma_semaphore, #tpu.memory_space<semaphore_mem>>) {add = true}
        } else {
        }
        %rem3A_74 = arith.constant 3 : i32
        %rem3A_75 = arith.remsi %scan3A_63, %rem3A_74 : i32
        %eq3A_76 = arith.constant 2 : i32
        %eq3A_77 = arith.cmpi eq, %rem3A_75, %eq3A_76 : i32
        %convert_element_type3A_78 = arith.extui %eq3A_77 : i1 to i32
        %cond3A_79 = arith.constant 0 : i32
        %cond3A_80 = arith.cmpi ne, %convert_element_type3A_78, %cond3A_79 : i32
        scf.if %cond3A_80 {
          %dma_wait3A_81 = arith.constant 0 : i32
          %dma_wait3A_82 = tpu.memref_slice %arg7[%scan3A_63, %dma_wait3A_81] : memref<10x112xi32, #tpu.memory_space<vmem>> -> memref<1x112xi32, #tpu.memory_space<vmem>>
          %dma_wait3A_83 = tpu.memref_squeeze %dma_wait3A_82 : memref<1x112xi32, #tpu.memory_space<vmem>> -> memref<112xi32, #tpu.memory_space<vmem>>
          %dma_wait3A_84 = arith.constant 0 : i32
          %dma_wait3A_85 = arith.constant 0 : i32
          %dma_wait3A_86 = tpu.memref_slice %arg2[%dma_wait3A_84, %dma_wait3A_85] : memref<10000x128xf32, #tpu.memory_space<hbm>> -> memref<10000x128xf32, #tpu.memory_space<hbm>>
          tpu.wait_indirect_dma semaphore(%arg15 : memref<!tpu.dma_semaphore, #tpu.memory_space<semaphore_mem>>) src(%dma_wait3A_86 : memref<10000x128xf32, #tpu.memory_space<hbm>>) dst(%arg11 : memref<112x128xf32, #tpu.memory_space<vmem>>)
          %add3A_87 = arith.constant 2 : i32
          %add3A_88 = arith.addi %scan3A_63, %add3A_87 : i32
          %lt3A = arith.constant 10 : i32
          %lt3A_89 = arith.cmpi slt, %add3A_88, %lt3A : i32
          %convert_element_type3A_90 = arith.extui %lt3A_89 : i1 to i32
          %cond3A_91 = arith.constant 0 : i32
          %cond3A_92 = arith.cmpi ne, %convert_element_type3A_90, %cond3A_91 : i32
          scf.if %cond3A_92 {
            %ge3A = arith.constant 1 : i32
            %ge3A_99 = arith.cmpi sge, %scan3A_63, %ge3A : i32
            %convert_element_type3A_100 = arith.extui %ge3A_99 : i1 to i32
            %cond3A_101 = arith.constant 0 : i32
            %cond3A_102 = arith.cmpi ne, %convert_element_type3A_100, %cond3A_101 : i32
            scf.if %cond3A_102 {
              %sub3A = arith.constant 1 : i32
              %sub3A_111 = arith.subi %scan3A_63, %sub3A : i32
              %dma_wait3A_112 = arith.constant 0 : i32
              %dma_wait3A_113 = tpu.memref_slice %arg8[%sub3A_111, %dma_wait3A_112] : memref<10x112xi32, #tpu.memory_space<vmem>> -> memref<1x112xi32, #tpu.memory_space<vmem>>
              %dma_wait3A_114 = tpu.memref_squeeze %dma_wait3A_113 : memref<1x112xi32, #tpu.memory_space<vmem>> -> memref<112xi32, #tpu.memory_space<vmem>>
              %dma_wait3A_115 = arith.constant 0 : i32
              %dma_wait3A_116 = arith.constant 0 : i32
              %dma_wait3A_117 = tpu.memref_slice %arg12[%dma_wait3A_115, %dma_wait3A_116] : memref<10240x128xf32, #tpu.memory_space<vmem_shared>> -> memref<10240x128xf32, #tpu.memory_space<vmem_shared>>
              tpu.wait_indirect_dma semaphore(%arg17 : memref<!tpu.dma_semaphore, #tpu.memory_space<semaphore_mem>>) src(%arg10 : memref<112x128xf32, #tpu.memory_space<vmem>>) dst(%dma_wait3A_117 : memref<10240x128xf32, #tpu.memory_space<vmem_shared>>)
            } else {
            }
            %add3A_103 = arith.constant 2 : i32
            %add3A_104 = arith.addi %scan3A_63, %add3A_103 : i32
            %dma_start3A_105 = arith.constant 0 : i32
            %dma_start3A_106 = tpu.memref_slice %arg7[%add3A_104, %dma_start3A_105] : memref<10x112xi32, #tpu.memory_space<vmem>> -> memref<1x112xi32, #tpu.memory_space<vmem>>
            %dma_start3A_107 = tpu.memref_squeeze %dma_start3A_106 : memref<1x112xi32, #tpu.memory_space<vmem>> -> memref<112xi32, #tpu.memory_space<vmem>>
            %dma_start3A_108 = arith.constant 0 : i32
            %dma_start3A_109 = arith.constant 0 : i32
            %dma_start3A_110 = tpu.memref_slice %arg2[%dma_start3A_108, %dma_start3A_109] : memref<10000x128xf32, #tpu.memory_space<hbm>> -> memref<10000x128xf32, #tpu.memory_space<hbm>>
            tpu.enqueue_indirect_dma source(%dma_start3A_110 : memref<10000x128xf32, #tpu.memory_space<hbm>>) target(%arg10 : memref<112x128xf32, #tpu.memory_space<vmem>>) offsets(%dma_start3A_107 : memref<112xi32, #tpu.memory_space<vmem>>) semaphore(%arg14 : memref<!tpu.dma_semaphore, #tpu.memory_space<semaphore_mem>>)
          } else {
          }
          %dma_start3A_93 = arith.constant 0 : i32
          %dma_start3A_94 = tpu.memref_slice %arg8[%scan3A_63, %dma_start3A_93] : memref<10x112xi32, #tpu.memory_space<vmem>> -> memref<1x112xi32, #tpu.memory_space<vmem>>
          %dma_start3A_95 = tpu.memref_squeeze %dma_start3A_94 : memref<1x112xi32, #tpu.memory_space<vmem>> -> memref<112xi32, #tpu.memory_space<vmem>>
          %dma_start3A_96 = arith.constant 0 : i32
          %dma_start3A_97 = arith.constant 0 : i32
          %dma_start3A_98 = tpu.memref_slice %arg12[%dma_start3A_96, %dma_start3A_97] : memref<10240x128xf32, #tpu.memory_space<vmem_shared>> -> memref<10240x128xf32, #tpu.memory_space<vmem_shared>>
          tpu.enqueue_indirect_dma source(%arg11 : memref<112x128xf32, #tpu.memory_space<vmem>>) target(%dma_start3A_98 : memref<10240x128xf32, #tpu.memory_space<vmem_shared>>) offsets(%dma_start3A_95 : memref<112xi32, #tpu.memory_space<vmem>>) semaphore(%arg18 : memref<!tpu.dma_semaphore, #tpu.memory_space<semaphore_mem>>) {add = true}
        } else {
        }
      }
      %scan3A_42 = arith.constant 10 : i32
      %dma_wait3A = arith.constant 7 : i32
      %dma_wait3A_43 = arith.constant 0 : i32
      %dma_wait3A_44 = tpu.memref_slice %arg8[%dma_wait3A, %dma_wait3A_43] : memref<10x112xi32, #tpu.memory_space<vmem>> -> memref<1x112xi32, #tpu.memory_space<vmem>>
      %dma_wait3A_45 = tpu.memref_squeeze %dma_wait3A_44 : memref<1x112xi32, #tpu.memory_space<vmem>> -> memref<112xi32, #tpu.memory_space<vmem>>
      %dma_wait3A_46 = arith.constant 0 : i32
      %dma_wait3A_47 = arith.constant 0 : i32
      %dma_wait3A_48 = tpu.memref_slice %arg12[%dma_wait3A_46, %dma_wait3A_47] : memref<10240x128xf32, #tpu.memory_space<vmem_shared>> -> memref<10240x128xf32, #tpu.memory_space<vmem_shared>>
      tpu.wait_indirect_dma semaphore(%arg17 : memref<!tpu.dma_semaphore, #tpu.memory_space<semaphore_mem>>) src(%arg10 : memref<112x128xf32, #tpu.memory_space<vmem>>) dst(%dma_wait3A_48 : memref<10240x128xf32, #tpu.memory_space<vmem_shared>>)
      %dma_wait3A_49 = arith.constant 8 : i32
      %dma_wait3A_50 = arith.constant 0 : i32
      %dma_wait3A_51 = tpu.memref_slice %arg8[%dma_wait3A_49, %dma_wait3A_50] : memref<10x112xi32, #tpu.memory_space<vmem>> -> memref<1x112xi32, #tpu.memory_space<vmem>>
      %dma_wait3A_52 = tpu.memref_squeeze %dma_wait3A_51 : memref<1x112xi32, #tpu.memory_space<vmem>> -> memref<112xi32, #tpu.memory_space<vmem>>
      %dma_wait3A_53 = arith.constant 0 : i32
      %dma_wait3A_54 = arith.constant 0 : i32
      %dma_wait3A_55 = tpu.memref_slice %arg12[%dma_wait3A_53, %dma_wait3A_54] : memref<10240x128xf32, #tpu.memory_space<vmem_shared>> -> memref<10240x128xf32, #tpu.memory_space<vmem_shared>>
      tpu.wait_indirect_dma semaphore(%arg18 : memref<!tpu.dma_semaphore, #tpu.memory_space<semaphore_mem>>) src(%arg11 : memref<112x128xf32, #tpu.memory_space<vmem>>) dst(%dma_wait3A_55 : memref<10240x128xf32, #tpu.memory_space<vmem_shared>>)
      %dma_wait3A_56 = arith.constant 9 : i32
      %dma_wait3A_57 = arith.constant 0 : i32
      %dma_wait3A_58 = tpu.memref_slice %arg8[%dma_wait3A_56, %dma_wait3A_57] : memref<10x112xi32, #tpu.memory_space<vmem>> -> memref<1x112xi32, #tpu.memory_space<vmem>>
      %dma_wait3A_59 = tpu.memref_squeeze %dma_wait3A_58 : memref<1x112xi32, #tpu.memory_space<vmem>> -> memref<112xi32, #tpu.memory_space<vmem>>
      %dma_wait3A_60 = arith.constant 0 : i32
      %dma_wait3A_61 = arith.constant 0 : i32
      %dma_wait3A_62 = tpu.memref_slice %arg12[%dma_wait3A_60, %dma_wait3A_61] : memref<10240x128xf32, #tpu.memory_space<vmem_shared>> -> memref<10240x128xf32, #tpu.memory_space<vmem_shared>>
      tpu.wait_indirect_dma semaphore(%arg16 : memref<!tpu.dma_semaphore, #tpu.memory_space<semaphore_mem>>) src(%arg9 : memref<112x128xf32, #tpu.memory_space<vmem>>) dst(%dma_wait3A_62 : memref<10240x128xf32, #tpu.memory_space<vmem_shared>>)
    }
    %scan3A_11 = arith.constant 9 : i32
    %barrier3A_12 = arith.constant 0 : index
    tpu.barrier barrier_id(%barrier3A_12)
    %mul3A_13 = arith.constant 640 : i32
    %mul3A_14 = arith.muli %arg1, %mul3A_13 : i32
    %mul3A_15 = arith.constant 640 : i32
    %mul3A_16 = arith.muli %arg1, %mul3A_15 : i32
    "tpu.region"() ({
      %run_scoped3A = tpu.sem_alloc : memref<!tpu.dma_semaphore, #tpu.memory_space<semaphore_mem>>
      %dma_start3A = arith.constant 0 : i32
      %dma_start3A_17 = tpu.memref_slice %arg6[%arg0, %mul3A_16, %dma_start3A] : memref<2x10240x128xf32, #tpu.memory_space<hbm>> -> memref<1x640x128xf32, #tpu.memory_space<hbm>>
      %dma_start3A_18 = tpu.memref_squeeze %dma_start3A_17 : memref<1x640x128xf32, #tpu.memory_space<hbm>> -> memref<640x128xf32, #tpu.memory_space<hbm>>
      %dma_start3A_19 = arith.constant 0 : i32
      %dma_start3A_20 = tpu.memref_slice %arg12[%mul3A_14, %dma_start3A_19] : memref<10240x128xf32, #tpu.memory_space<vmem_shared>> -> memref<640x128xf32, #tpu.memory_space<vmem_shared>>
      tpu.enqueue_dma source(%dma_start3A_20 : memref<640x128xf32, #tpu.memory_space<vmem_shared>>) target(%dma_start3A_18 : memref<640x128xf32, #tpu.memory_space<hbm>>) target_semaphore(%run_scoped3A : memref<!tpu.dma_semaphore, #tpu.memory_space<semaphore_mem>>)
      %dma_wait3A = arith.constant 0 : i32
      %dma_wait3A_21 = tpu.memref_slice %arg6[%arg0, %mul3A_16, %dma_wait3A] : memref<2x10240x128xf32, #tpu.memory_space<hbm>> -> memref<1x640x128xf32, #tpu.memory_space<hbm>>
      %dma_wait3A_22 = tpu.memref_squeeze %dma_wait3A_21 : memref<1x640x128xf32, #tpu.memory_space<hbm>> -> memref<640x128xf32, #tpu.memory_space<hbm>>
      %dma_wait3A_23 = arith.constant 0 : i32
      %dma_wait3A_24 = tpu.memref_slice %arg12[%mul3A_14, %dma_wait3A_23] : memref<10240x128xf32, #tpu.memory_space<vmem_shared>> -> memref<640x128xf32, #tpu.memory_space<vmem_shared>>
      tpu.wait_dma2 semaphore(%run_scoped3A : memref<!tpu.dma_semaphore, #tpu.memory_space<semaphore_mem>>) src(%dma_wait3A_24 : memref<640x128xf32, #tpu.memory_space<vmem_shared>>) dst(%dma_wait3A_22 : memref<640x128xf32, #tpu.memory_space<hbm>>)
      tpu.yield
    }) : () -> ()
    return
  }
}

module attributes {stable_mosaic.version = 14 : i64} {
  func.func @_k1_body(%arg0: i32, %arg1: memref<2x1000x8xf32, #tpu.memory_space<vmem>>, %arg2: memref<1000x128xf32, #tpu.memory_space<vmem>>, %arg3: memref<1000x8xf32, #tpu.memory_space<vmem>>, %arg4: memref<1000x128xf32, #tpu.memory_space<vmem>>, %arg5: memref<1000x128xf32, #tpu.memory_space<vmem>>) attributes {dimension_semantics = [#tpu.dimension_semantics<arbitrary>], iteration_bounds = array<i64: 10>, scalar_prefetch = 0 : i64, scratch_operands = 0 : i64, tpu.core_type = #tpu.core_type<tc>, window_params = [{transform_indices = @transform_0, window_bounds = array<i64: 2, 1000, 8>}, {transform_indices = @transform_1, window_bounds = array<i64: 1000, 128>}, {transform_indices = @transform_2, window_bounds = array<i64: 1000, 8>}, {transform_indices = @transform_3, window_bounds = array<i64: 1000, 128>}, {transform_indices = @transform_4, window_bounds = array<i64: 1000, 128>}]} {
    %get3A = arith.constant 0 : index
    %get3A_0 = arith.constant 0 : index
    %get3A_1 = arith.constant 0 : index
    %get3A_2 = vector.load %arg1[%get3A, %get3A_0, %get3A_1] : memref<2x1000x8xf32, #tpu.memory_space<vmem>>, vector<1x1000x8xf32>
    %get3A_3 = vector.shape_cast %get3A_2 : vector<1x1000x8xf32> to vector<1000x8xf32>
    %slice3A = vector.extract_strided_slice %get3A_3 {offsets = [0, 0], sizes = [1000, 1], strides = [1, 1]} : vector<1000x8xf32> to vector<1000x1xf32>
    %get3A_4 = arith.constant 1 : index
    %get3A_5 = arith.constant 0 : index
    %get3A_6 = arith.constant 0 : index
    %get3A_7 = vector.load %arg1[%get3A_4, %get3A_5, %get3A_6] : memref<2x1000x8xf32, #tpu.memory_space<vmem>>, vector<1x1000x8xf32>
    %get3A_8 = vector.shape_cast %get3A_7 : vector<1x1000x8xf32> to vector<1000x8xf32>
    %slice3A_9 = vector.extract_strided_slice %get3A_8 {offsets = [0, 0], sizes = [1000, 1], strides = [1, 1]} : vector<1000x8xf32> to vector<1000x1xf32>
    %add3A = arith.addf %slice3A, %slice3A_9 : vector<1000x1xf32>
    %add3A_10 = arith.constant 1.000000e+00 : f32
    %add3A_11 = vector.broadcast %add3A_10 : f32 to vector<1000x1xf32>
    %add3A_12 = arith.addf %add3A, %add3A_11 : vector<1000x1xf32>
    %rsqrt3A = math.rsqrt %add3A_12 : vector<1000x1xf32>
    %broadcast_in_dim3A = vector.shape_cast %rsqrt3A : vector<1000x1xf32> to vector<1000x1xf32>
    %broadcast_in_dim3A_13 = vector.broadcast %broadcast_in_dim3A : vector<1000x1xf32> to vector<1000x8xf32>
    %swap3A = arith.constant 0 : index
    %swap3A_14 = arith.constant 0 : index
    %swap3A_15 = vector.load %arg3[%swap3A, %swap3A_14] : memref<1000x8xf32, #tpu.memory_space<vmem>>, vector<1000x8xf32>
    tpu.vector_store %arg3[%swap3A, %swap3A_14], %broadcast_in_dim3A_13 {strides = array<i32>} : memref<1000x8xf32, #tpu.memory_space<vmem>>, vector<1000x8xf32>,
    %get3A_16 = arith.constant 0 : index
    %get3A_17 = arith.constant 0 : index
    %get3A_18 = vector.load %arg2[%get3A_16, %get3A_17] : memref<1000x128xf32, #tpu.memory_space<vmem>>, vector<1000x128xf32>
    %mul3A = vector.broadcast %rsqrt3A : vector<1000x1xf32> to vector<1000x128xf32>
    %mul3A_19 = arith.mulf %get3A_18, %mul3A : vector<1000x128xf32>
    %swap3A_20 = arith.constant 0 : index
    %swap3A_21 = arith.constant 0 : index
    %swap3A_22 = vector.load %arg4[%swap3A_20, %swap3A_21] : memref<1000x128xf32, #tpu.memory_space<vmem>>, vector<1000x128xf32>
    tpu.vector_store %arg4[%swap3A_20, %swap3A_21], %mul3A_19 {strides = array<i32>} : memref<1000x128xf32, #tpu.memory_space<vmem>>, vector<1000x128xf32>,
    %get3A_23 = arith.constant 0 : index
    %get3A_24 = arith.constant 0 : index
    %get3A_25 = vector.load %arg2[%get3A_23, %get3A_24] : memref<1000x128xf32, #tpu.memory_space<vmem>>, vector<1000x128xf32>
    %mul3A_26 = arith.mulf %rsqrt3A, %rsqrt3A : vector<1000x1xf32>
    %mul3A_27 = vector.broadcast %mul3A_26 : vector<1000x1xf32> to vector<1000x128xf32>
    %mul3A_28 = arith.mulf %get3A_25, %mul3A_27 : vector<1000x128xf32>
    %swap3A_29 = arith.constant 0 : index
    %swap3A_30 = arith.constant 0 : index
    %swap3A_31 = vector.load %arg5[%swap3A_29, %swap3A_30] : memref<1000x128xf32, #tpu.memory_space<vmem>>, vector<1000x128xf32>
    tpu.vector_store %arg5[%swap3A_29, %swap3A_30], %mul3A_28 {strides = array<i32>} : memref<1000x128xf32, #tpu.memory_space<vmem>>, vector<1000x128xf32>,
    return
  }
  func.func @transform_0(%arg0: i32) -> (i32, i32, i32) {
    %c0_i32 = arith.constant 0 : i32
    %c0_i32_0 = arith.constant 0 : i32
    %c0_i32_1 = arith.constant 0 : i32
    return %c0_i32, %arg0, %c0_i32_0 : i32, i32, i32
  }
  func.func @transform_1(%arg0: i32) -> (i32, i32) {
    %c0_i32 = arith.constant 0 : i32
    %c0_i32_0 = arith.constant 0 : i32
    return %arg0, %c0_i32 : i32, i32
  }
  func.func @transform_2(%arg0: i32) -> (i32, i32) {
    %c0_i32 = arith.constant 0 : i32
    %c0_i32_0 = arith.constant 0 : i32
    return %arg0, %c0_i32 : i32, i32
  }
  func.func @transform_3(%arg0: i32) -> (i32, i32) {
    %c0_i32 = arith.constant 0 : i32
    %c0_i32_0 = arith.constant 0 : i32
    return %arg0, %c0_i32 : i32, i32
  }
  func.func @transform_4(%arg0: i32) -> (i32, i32) {
    %c0_i32 = arith.constant 0 : i32
    %c0_i32_0 = arith.constant 0 : i32
    return %arg0, %c0_i32 : i32, i32
  }
}

module attributes {stable_mosaic.version = 14 : i64} {
  func.func @_k2_body(%arg0: i32, %arg1: memref<2x1000x128xf32, #tpu.memory_space<vmem>>, %arg2: memref<1000x8xf32, #tpu.memory_space<vmem>>, %arg3: memref<1000x128xf32, #tpu.memory_space<vmem>>, %arg4: memref<128x256xf32, #tpu.memory_space<vmem>>, %arg5: memref<1x256xf32, #tpu.memory_space<vmem>>, %arg6: memref<256x256xf32, #tpu.memory_space<vmem>>, %arg7: memref<1000x128xf32, #tpu.memory_space<vmem>>, %arg8: memref<1000x128xf32, #tpu.memory_space<vmem>>, %arg9: memref<1000x256xf32, #tpu.memory_space<vmem>>) attributes {dimension_semantics = [#tpu.dimension_semantics<arbitrary>], iteration_bounds = array<i64: 10>, scalar_prefetch = 0 : i64, scratch_operands = 0 : i64, tpu.core_type = #tpu.core_type<tc>, window_params = [{transform_indices = @transform_0, window_bounds = array<i64: 2, 1000, 128>}, {transform_indices = @transform_1, window_bounds = array<i64: 1000, 8>}, {transform_indices = @transform_2, window_bounds = array<i64: 1000, 128>}, {pipeline_mode = #tpu.pipeline_mode<synchronous>, transform_indices = @transform_3, window_bounds = array<i64: 128, 256>}, {pipeline_mode = #tpu.pipeline_mode<synchronous>, transform_indices = @transform_4, window_bounds = array<i64: 1, 256>}, {pipeline_mode = #tpu.pipeline_mode<synchronous>, transform_indices = @transform_5, window_bounds = array<i64: 256, 256>}, {transform_indices = @transform_6, window_bounds = array<i64: 1000, 128>}, {transform_indices = @transform_7, window_bounds = array<i64: 1000, 128>}, {transform_indices = @transform_8, window_bounds = array<i64: 1000, 256>}]} {
    %get3A = arith.constant 0 : index
    %get3A_0 = arith.constant 0 : index
    %get3A_1 = vector.load %arg2[%get3A, %get3A_0] : memref<1000x8xf32, #tpu.memory_space<vmem>>, vector<1000x1xf32>
    %get3A_2 = arith.constant 0 : index
    %get3A_3 = arith.constant 0 : index
    %get3A_4 = arith.constant 0 : index
    %get3A_5 = vector.load %arg1[%get3A_2, %get3A_3, %get3A_4] : memref<2x1000x128xf32, #tpu.memory_space<vmem>>, vector<1x1000x128xf32>
    %get3A_6 = vector.shape_cast %get3A_5 : vector<1x1000x128xf32> to vector<1000x128xf32>
    %get3A_7 = arith.constant 1 : index
    %get3A_8 = arith.constant 0 : index
    %get3A_9 = arith.constant 0 : index
    %get3A_10 = vector.load %arg1[%get3A_7, %get3A_8, %get3A_9] : memref<2x1000x128xf32, #tpu.memory_space<vmem>>, vector<1x1000x128xf32>
    %get3A_11 = vector.shape_cast %get3A_10 : vector<1x1000x128xf32> to vector<1000x128xf32>
    %add3A = arith.addf %get3A_6, %get3A_11 : vector<1000x128xf32>
    %mul3A = vector.broadcast %get3A_1 : vector<1000x1xf32> to vector<1000x128xf32>
    %mul3A_12 = arith.mulf %mul3A, %add3A : vector<1000x128xf32>
    %get3A_13 = arith.constant 0 : index
    %get3A_14 = arith.constant 0 : index
    %get3A_15 = vector.load %arg3[%get3A_13, %get3A_14] : memref<1000x128xf32, #tpu.memory_space<vmem>>, vector<1000x128xf32>
    %add3A_16 = arith.addf %mul3A_12, %get3A_15 : vector<1000x128xf32>
    %get3A_17 = arith.constant 0 : index
    %get3A_18 = arith.constant 0 : index
    %get3A_19 = vector.load %arg4[%get3A_17, %get3A_18] : memref<128x256xf32, #tpu.memory_space<vmem>>, vector<128x256xf32>
    %dot_general3A = arith.constant dense<0.000000e+00> : vector<1000x256xf32>
    %dot_general3A_20 = tpu.matmul %add3A_16, %get3A_19, %dot_general3A {dimension_numbers = #tpu.dot_dimension_numbers<[1], [0], [0], [1], [0, 0, 1, 1], [], []>, transpose_lhs_hint = false} : vector<1000x128xf32>, vector<128x256xf32>, vector<1000x256xf32> -> vector<1000x256xf32>
    %get3A_21 = arith.constant 0 : index
    %get3A_22 = arith.constant 0 : index
    %get3A_23 = vector.load %arg5[%get3A_21, %get3A_22] : memref<1x256xf32, #tpu.memory_space<vmem>>, vector<1x256xf32>
    %add3A_24 = vector.broadcast %get3A_23 : vector<1x256xf32> to vector<1000x256xf32>
    %add3A_25 = arith.addf %dot_general3A_20, %add3A_24 : vector<1000x256xf32>
    %max3A = arith.constant 0.000000e+00 : f32
    %max3A_26 = vector.broadcast %max3A : f32 to vector<1000x256xf32>
    %max3A_27 = arith.maximumf %add3A_25, %max3A_26 : vector<1000x256xf32>
    %get3A_28 = arith.constant 0 : index
    %get3A_29 = arith.constant 0 : index
    %get3A_30 = vector.load %arg6[%get3A_28, %get3A_29] : memref<256x256xf32, #tpu.memory_space<vmem>>, vector<256x256xf32>
    %dot_general3A_31 = arith.constant dense<0.000000e+00> : vector<1000x256xf32>
    %dot_general3A_32 = tpu.matmul %max3A_27, %get3A_30, %dot_general3A_31 {dimension_numbers = #tpu.dot_dimension_numbers<[1], [0], [0], [1], [0, 0, 1, 1], [], []>, transpose_lhs_hint = false} : vector<1000x256xf32>, vector<256x256xf32>, vector<1000x256xf32> -> vector<1000x256xf32>
    %mul3A_33 = vector.broadcast %get3A_1 : vector<1000x1xf32> to vector<1000x256xf32>
    %mul3A_34 = arith.mulf %dot_general3A_32, %mul3A_33 : vector<1000x256xf32>
    %slice3A = vector.extract_strided_slice %mul3A_34 {offsets = [0, 0], sizes = [1000, 128], strides = [1, 1]} : vector<1000x256xf32> to vector<1000x128xf32>
    %swap3A = arith.constant 0 : index
    %swap3A_35 = arith.constant 0 : index
    %swap3A_36 = vector.load %arg7[%swap3A, %swap3A_35] : memref<1000x128xf32, #tpu.memory_space<vmem>>, vector<1000x128xf32>
    tpu.vector_store %arg7[%swap3A, %swap3A_35], %slice3A {strides = array<i32>} : memref<1000x128xf32, #tpu.memory_space<vmem>>, vector<1000x128xf32>,
    %slice3A_37 = vector.extract_strided_slice %mul3A_34 {offsets = [0, 128], sizes = [1000, 128], strides = [1, 1]} : vector<1000x256xf32> to vector<1000x128xf32>
    %swap3A_38 = arith.constant 0 : index
    %swap3A_39 = arith.constant 0 : index
    %swap3A_40 = vector.load %arg8[%swap3A_38, %swap3A_39] : memref<1000x128xf32, #tpu.memory_space<vmem>>, vector<1000x128xf32>
    tpu.vector_store %arg8[%swap3A_38, %swap3A_39], %slice3A_37 {strides = array<i32>} : memref<1000x128xf32, #tpu.memory_space<vmem>>, vector<1000x128xf32>,
    %mul3A_41 = arith.mulf %get3A_1, %get3A_1 : vector<1000x1xf32>
    %mul3A_42 = vector.broadcast %mul3A_41 : vector<1000x1xf32> to vector<1000x256xf32>
    %mul3A_43 = arith.mulf %dot_general3A_32, %mul3A_42 : vector<1000x256xf32>
    %swap3A_44 = arith.constant 0 : index
    %swap3A_45 = arith.constant 0 : index
    %swap3A_46 = vector.load %arg9[%swap3A_44, %swap3A_45] : memref<1000x256xf32, #tpu.memory_space<vmem>>, vector<1000x256xf32>
    tpu.vector_store %arg9[%swap3A_44, %swap3A_45], %mul3A_43 {strides = array<i32>} : memref<1000x256xf32, #tpu.memory_space<vmem>>, vector<1000x256xf32>,
    return
  }
  func.func @transform_0(%arg0: i32) -> (i32, i32, i32) {
    %c0_i32 = arith.constant 0 : i32
    %c0_i32_0 = arith.constant 0 : i32
    %c0_i32_1 = arith.constant 0 : i32
    return %c0_i32, %arg0, %c0_i32_0 : i32, i32, i32
  }
  func.func @transform_1(%arg0: i32) -> (i32, i32) {
    %c0_i32 = arith.constant 0 : i32
    %c0_i32_0 = arith.constant 0 : i32
    return %arg0, %c0_i32 : i32, i32
  }
  func.func @transform_2(%arg0: i32) -> (i32, i32) {
    %c0_i32 = arith.constant 0 : i32
    %c0_i32_0 = arith.constant 0 : i32
    return %arg0, %c0_i32 : i32, i32
  }
  func.func @transform_3(%arg0: i32) -> (i32, i32) {
    %c0_i32 = arith.constant 0 : i32
    %c0_i32_0 = arith.constant 0 : i32
    %c0_i32_1 = arith.constant 0 : i32
    return %c0_i32, %c0_i32_0 : i32, i32
  }
  func.func @transform_4(%arg0: i32) -> (i32, i32) {
    %c0_i32 = arith.constant 0 : i32
    %c0_i32_0 = arith.constant 0 : i32
    %c0_i32_1 = arith.constant 0 : i32
    return %c0_i32, %c0_i32_0 : i32, i32
  }
  func.func @transform_5(%arg0: i32) -> (i32, i32) {
    %c0_i32 = arith.constant 0 : i32
    %c0_i32_0 = arith.constant 0 : i32
    %c0_i32_1 = arith.constant 0 : i32
    return %c0_i32, %c0_i32_0 : i32, i32
  }
  func.func @transform_6(%arg0: i32) -> (i32, i32) {
    %c0_i32 = arith.constant 0 : i32
    %c0_i32_0 = arith.constant 0 : i32
    return %arg0, %c0_i32 : i32, i32
  }
  func.func @transform_7(%arg0: i32) -> (i32, i32) {
    %c0_i32 = arith.constant 0 : i32
    %c0_i32_0 = arith.constant 0 : i32
    return %arg0, %c0_i32 : i32, i32
  }
  func.func @transform_8(%arg0: i32) -> (i32, i32) {
    %c0_i32 = arith.constant 0 : i32
    %c0_i32_0 = arith.constant 0 : i32
    return %arg0, %c0_i32 : i32, i32
  }
}

module attributes {stable_mosaic.version = 14 : i64} {
  func.func @_k3_body(%arg0: i32, %arg1: memref<2x1000x128xf32, #tpu.memory_space<vmem>>, %arg2: memref<1000x8xf32, #tpu.memory_space<vmem>>, %arg3: memref<1000x256xf32, #tpu.memory_space<vmem>>, %arg4: memref<256x40xf32, #tpu.memory_space<vmem>>, %arg5: memref<1x256xf32, #tpu.memory_space<vmem>>, %arg6: memref<1000x40xf32, #tpu.memory_space<vmem>>, %arg7: memref<1000x40xf32, #tpu.memory_space<vmem>>) attributes {dimension_semantics = [#tpu.dimension_semantics<arbitrary>], iteration_bounds = array<i64: 10>, scalar_prefetch = 0 : i64, scratch_operands = 0 : i64, tpu.core_type = #tpu.core_type<tc>, window_params = [{transform_indices = @transform_0, window_bounds = array<i64: 2, 1000, 128>}, {transform_indices = @transform_1, window_bounds = array<i64: 1000, 8>}, {transform_indices = @transform_2, window_bounds = array<i64: 1000, 256>}, {pipeline_mode = #tpu.pipeline_mode<synchronous>, transform_indices = @transform_3, window_bounds = array<i64: 256, 40>}, {pipeline_mode = #tpu.pipeline_mode<synchronous>, transform_indices = @transform_4, window_bounds = array<i64: 1, 256>}, {transform_indices = @transform_5, window_bounds = array<i64: 1000, 40>}, {transform_indices = @transform_6, window_bounds = array<i64: 1000, 40>}]} {
    %get3A = arith.constant 0 : index
    %get3A_0 = arith.constant 0 : index
    %get3A_1 = vector.load %arg2[%get3A, %get3A_0] : memref<1000x8xf32, #tpu.memory_space<vmem>>, vector<1000x1xf32>
    %get3A_2 = arith.constant 0 : index
    %get3A_3 = arith.constant 0 : index
    %get3A_4 = arith.constant 0 : index
    %get3A_5 = vector.load %arg1[%get3A_2, %get3A_3, %get3A_4] : memref<2x1000x128xf32, #tpu.memory_space<vmem>>, vector<1x1000x128xf32>
    %get3A_6 = vector.shape_cast %get3A_5 : vector<1x1000x128xf32> to vector<1000x128xf32>
    %get3A_7 = arith.constant 1 : index
    %get3A_8 = arith.constant 0 : index
    %get3A_9 = arith.constant 0 : index
    %get3A_10 = vector.load %arg1[%get3A_7, %get3A_8, %get3A_9] : memref<2x1000x128xf32, #tpu.memory_space<vmem>>, vector<1x1000x128xf32>
    %get3A_11 = vector.shape_cast %get3A_10 : vector<1x1000x128xf32> to vector<1000x128xf32>
    %concatenate3A = tpu.concatenate %get3A_6, %get3A_11 in 1 : vector<1000x128xf32>, vector<1000x128xf32> -> vector<1000x256xf32>
    %mul3A = vector.broadcast %get3A_1 : vector<1000x1xf32> to vector<1000x256xf32>
    %mul3A_12 = arith.mulf %mul3A, %concatenate3A : vector<1000x256xf32>
    %get3A_13 = arith.constant 0 : index
    %get3A_14 = arith.constant 0 : index
    %get3A_15 = vector.load %arg3[%get3A_13, %get3A_14] : memref<1000x256xf32, #tpu.memory_space<vmem>>, vector<1000x256xf32>
    %add3A = arith.addf %mul3A_12, %get3A_15 : vector<1000x256xf32>
    %get3A_16 = arith.constant 0 : index
    %get3A_17 = arith.constant 0 : index
    %get3A_18 = vector.load %arg5[%get3A_16, %get3A_17] : memref<1x256xf32, #tpu.memory_space<vmem>>, vector<1x256xf32>
    %add3A_19 = vector.broadcast %get3A_18 : vector<1x256xf32> to vector<1000x256xf32>
    %add3A_20 = arith.addf %add3A, %add3A_19 : vector<1000x256xf32>
    %max3A = arith.constant 0.000000e+00 : f32
    %max3A_21 = vector.broadcast %max3A : f32 to vector<1000x256xf32>
    %max3A_22 = arith.maximumf %add3A_20, %max3A_21 : vector<1000x256xf32>
    %get3A_23 = arith.constant 0 : index
    %get3A_24 = arith.constant 0 : index
    %get3A_25 = vector.load %arg4[%get3A_23, %get3A_24] : memref<256x40xf32, #tpu.memory_space<vmem>>, vector<256x40xf32>
    %dot_general3A = arith.constant dense<0.000000e+00> : vector<1000x40xf32>
    %dot_general3A_26 = tpu.matmul %max3A_22, %get3A_25, %dot_general3A {dimension_numbers = #tpu.dot_dimension_numbers<[1], [0], [0], [1], [0, 0, 1, 1], [], []>, transpose_lhs_hint = false} : vector<1000x256xf32>, vector<256x40xf32>, vector<1000x40xf32> -> vector<1000x40xf32>
    %mul3A_27 = vector.broadcast %get3A_1 : vector<1000x1xf32> to vector<1000x40xf32>
    %mul3A_28 = arith.mulf %dot_general3A_26, %mul3A_27 : vector<1000x40xf32>
    %swap3A = arith.constant 0 : index
    %swap3A_29 = arith.constant 0 : index
    %swap3A_30 = vector.load %arg6[%swap3A, %swap3A_29] : memref<1000x40xf32, #tpu.memory_space<vmem>>, vector<1000x40xf32>
    tpu.vector_store %arg6[%swap3A, %swap3A_29], %mul3A_28 {strides = array<i32>} : memref<1000x40xf32, #tpu.memory_space<vmem>>, vector<1000x40xf32>,
    %mul3A_31 = arith.mulf %get3A_1, %get3A_1 : vector<1000x1xf32>
    %mul3A_32 = vector.broadcast %mul3A_31 : vector<1000x1xf32> to vector<1000x40xf32>
    %mul3A_33 = arith.mulf %dot_general3A_26, %mul3A_32 : vector<1000x40xf32>
    %swap3A_34 = arith.constant 0 : index
    %swap3A_35 = arith.constant 0 : index
    %swap3A_36 = vector.load %arg7[%swap3A_34, %swap3A_35] : memref<1000x40xf32, #tpu.memory_space<vmem>>, vector<1000x40xf32>
    tpu.vector_store %arg7[%swap3A_34, %swap3A_35], %mul3A_33 {strides = array<i32>} : memref<1000x40xf32, #tpu.memory_space<vmem>>, vector<1000x40xf32>,
    return
  }
  func.func @transform_0(%arg0: i32) -> (i32, i32, i32) {
    %c0_i32 = arith.constant 0 : i32
    %c0_i32_0 = arith.constant 0 : i32
    %c0_i32_1 = arith.constant 0 : i32
    return %c0_i32, %arg0, %c0_i32_0 : i32, i32, i32
  }
  func.func @transform_1(%arg0: i32) -> (i32, i32) {
    %c0_i32 = arith.constant 0 : i32
    %c0_i32_0 = arith.constant 0 : i32
    return %arg0, %c0_i32 : i32, i32
  }
  func.func @transform_2(%arg0: i32) -> (i32, i32) {
    %c0_i32 = arith.constant 0 : i32
    %c0_i32_0 = arith.constant 0 : i32
    return %arg0, %c0_i32 : i32, i32
  }
  func.func @transform_3(%arg0: i32) -> (i32, i32) {
    %c0_i32 = arith.constant 0 : i32
    %c0_i32_0 = arith.constant 0 : i32
    %c0_i32_1 = arith.constant 0 : i32
    return %c0_i32, %c0_i32_0 : i32, i32
  }
  func.func @transform_4(%arg0: i32) -> (i32, i32) {
    %c0_i32 = arith.constant 0 : i32
    %c0_i32_0 = arith.constant 0 : i32
    %c0_i32_1 = arith.constant 0 : i32
    return %c0_i32, %c0_i32_0 : i32, i32
  }
  func.func @transform_5(%arg0: i32) -> (i32, i32) {
    %c0_i32 = arith.constant 0 : i32
    %c0_i32_0 = arith.constant 0 : i32
    return %arg0, %c0_i32 : i32, i32
  }
  func.func @transform_6(%arg0: i32) -> (i32, i32) {
    %c0_i32 = arith.constant 0 : i32
    %c0_i32_0 = arith.constant 0 : i32
    return %arg0, %c0_i32 : i32, i32
  }
}

module attributes {stable_mosaic.version = 14 : i64} {
  func.func @_k4_body(%arg0: i32, %arg1: memref<2x1000x40xf32, #tpu.memory_space<vmem>>, %arg2: memref<1000x8xf32, #tpu.memory_space<vmem>>, %arg3: memref<1000x40xf32, #tpu.memory_space<vmem>>, %arg4: memref<1x40xf32, #tpu.memory_space<vmem>>, %arg5: memref<1000x40xf32, #tpu.memory_space<vmem>>, %arg6: memref<1000x40xf32, #tpu.memory_space<vmem>>) attributes {dimension_semantics = [#tpu.dimension_semantics<arbitrary>], iteration_bounds = array<i64: 10>, scalar_prefetch = 0 : i64, scratch_operands = 0 : i64, tpu.core_type = #tpu.core_type<tc>, window_params = [{transform_indices = @transform_0, window_bounds = array<i64: 2, 1000, 40>}, {transform_indices = @transform_1, window_bounds = array<i64: 1000, 8>}, {transform_indices = @transform_2, window_bounds = array<i64: 1000, 40>}, {pipeline_mode = #tpu.pipeline_mode<synchronous>, transform_indices = @transform_3, window_bounds = array<i64: 1, 40>}, {transform_indices = @transform_4, window_bounds = array<i64: 1000, 40>}, {transform_indices = @transform_5, window_bounds = array<i64: 1000, 40>}]} {
    %get3A = arith.constant 0 : index
    %get3A_0 = arith.constant 0 : index
    %get3A_1 = vector.load %arg2[%get3A, %get3A_0] : memref<1000x8xf32, #tpu.memory_space<vmem>>, vector<1000x1xf32>
    %get3A_2 = arith.constant 0 : index
    %get3A_3 = arith.constant 0 : index
    %get3A_4 = arith.constant 0 : index
    %get3A_5 = vector.load %arg1[%get3A_2, %get3A_3, %get3A_4] : memref<2x1000x40xf32, #tpu.memory_space<vmem>>, vector<1x1000x40xf32>
    %get3A_6 = vector.shape_cast %get3A_5 : vector<1x1000x40xf32> to vector<1000x40xf32>
    %get3A_7 = arith.constant 1 : index
    %get3A_8 = arith.constant 0 : index
    %get3A_9 = arith.constant 0 : index
    %get3A_10 = vector.load %arg1[%get3A_7, %get3A_8, %get3A_9] : memref<2x1000x40xf32, #tpu.memory_space<vmem>>, vector<1x1000x40xf32>
    %get3A_11 = vector.shape_cast %get3A_10 : vector<1x1000x40xf32> to vector<1000x40xf32>
    %add3A = arith.addf %get3A_6, %get3A_11 : vector<1000x40xf32>
    %mul3A = vector.broadcast %get3A_1 : vector<1000x1xf32> to vector<1000x40xf32>
    %mul3A_12 = arith.mulf %mul3A, %add3A : vector<1000x40xf32>
    %get3A_13 = arith.constant 0 : index
    %get3A_14 = arith.constant 0 : index
    %get3A_15 = vector.load %arg3[%get3A_13, %get3A_14] : memref<1000x40xf32, #tpu.memory_space<vmem>>, vector<1000x40xf32>
    %add3A_16 = arith.addf %mul3A_12, %get3A_15 : vector<1000x40xf32>
    %get3A_17 = arith.constant 0 : index
    %get3A_18 = arith.constant 0 : index
    %get3A_19 = vector.load %arg4[%get3A_17, %get3A_18] : memref<1x40xf32, #tpu.memory_space<vmem>>, vector<1x40xf32>
    %add3A_20 = vector.broadcast %get3A_19 : vector<1x40xf32> to vector<1000x40xf32>
    %add3A_21 = arith.addf %add3A_16, %add3A_20 : vector<1000x40xf32>
    %reduce_max3A = arith.constant dense<0xFF800000> : vector<1000xf32>
    %reduce_max3A_22 = vector.multi_reduction <maximumf>, %add3A_21, %reduce_max3A [1] : vector<1000x40xf32> to vector<1000xf32>
    %broadcast_in_dim3A = vector.shape_cast %reduce_max3A_22 : vector<1000xf32> to vector<1000x1xf32>
    %sub3A = vector.broadcast %broadcast_in_dim3A : vector<1000x1xf32> to vector<1000x40xf32>
    %sub3A_23 = arith.subf %add3A_21, %sub3A : vector<1000x40xf32>
    %exp3A = math.exp %sub3A_23 : vector<1000x40xf32>
    %reduce_sum3A = arith.constant dense<0.000000e+00> : vector<1000xf32>
    %reduce_sum3A_24 = vector.multi_reduction <add>, %exp3A, %reduce_sum3A [1] : vector<1000x40xf32> to vector<1000xf32>
    %broadcast_in_dim3A_25 = vector.shape_cast %reduce_sum3A_24 : vector<1000xf32> to vector<1000x1xf32>
    %div3A = vector.broadcast %broadcast_in_dim3A_25 : vector<1000x1xf32> to vector<1000x40xf32>
    %div3A_26 = arith.divf %exp3A, %div3A : vector<1000x40xf32>
    %swap3A = arith.constant 0 : index
    %swap3A_27 = arith.constant 0 : index
    %swap3A_28 = vector.load %arg5[%swap3A, %swap3A_27] : memref<1000x40xf32, #tpu.memory_space<vmem>>, vector<1000x40xf32>
    tpu.vector_store %arg5[%swap3A, %swap3A_27], %div3A_26 {strides = array<i32>} : memref<1000x40xf32, #tpu.memory_space<vmem>>, vector<1000x40xf32>,
    %swap3A_29 = arith.constant 0 : index
    %swap3A_30 = arith.constant 0 : index
    %swap3A_31 = vector.load %arg6[%swap3A_29, %swap3A_30] : memref<1000x40xf32, #tpu.memory_space<vmem>>, vector<1000x40xf32>
    tpu.vector_store %arg6[%swap3A_29, %swap3A_30], %add3A_21 {strides = array<i32>} : memref<1000x40xf32, #tpu.memory_space<vmem>>, vector<1000x40xf32>,
    return
  }
  func.func @transform_0(%arg0: i32) -> (i32, i32, i32) {
    %c0_i32 = arith.constant 0 : i32
    %c0_i32_0 = arith.constant 0 : i32
    %c0_i32_1 = arith.constant 0 : i32
    return %c0_i32, %arg0, %c0_i32_0 : i32, i32, i32
  }
  func.func @transform_1(%arg0: i32) -> (i32, i32) {
    %c0_i32 = arith.constant 0 : i32
    %c0_i32_0 = arith.constant 0 : i32
    return %arg0, %c0_i32 : i32, i32
  }
  func.func @transform_2(%arg0: i32) -> (i32, i32) {
    %c0_i32 = arith.constant 0 : i32
    %c0_i32_0 = arith.constant 0 : i32
    return %arg0, %c0_i32 : i32, i32
  }
  func.func @transform_3(%arg0: i32) -> (i32, i32) {
    %c0_i32 = arith.constant 0 : i32
    %c0_i32_0 = arith.constant 0 : i32
    %c0_i32_1 = arith.constant 0 : i32
    return %c0_i32, %c0_i32_0 : i32, i32
  }
  func.func @transform_4(%arg0: i32) -> (i32, i32) {
    %c0_i32 = arith.constant 0 : i32
    %c0_i32_0 = arith.constant 0 : i32
    return %arg0, %c0_i32 : i32, i32
  }
  func.func @transform_5(%arg0: i32) -> (i32, i32) {
    %c0_i32 = arith.constant 0 : i32
    %c0_i32_0 = arith.constant 0 : i32
    return %arg0, %c0_i32 : i32, i32
  }
}

</mosaic_0001>

<sc_bundles>
// kernel: kernel.10.cloned.1.call-start
scs
__scs_entry_jumppad:
0x0: {  	(pc) =	sbr.rel $0x88, $3  }
0x1: {  	(tag) =	ssettag $0x0;
	lr =	simm.s32 $0x1  }
0x2: {  	[smem:$0x3F99] =	sst lr;
	_ =	strace $0xD0000000  }
0x3: {  	_ = 	snop  }
0x4: {  	_ = 	snop  }
0x5: {  	_ = 	snop  }
0x6: {  	_ = 	snop  }
0x7: {  	_ = 	snop  }
__scs_overlays_trampoline_lowered:
0x8: {  	[smem:$0x3FA8] =	sst s0  }
0x9: {  	[smem:$0x3FA9] =	sst s1  }
0xa: {  	[smem:$0x3FAA] =	sst s2  }
0xb: {  	[smem:$0x3FAB] =	sst s3  }
0xc: {  	[smem:$0x3FAC] =	sst s4  }
0xd: {  	[smem:$0x3FAD] =	sst s5  }
0xe: {  	[smem:$0x3FAE] =	sst s6  }
0xf: {  	[smem:$0x3FAF] =	sst s7  }
0x10: {  	[smem:$0x3FB0] =	sst s8  }
0x11: {  	[smem:$0x3FB1] =	sst s9;
	s0 =	simm.s32 @!p0 $0x0  }
0x12: {  	s1 =	sld [smem:$0x3F97];
	s0 =	simm.s32 @p0 $0x1  }
0x13: {  	[smem:$0x3FB2] =	sst s0;
	s0 =	simm.s32 @!p1 $0x0  }
0x14: {  	s2 =	sld [smem:$0x3F96];
	s0 =	simm.s32 @p1 $0x1  }
0x15: {  	[smem:$0x3FB3] =	sst s0;
	s0 =	simm.s32 @!p2 $0x0  }
0x16: {  	s3 =	sld [smem:$0x3FDB];
	s0 =	simm.s32 @p2 $0x1  }
0x17: {  	s4 =	simm.s32 $0x1BF5;
	[smem:$0x3FB5] =	sst s0  }
0x18: {  	s0 =	sld [smem:$0x3F98];
	_ =	swait.ge [sflag:s4], $0x0  }
0x19: {  	s7 =	sld [smem:$0x3F99]  }
0x1a: {  	s8 =	sadd.s32 $0xFFFFE003, lr  }
0x1b: {  	s9 =	sadd.s32 $0xFFFFFEF7, lr;
	s5 =	simm.s32 $0xFFFFFFFF;
	p2 =	slt.u32 s8, $0xFFFFF086  }
0x1c: {  	p1 =	slt.u32 s9, $0xF7A;
	s5 =	simm.s32 @!p2 $0x0  }
0x1d: {  	s5 =	simm.s32 @p1 $0x1;
	p0 =	seq.s32 s7, s2  }
0x1e: {  	s7 =	smul.u32 @!p0 $0xF7A, s2;
	p2 =	seq.s32 @!p0 s5, $0x0  }
0x1f: {  	s9 =	smul.u32 $0xF7A, s1;
	s8 =	simm.s32 @!p0 $0x1BF5;
	p2 =	por !p2, p0  }
0x20: {  	[sflag:s8] =	ssyncset.s32 @!p0 $0xFFFFF086;
	s6 =	sadd.s32 @!p0 s3, s7;
	s7 =	simm.s32 @!p0 $0x108  }
0x21: {  	s3 =	sadd.s32 s3, s9;
	s6 =	sadd.s32 @!p0 $0x88, s6;
	s7 =	simm.s32 @p2 $0x1082  }
0x22: {  	[simem:s7], [sflag:s8] =	dma.local @!p0 [hbm:s6], $0xF7A  }
0x23: {  	s9 =	sor.u32 $0xD0000000, s2;
	s6 =	simm.s32 $0x108;
	_ =	swait.ge @!p0 [sflag:s8], $0x0  }
0x24: {  	s3 =	sadd.s32 $0x88, s3;
	s6 =	simm.s32 @!p1 $0x1082;
	[sflag:s4] =	ssyncset.s32 $0xFFFFF086  }
0x25: {  	[simem:s6], [sflag:s4] =	dma.local [hbm:s3], $0xF7A  }
0x26: {  	[smem:$0x3F99] =	sst s1;
	(tag) =	ssettag s2;
	_ =	strace s9  }
0x27: {  	s1 =	sld [smem:$0x3FA9]  }
0x28: {  	s2 =	sld [smem:$0x3FAA]  }
0x29: {  	s4 =	sld [smem:$0x3FAC]  }
0x2a: {  	p0 =	seq.s32 s5, $0x0;
	s5 =	sld [smem:$0x3FAD]  }
0x2b: {  	s6 =	sld [smem:$0x3FAE]  }
0x2c: {  	s7 =	sld [smem:$0x3FAF]  }
0x2d: {  	s3 =	simm.s32 $0x108;
	s8 =	sld [smem:$0x3FB0]  }
0x2e: {  	s3 =	simm.s32 @!p0 $0x1082;
	s9 =	sld [smem:$0x3FB1]  }
0x2f: {  	lr =	sadd.s32 s0, s3;
	s0 =	sld [smem:$0x3FA8]  }
0x30: {  	s3 =	sld [smem:$0x3FAB]  }
0x31: {  	[smem:$0x3FB4] =	sst s10  }
0x32: {  	s10 =	sld [smem:$0x3FB2];
	_ =	sdelay $0x3  }
0x33: {  	p0 =	seq.s32 s10, $0x1;
	s10 =	sld [smem:$0x3FB4];
	_ =	sdelay $0x3  }
0x34: {  	[smem:$0x3FB4] =	sst s10  }
0x35: {  	s10 =	sld [smem:$0x3FB3];
	_ =	sdelay $0x3  }
0x36: {  	p1 =	seq.s32 s10, $0x1;
	s10 =	sld [smem:$0x3FB4];
	_ =	sdelay $0x3  }
0x37: {  	[smem:$0x3FB4] =	sst s10  }
0x38: {  	s10 =	sld [smem:$0x3FB5]  }
0x39: {  	_ = 	snop;
	(pc) =	sbr.ind lr, $3  }
0x3a: {  	_ = 	snop  }
0x3b: {  	_ = 	snop  }
0x3c: {  	p2 =	seq.s32 s10, $0x1;
	s10 =	sld [smem:$0x3FB4]  }
0x3d: {  	_ =	shalt  }
0x3e: {  	_ =	shalt  }
0x3f: {  	_ =	shalt  }
0x40: {  	_ =	shalt  }
0x41: {  	_ =	shalt  }
0x42: {  	_ =	shalt  }
0x43: {  	_ =	shalt  }
0x44: {  	_ =	shalt  }
0x45: {  	_ =	shalt  }
0x46: {  	_ =	shalt  }
0x47: {  	_ =	shalt  }
0x48: {  	_ =	shalt  }
0x49: {  	_ =	shalt  }
0x4a: {  	_ =	shalt  }
0x4b: {  	_ =	shalt  }
0x4c: {  	_ =	shalt  }
0x4d: {  	_ =	shalt  }
0x4e: {  	_ =	shalt  }
0x4f: {  	_ =	shalt  }
0x50: {  	_ =	shalt  }
0x51: {  	_ =	shalt  }
0x52: {  	_ =	shalt  }
0x53: {  	_ =	shalt  }
0x54: {  	_ =	shalt  }
0x55: {  	_ =	shalt  }
0x56: {  	_ =	shalt  }
0x57: {  	_ =	shalt  }
0x58: {  	_ =	shalt  }
0x59: {  	_ =	shalt  }
0x5a: {  	_ =	shalt  }
0x5b: {  	_ =	shalt  }
0x5c: {  	_ =	shalt  }
0x5d: {  	_ =	shalt  }
0x5e: {  	_ =	shalt  }
0x5f: {  	_ =	shalt  }
0x60: {  	_ =	shalt  }
0x61: {  	_ =	shalt  }
0x62: {  	_ =	shalt  }
0x63: {  	_ =	shalt  }
0x64: {  	_ =	shalt  }
0x65: {  	_ =	shalt  }
0x66: {  	_ =	shalt  }
0x67: {  	_ =	shalt  }
0x68: {  	_ =	shalt  }
0x69: {  	_ =	shalt  }
0x6a: {  	_ =	shalt  }
0x6b: {  	_ =	shalt  }
0x6c: {  	_ =	shalt  }
0x6d: {  	_ =	shalt  }
0x6e: {  	_ =	shalt  }
0x6f: {  	_ =	shalt  }
0x70: {  	_ =	shalt  }
0x71: {  	_ =	shalt  }
0x72: {  	_ =	shalt  }
0x73: {  	_ =	shalt  }
0x74: {  	_ =	shalt  }
0x75: {  	_ =	shalt  }
0x76: {  	_ =	shalt  }
0x77: {  	_ =	shalt  }
0x78: {  	_ =	shalt  }
0x79: {  	_ =	shalt  }
0x7a: {  	_ =	shalt  }
0x7b: {  	_ =	shalt  }
0x7c: {  	_ =	shalt  }
0x7d: {  	_ =	shalt  }
0x7e: {  	_ =	shalt  }
0x7f: {  	_ =	shalt  }
0x80: {  	_ =	shalt  }
0x81: {  	_ =	shalt  }
0x82: {  	_ =	shalt  }
0x83: {  	_ =	shalt  }
0x84: {  	_ =	shalt  }
0x85: {  	_ =	shalt  }
0x86: {  	_ =	shalt  }
0x87: {  	_ =	shalt  }
.Lfunc_end0:
.L_simem_size_0:
called_computation_lowered:
.L_overlay_start_0:
0x88: {  	s2 =	sld [smem:$0x3FD9]  }
0x89: {  	s3 =	sld [smem:$0x3FFE];
	_ =	sdelay $0x1  }
0x8a: {  	s1 =	srdreg.scid  }
0x8b: {  	s0 =	sand.u32 $0x1, s1  }
0x8c: {  	s14 =	sshll.u32 s0, $0xA;
	s2 =	sadd.s32 s3, s2  }
0x8d: {  	s2 =	sadd.s32 s2, s14  }
0x8e: {  	[smem:$0x3FC0] =	sst s2  }
0x8f: {  	_ = 	snop  }
0x90: {  	s2 =	sld [smem:$0x3FD0];
	_ =	sdelay $0x2  }
0x91: {  	s15 =	simm.s32 $0xA;
	s4 =	simm.s32 $0x10  }
0x92: {  	[smem:s4], [sflag:s15] =	dma.local [hbm:s2], $0x1  }
0x93: {  	_ =	swait.eq [sflag:s15], $0x1  }
0x94: {  	[sflag:s15] =	ssyncset.done $0x0  }
0x95: {  	s16 =	sld [smem:$0x10];
	[sflag:s15] =	ssyncadd.s32 $0xFFFFFFFF  }
0x96: {  	s17 =	sld [smem:$0x11];
	(tm) =	ssettm $0x1  }
0x97: {  	s18 =	sld [smem:$0x3FFB];
	_ =	sdelay $0x3  }
0x98: {  	_ =	strace s18  }
0x99: {  	s4 =	sld [smem:$0x3FFC];
	_ =	sdelay $0x3  }
0x9a: {  	_ =	strace s4  }
0x9b: {  	s4 =	sld [smem:$0x3FFD];
	_ =	sdelay $0x3  }
0x9c: {  	_ =	strace s4  }
0x9d: {  	_ =	strace $0x8FFFFFFF  }
0x9e: {  	s19 =	sld [smem:$0x3FDB];
	_ =	sdelay $0x1  }
0x9f: {  	s5 =	simm.s32 $_scs_section_size  }
0xa0: {  	s6 =	simm.s32 $_size__tile_overlayer_lowered;
	s7 =	simm.s32 $_tile_overlayer_lowered  }
0xa1: {  	s22 =	simm.s32 $0x1BFF;
	s21 =	sshll.u32 s7, $0x1;
	s4 =	sadd.s32 s5, s19  }
0xa2: {  	s8 =	simm.s32 $0x0;
	s20 =	sshll.u32 s6, $0x1;
	s6 =	sadd.s32 s21, s4  }
0xa3: {  	[timem:s8], [sflag:s22] =	dma.local [hbm:s6], s20  }
0xa4: {  	_ =	swait.ge [sflag:s22], s20  }
0xa5: {  	s5 =	ssub.s32 $0x0, s20;
	[sflag:s22] =	ssyncset.done $0x0  }
0xa6: {  	[sflag:s22] =	ssyncadd.s32 s5;
	_ =	sdelay $0x1  }
0xa7: {  	s23 =	simm.s32 $0x1B8B  }
0xa8: {  	_ =	swait.ge [sflag:s23], $0x1  }
0xa9: {  	[sflag:s23] =	ssyncset.done $0x0  }
0xaa: {  	s25 =	simm.s32 $0x1B8E;
	s24 =	sld [smem:$0x3FFE];
	[sflag:s23] =	ssyncadd.s32 $0xFFFFFFFF  }
0xab: {  	s26 =	simm.s32 $execute0_lowered;
	[smem:$0x3FD2] =	sst s25  }
0xac: {  	s6 =	sshll.u32 s26, $0x1;
	_ =	strace $0x80000046;
	[dreg:$0x1] =	wrdreg $0xFFFFFFFF  }
0xad: {  	s28 =	simm.s32 $_size_execute0_lowered;
	s4 =	sadd.s32 s4, s6;
	[dreg:$0x0] =	wrdreg $0x0  }
0xae: {  	s6 =	sshll.u32 s28, $0x1;
	[dreg:$0x2] =	wrdreg s4  }
0xaf: {  	[dreg:$0x3] =	wrdreg s6  }
0xb0: {  	[dreg:$0x4] =	wrdreg $0xC0  }
0xb1: {  	_ =	task [dreg:s8], $0x5FFFF  }
0xb2: {  	[dreg:$0x1] =	wrdreg $0xFFFFFFFF  }
0xb3: {  	[dreg:$0x0] =	wrdreg $0x60  }
0xb4: {  	[dreg:$0x2] =	wrdreg s16  }
0xb5: {  	[dreg:$0x3] =	wrdreg s24  }
0xb6: {  	[dreg:$0x4] =	wrdreg s17  }
0xb7: {  	[dreg:$0x5] =	wrdreg $0x3F00  }
0xb8: {  	[dreg:$0x6] =	wrdreg $0x9  }
0xb9: {  	_ =	task.clear_ibuf [dreg:s8], $0x7FFFF;
	_ =	strace $0x90000046  }
0xba: {  	s29 =	simm.s32 $0x9;
	_ =	strace $0x80000048  }
0xbb: {  	_ =	swait.ge [sflag:s29], $0x1  }
0xbc: {  	[sflag:s29] =	ssyncadd.s32 $0xFFFFFFFF  }
0xbd: {  	_ =	strace $0x90000048  }
0xbe: {  	_ =	sfence  }
0xbf: {  	s30 =	sld [smem:$0x0];
	_ =	sdelay $0x2  }
0xc0: {  	s31 =	sshll.u32 s1, $0xD;
	s1 =	sshrl.u32 s1, $0x2  }
0xc1: {  	s3 =	sand.u32 $0x4000, s31;
	s1 =	sadd.s32 s1, s30  }
0xc2: {  	s0 =	sor.u32 s3, s0;
	s1 =	sshll.u32 s1, $0x11  }
0xc3: {  	s0 =	sor.u32 s1, s0  }
0xc4: {  	s0 =	sadd.s32 $0x8F2B, s0  }
0xc5: {  	[sflag:s0] =	ssyncadd.remote.s32 $0x1  }
0xc6: {  	_ =	sfence.sel $0xFFFF  }
0xc7: {  	[dreg:$0x0] =	wrdreg $0xFFFFFFFF;
	(pc) =	sbr.abs _section_cstart, $3  }
0xc8: {  	[dreg:$0x1] =	wrdreg $0xFFFFFFFF  }
0xc9: {  	_ =	task.clear_ibuf [dreg:s8], $0x2FFFF;
	_ =	strace $0x9FFFFFFF  }
0xca: {  	(tm) =	ssettm $0x7FFFFFFF  }
0xcb: {  	_ =	shalt  }
tec
execute0_lowered:
.L_overlay_start_1:
0x0: {  	(tag) =	ssettag $0x1  }
0x1: {  	s8 =	rddreg [dreg:$0x0]  }
0x2: {  	s4 =	rddreg [dreg:$0x1]  }
0x3: {  	s7 =	rddreg [dreg:$0x2]  }
0x4: {  	s2 =	rddreg [dreg:$0x3]  }
0x5: {  	s0 =	rddreg [dreg:$0x4];
	s1 =	stileid.u32  }
0x6: {  	s5 =	srdreg.scid;
	s6 =	smul.u32 $0x1400, s1  }
0x7: {  	s3 =	simm.s32 $0x0;
	s9 =	sand.u32 $0x1, s5;
	s14 =	smul.u32 $0x4EC, s1  }
0x8: {  	[smem:$0x7FF] =	sst s3;
	s31 =	sshll.u32 s1, $0x6;
	s12 =	smul.u32 $0x14000, s9  }
0x9: {  	_ =	strace $0x80000047;
	s10 =	ssub.s32 $0x2, s9;
	s9 =	smul.u32 $0x4EC0, s9  }
0xa: {  	s29 =	sshrl.u32 s6, $0x3;
	s11 =	sshrl.u32 s10, $0x1;
	s30 =	sadd.s32 s6, s2  }
0xb: {  	s5 =	sadd.s32 s29, s4;
	s4 =	sadd.s32 $0x4E00, s4;
	s10 =	ssub.s32 s10, s11  }
0xc: {  	s6 =	sadd.s32 s6, s12;
	s9 =	sadd.s32 s9, s8;
	s11 =	simm.s32 $0x1  }
0xd: {  	s12 =	simm.s32 $0x70;
	s5 =	sadd.s32 $0x2600, s5;
	s13 =	sshrl.u32 s6, $0x3  }
0xe: {  	s6 =	sor.u32 $0x1C01, s31;
	s8 =	smax.u32 s10, $0x1;
	s9 =	sadd.s32 s14, s9  }
0xf: {  	s10 =	sshrl.u32 s30, $0x3;
	s7 =	sadd.s32 s7, s13;
	s13 =	simm.s32 $0x0  }
.LBB2_1:
0x10: {  	[spmem:s10], [sflag:s6] =	dma.local [hbm:s5], $0x280  }
0x11: {  	_ =	swait.ge [sflag:s11], $0x280  }
0x12: {  	[sflag:s11] =	ssyncset.done $0x0  }
0x13: {  	[sflag:s11] =	ssyncadd.s32 $0xFFFFFD80  }
0x14: {  	[tilespmem:s12], [sflag:$0x1] =	stream.linear.gather [hbm4b:s4+s3], $0x380, $0x38;
	[tilespmem:$0x17F0] =	vst v63  }
0x15: {  	_ =	swait.ge [sflag:s11], $0x380  }
0x16: {  	[sflag:s11] =	ssyncset.done $0x0  }
0x17: {  	[sflag:s11] =	ssyncadd.s32 $0xFFFFFC80  }
0x18: {  	s14 =	sadd.s32 $0x0, s9;
	[bflag:$0x0] =	sbarrier.arrive $0xFFFF  }
0x19: {  	[tilespmem:s3], [sflag:$0x1] =	stream.linear.gather [hbm4b:s14+s3], $0x70, $0x38;
	[tilespmem:$0x17F0] =	vst v63  }
0x1a: {  	_ =	swait.ge [sflag:s11], $0x70  }
0x1b: {  	[sflag:s11] =	ssyncset.done $0x0  }
0x1c: {  	[sflag:s11] =	ssyncadd.s32 $0xFFFFFF90  }
0x1d: {  	[spmem:s2] =	stream.indirect.scatter.add.f32 [tilespmem:s12], [sflag:$0x1], $0x8, s3, s12, $0xb8;
	[tilespmem:$0x17F0] =	vst v63  }
0x1e: {  	_ =	swait.ge [sflag:s11], $0x380  }
0x1f: {  	s15 =	simm.s32 $0x1C;
	s14 =	simm.s32 $0xE;
	[sflag:s11] =	ssyncset.done $0x0  }
.LBB2_2:
0x20: {  	s16 =	sadd.s32 s14, s9  }
0x21: {  	[sflag:s11] =	ssyncadd.s32 $0xFFFFFC80;
	s14 =	smov.u32 s15;
	s17 =	sadd.s32 $0xE, s15  }
0x22: {  	[tilespmem:s3], [sflag:$0x1] =	stream.linear.gather [hbm4b:s16+s3], $0x70, $0x38;
	[tilespmem:$0x17F0] =	vst v63  }
0x23: {  	p0 =	sne.s32 s15, $0x4DE;
	_ =	swait.ge [sflag:s11], $0x70  }
.Ltmp0:
0x24: {  	[sflag:s11] =	ssyncset.done $0x0;
	(pc) =	sbr.rel @p0 .LBB2_2-.Ltmp0, $4  }
0x25: {  	[sflag:s11] =	ssyncadd.s32 $0xFFFFFF90  }
0x26: {  	[spmem:s2] =	stream.indirect.scatter.add.f32 [tilespmem:s12], [sflag:$0x1], $0x8, s3, s12, $0xb8;
	[tilespmem:$0x17F0] =	vst v63  }
0x27: {  	_ =	swait.ge [sflag:s11], $0x380  }
0x28: {  	s15 =	smov.u32 s17;
	[sflag:s11] =	ssyncset.done $0x0  }
0x29: {  	s14 =	sadd.s32 s14, s9;
	[sflag:s11] =	ssyncadd.s32 $0xFFFFFC80  }
0x2a: {  	[tilespmem:s3], [sflag:$0x1] =	stream.linear.gather [hbm4b:s14+s3], $0x70, $0x38;
	[tilespmem:$0x17F0] =	vst v63  }
0x2b: {  	_ =	swait.ge [sflag:s11], $0x70  }
0x2c: {  	[sflag:s11] =	ssyncset.done $0x0  }
0x2d: {  	[sflag:s11] =	ssyncadd.s32 $0xFFFFFF90  }
0x2e: {  	[spmem:s2] =	stream.indirect.scatter.add.f32 [tilespmem:s12], [sflag:$0x1], $0x8, s3, s12, $0xb8;
	[tilespmem:$0x17F0] =	vst v63  }
0x2f: {  	_ =	swait.ge [sflag:s11], $0x380  }
0x30: {  	s13 =	sadd.s32 $0x1, s13;
	[sflag:s11] =	ssyncset.done $0x0  }
0x31: {  	p0 =	sne.s32 s13, s8;
	[sflag:s11] =	ssyncadd.s32 $0xFFFFFC80  }
.Ltmp1:
0x32: {  	[bflag:$0x0] =	sbarrier.arrive $0xFFFF;
	(pc) =	sbr.rel @p0 .LBB2_1-.Ltmp1, $4  }
0x33: {  	[hbm:s7], [sflag:s6] =	dma.local [spmem:s10], $0x280  }
0x34: {  	_ =	swait.ge [sflag:s11], $0x280  }
0x35: {  	[sflag:s11] =	ssyncset.done $0x0  }
0x36: {  	[sflag:s11] =	ssyncadd.s32 $0xFFFFFD80  }
0x37: {  	_ =	sfence.sel $0x180000  }
0x38: {  	[bflag:$0x0] =	sbarrier.arrive $0xFFFF  }
0x39: {  	p0 =	sne.s32 s1, $0x0;
	_ =	strace $0x90000047  }
0x3a: {  	s0 =	sadd.s32 @!p0 $0x100000, s0;
	[bflag:$0x2] =	sbarrier.arrive $0xFFFF  }
0x3b: {  	[sflag:s0] =	ssyncadd.tile.s32 @!p0 $0x1;
	_ =	shalt  }
.Lfunc_end2:
_tile_overlayer_lowered:
.L_overlay_start_2:
0x3c: {  	(tag) =	ssettag $0x2  }
0x3d: {  	s0 =	rddreg [dreg:$0x0];
	s2 =	stileid.u32  }
0x3e: {  	s1 =	rddreg [dreg:$0x1];
	p0 =	sne.s32 s2, $0x0  }
0x3f: {  	s3 =	rddreg [dreg:$0x2];
	[bflag:$0x3] =	sbarrier.arrive $0xFFFF;
	s2 =	simm.s32 @!p0 $0x1C01  }
0x40: {  	[timem:s3], [sflag:s2] =	dma.local @!p0 [hbm:s0], s1  }
0x41: {  	s0 =	simm.s32 @!p0 $0x1  }
0x42: {  	_ =	swait.ge @!p0 [sflag:s0], s1  }
0x43: {  	s1 =	ssub.s32 @!p0 $0x0, s1;
	[sflag:s0] =	ssyncset.done @!p0 $0x0  }
0x44: {  	[sflag:s0] =	ssyncadd.s32 @!p0 s1  }
0x45: {  	[bflag:$0x3] =	sbarrier.arrive $0xFFFF  }
0x46: {  	_ =	shalt  }

// kernel: kernel.13.cloned.1.call-start
scs
__scs_entry_jumppad:
0x0: {  	(pc) =	sbr.rel $0x88, $3  }
0x1: {  	(tag) =	ssettag $0x0;
	lr =	simm.s32 $0x1  }
0x2: {  	[smem:$0x3F99] =	sst lr;
	_ =	strace $0xD0000000  }
0x3: {  	_ = 	snop  }
0x4: {  	_ = 	snop  }
0x5: {  	_ = 	snop  }
0x6: {  	_ = 	snop  }
0x7: {  	_ = 	snop  }
__scs_overlays_trampoline_lowered:
0x8: {  	[smem:$0x3FA8] =	sst s0  }
0x9: {  	[smem:$0x3FA9] =	sst s1  }
0xa: {  	[smem:$0x3FAA] =	sst s2  }
0xb: {  	[smem:$0x3FAB] =	sst s3  }
0xc: {  	[smem:$0x3FAC] =	sst s4  }
0xd: {  	[smem:$0x3FAD] =	sst s5  }
0xe: {  	[smem:$0x3FAE] =	sst s6  }
0xf: {  	[smem:$0x3FAF] =	sst s7  }
0x10: {  	[smem:$0x3FB0] =	sst s8  }
0x11: {  	[smem:$0x3FB1] =	sst s9;
	s0 =	simm.s32 @!p0 $0x0  }
0x12: {  	s1 =	sld [smem:$0x3F97];
	s0 =	simm.s32 @p0 $0x1  }
0x13: {  	[smem:$0x3FB2] =	sst s0;
	s0 =	simm.s32 @!p1 $0x0  }
0x14: {  	s2 =	sld [smem:$0x3F96];
	s0 =	simm.s32 @p1 $0x1  }
0x15: {  	[smem:$0x3FB3] =	sst s0;
	s0 =	simm.s32 @!p2 $0x0  }
0x16: {  	s3 =	sld [smem:$0x3FDB];
	s0 =	simm.s32 @p2 $0x1  }
0x17: {  	s4 =	simm.s32 $0x1BF5;
	[smem:$0x3FB5] =	sst s0  }
0x18: {  	s0 =	sld [smem:$0x3F98];
	_ =	swait.ge [sflag:s4], $0x0  }
0x19: {  	s7 =	sld [smem:$0x3F99]  }
0x1a: {  	s8 =	sadd.s32 $0xFFFFE003, lr  }
0x1b: {  	s9 =	sadd.s32 $0xFFFFFEF7, lr;
	s5 =	simm.s32 $0xFFFFFFFF;
	p2 =	slt.u32 s8, $0xFFFFF086  }
0x1c: {  	p1 =	slt.u32 s9, $0xF7A;
	s5 =	simm.s32 @!p2 $0x0  }
0x1d: {  	s5 =	simm.s32 @p1 $0x1;
	p0 =	seq.s32 s7, s2  }
0x1e: {  	s7 =	smul.u32 @!p0 $0xF7A, s2;
	p2 =	seq.s32 @!p0 s5, $0x0  }
0x1f: {  	s9 =	smul.u32 $0xF7A, s1;
	s8 =	simm.s32 @!p0 $0x1BF5;
	p2 =	por !p2, p0  }
0x20: {  	[sflag:s8] =	ssyncset.s32 @!p0 $0xFFFFF086;
	s6 =	sadd.s32 @!p0 s3, s7;
	s7 =	simm.s32 @!p0 $0x108  }
0x21: {  	s3 =	sadd.s32 s3, s9;
	s6 =	sadd.s32 @!p0 $0x88, s6;
	s7 =	simm.s32 @p2 $0x1082  }
0x22: {  	[simem:s7], [sflag:s8] =	dma.local @!p0 [hbm:s6], $0xF7A  }
0x23: {  	s9 =	sor.u32 $0xD0000000, s2;
	s6 =	simm.s32 $0x108;
	_ =	swait.ge @!p0 [sflag:s8], $0x0  }
0x24: {  	s3 =	sadd.s32 $0x88, s3;
	s6 =	simm.s32 @!p1 $0x1082;
	[sflag:s4] =	ssyncset.s32 $0xFFFFF086  }
0x25: {  	[simem:s6], [sflag:s4] =	dma.local [hbm:s3], $0xF7A  }
0x26: {  	[smem:$0x3F99] =	sst s1;
	(tag) =	ssettag s2;
	_ =	strace s9  }
0x27: {  	s1 =	sld [smem:$0x3FA9]  }
0x28: {  	s2 =	sld [smem:$0x3FAA]  }
0x29: {  	s4 =	sld [smem:$0x3FAC]  }
0x2a: {  	p0 =	seq.s32 s5, $0x0;
	s5 =	sld [smem:$0x3FAD]  }
0x2b: {  	s6 =	sld [smem:$0x3FAE]  }
0x2c: {  	s7 =	sld [smem:$0x3FAF]  }
0x2d: {  	s3 =	simm.s32 $0x108;
	s8 =	sld [smem:$0x3FB0]  }
0x2e: {  	s3 =	simm.s32 @!p0 $0x1082;
	s9 =	sld [smem:$0x3FB1]  }
0x2f: {  	lr =	sadd.s32 s0, s3;
	s0 =	sld [smem:$0x3FA8]  }
0x30: {  	s3 =	sld [smem:$0x3FAB]  }
0x31: {  	[smem:$0x3FB4] =	sst s10  }
0x32: {  	s10 =	sld [smem:$0x3FB2];
	_ =	sdelay $0x3  }
0x33: {  	p0 =	seq.s32 s10, $0x1;
	s10 =	sld [smem:$0x3FB4];
	_ =	sdelay $0x3  }
0x34: {  	[smem:$0x3FB4] =	sst s10  }
0x35: {  	s10 =	sld [smem:$0x3FB3];
	_ =	sdelay $0x3  }
0x36: {  	p1 =	seq.s32 s10, $0x1;
	s10 =	sld [smem:$0x3FB4];
	_ =	sdelay $0x3  }
0x37: {  	[smem:$0x3FB4] =	sst s10  }
0x38: {  	s10 =	sld [smem:$0x3FB5]  }
0x39: {  	_ = 	snop;
	(pc) =	sbr.ind lr, $3  }
0x3a: {  	_ = 	snop  }
0x3b: {  	_ = 	snop  }
0x3c: {  	p2 =	seq.s32 s10, $0x1;
	s10 =	sld [smem:$0x3FB4]  }
0x3d: {  	_ =	shalt  }
0x3e: {  	_ =	shalt  }
0x3f: {  	_ =	shalt  }
0x40: {  	_ =	shalt  }
0x41: {  	_ =	shalt  }
0x42: {  	_ =	shalt  }
0x43: {  	_ =	shalt  }
0x44: {  	_ =	shalt  }
0x45: {  	_ =	shalt  }
0x46: {  	_ =	shalt  }
0x47: {  	_ =	shalt  }
0x48: {  	_ =	shalt  }
0x49: {  	_ =	shalt  }
0x4a: {  	_ =	shalt  }
0x4b: {  	_ =	shalt  }
0x4c: {  	_ =	shalt  }
0x4d: {  	_ =	shalt  }
0x4e: {  	_ =	shalt  }
0x4f: {  	_ =	shalt  }
0x50: {  	_ =	shalt  }
0x51: {  	_ =	shalt  }
0x52: {  	_ =	shalt  }
0x53: {  	_ =	shalt  }
0x54: {  	_ =	shalt  }
0x55: {  	_ =	shalt  }
0x56: {  	_ =	shalt  }
0x57: {  	_ =	shalt  }
0x58: {  	_ =	shalt  }
0x59: {  	_ =	shalt  }
0x5a: {  	_ =	shalt  }
0x5b: {  	_ =	shalt  }
0x5c: {  	_ =	shalt  }
0x5d: {  	_ =	shalt  }
0x5e: {  	_ =	shalt  }
0x5f: {  	_ =	shalt  }
0x60: {  	_ =	shalt  }
0x61: {  	_ =	shalt  }
0x62: {  	_ =	shalt  }
0x63: {  	_ =	shalt  }
0x64: {  	_ =	shalt  }
0x65: {  	_ =	shalt  }
0x66: {  	_ =	shalt  }
0x67: {  	_ =	shalt  }
0x68: {  	_ =	shalt  }
0x69: {  	_ =	shalt  }
0x6a: {  	_ =	shalt  }
0x6b: {  	_ =	shalt  }
0x6c: {  	_ =	shalt  }
0x6d: {  	_ =	shalt  }
0x6e: {  	_ =	shalt  }
0x6f: {  	_ =	shalt  }
0x70: {  	_ =	shalt  }
0x71: {  	_ =	shalt  }
0x72: {  	_ =	shalt  }
0x73: {  	_ =	shalt  }
0x74: {  	_ =	shalt  }
0x75: {  	_ =	shalt  }
0x76: {  	_ =	shalt  }
0x77: {  	_ =	shalt  }
0x78: {  	_ =	shalt  }
0x79: {  	_ =	shalt  }
0x7a: {  	_ =	shalt  }
0x7b: {  	_ =	shalt  }
0x7c: {  	_ =	shalt  }
0x7d: {  	_ =	shalt  }
0x7e: {  	_ =	shalt  }
0x7f: {  	_ =	shalt  }
0x80: {  	_ =	shalt  }
0x81: {  	_ =	shalt  }
0x82: {  	_ =	shalt  }
0x83: {  	_ =	shalt  }
0x84: {  	_ =	shalt  }
0x85: {  	_ =	shalt  }
0x86: {  	_ =	shalt  }
0x87: {  	_ =	shalt  }
.Lfunc_end0:
.L_simem_size_0:
called_computation.1_lowered:
.L_overlay_start_0:
0x88: {  	s2 =	sld [smem:$0x3FD9]  }
0x89: {  	s3 =	sld [smem:$0x3FFE];
	_ =	sdelay $0x1  }
0x8a: {  	s1 =	srdreg.scid  }
0x8b: {  	s0 =	sand.u32 $0x1, s1  }
0x8c: {  	s14 =	sshll.u32 s0, $0xA;
	s2 =	sadd.s32 s3, s2  }
0x8d: {  	s2 =	sadd.s32 s2, s14  }
0x8e: {  	[smem:$0x3FC0] =	sst s2  }
0x8f: {  	_ = 	snop  }
0x90: {  	s2 =	sld [smem:$0x3FD0];
	_ =	sdelay $0x2  }
0x91: {  	s15 =	simm.s32 $0xA;
	s4 =	simm.s32 $0x10  }
0x92: {  	[smem:s4], [sflag:s15] =	dma.local [hbm:s2], $0x1  }
0x93: {  	_ =	swait.eq [sflag:s15], $0x1  }
0x94: {  	[sflag:s15] =	ssyncset.done $0x0  }
0x95: {  	[sflag:s15] =	ssyncadd.s32 $0xFFFFFFFF  }
0x96: {  	s16 =	sld [smem:$0x10];
	(tm) =	ssettm $0x1  }
0x97: {  	s17 =	sld [smem:$0x3FFB];
	_ =	sdelay $0x3  }
0x98: {  	_ =	strace s17  }
0x99: {  	s3 =	sld [smem:$0x3FFC];
	_ =	sdelay $0x3  }
0x9a: {  	_ =	strace s3  }
0x9b: {  	s3 =	sld [smem:$0x3FFD];
	_ =	sdelay $0x3  }
0x9c: {  	_ =	strace s3  }
0x9d: {  	_ =	strace $0x8FFFFFFF  }
0x9e: {  	s18 =	sld [smem:$0x3FDB];
	_ =	sdelay $0x1  }
0x9f: {  	s19 =	simm.s32 $_scs_section_size  }
0xa0: {  	s5 =	simm.s32 $_size__tile_overlayer_lowered;
	s6 =	simm.s32 $_tile_overlayer_lowered  }
0xa1: {  	s22 =	simm.s32 $0x1BFF;
	s21 =	sshll.u32 s6, $0x1;
	s3 =	sadd.s32 s19, s18  }
0xa2: {  	s7 =	simm.s32 $0x0;
	s20 =	sshll.u32 s5, $0x1;
	s5 =	sadd.s32 s21, s3  }
0xa3: {  	[timem:s7], [sflag:s22] =	dma.local [hbm:s5], s20  }
0xa4: {  	_ =	swait.ge [sflag:s22], s20  }
0xa5: {  	s4 =	ssub.s32 $0x0, s20;
	[sflag:s22] =	ssyncset.done $0x0  }
0xa6: {  	[sflag:s22] =	ssyncadd.s32 s4;
	_ =	sdelay $0x1  }
0xa7: {  	s23 =	simm.s32 $0x1B8B  }
0xa8: {  	_ =	swait.ge [sflag:s23], $0x1  }
0xa9: {  	[sflag:s23] =	ssyncset.done $0x0  }
0xaa: {  	s25 =	simm.s32 $0x1B8E;
	s24 =	sld [smem:$0x3FFE];
	[sflag:s23] =	ssyncadd.s32 $0xFFFFFFFF  }
0xab: {  	s26 =	simm.s32 $execute0_lowered;
	[smem:$0x3FD2] =	sst s25  }
0xac: {  	s5 =	sshll.u32 s26, $0x1;
	_ =	strace $0x80000049;
	[dreg:$0x1] =	wrdreg $0xFFFFFFFF  }
0xad: {  	s28 =	simm.s32 $_size_execute0_lowered;
	s3 =	sadd.s32 s3, s5;
	[dreg:$0x0] =	wrdreg $0x0  }
0xae: {  	s5 =	sshll.u32 s28, $0x1;
	[dreg:$0x2] =	wrdreg s3  }
0xaf: {  	[dreg:$0x3] =	wrdreg s5  }
0xb0: {  	[dreg:$0x4] =	wrdreg $0xC0  }
0xb1: {  	_ =	task [dreg:s7], $0x5FFFF  }
0xb2: {  	[dreg:$0x1] =	wrdreg $0xFFFFFFFF  }
0xb3: {  	[dreg:$0x0] =	wrdreg $0x60  }
0xb4: {  	[dreg:$0x2] =	wrdreg s24  }
0xb5: {  	[dreg:$0x3] =	wrdreg s16  }
0xb6: {  	[dreg:$0x4] =	wrdreg $0xB0C00  }
0xb7: {  	[dreg:$0x5] =	wrdreg $0x9  }
0xb8: {  	_ =	task.clear_ibuf [dreg:s7], $0x6FFFF;
	_ =	strace $0x90000049  }
0xb9: {  	s29 =	simm.s32 $0x9;
	_ =	strace $0x8000004B  }
0xba: {  	_ =	swait.ge [sflag:s29], $0x1  }
0xbb: {  	[sflag:s29] =	ssyncadd.s32 $0xFFFFFFFF  }
0xbc: {  	_ =	strace $0x9000004B  }
0xbd: {  	_ =	sfence  }
0xbe: {  	s30 =	sld [smem:$0x0];
	_ =	sdelay $0x2  }
0xbf: {  	s31 =	sshll.u32 s1, $0xD;
	s1 =	sshrl.u32 s1, $0x2  }
0xc0: {  	s3 =	sand.u32 $0x4000, s31;
	s1 =	sadd.s32 s1, s30  }
0xc1: {  	s0 =	sor.u32 s3, s0;
	s1 =	sshll.u32 s1, $0x11  }
0xc2: {  	s0 =	sor.u32 s1, s0  }
0xc3: {  	s0 =	sadd.s32 $0x8F2B, s0  }
0xc4: {  	[sflag:s0] =	ssyncadd.remote.s32 $0x1  }
0xc5: {  	_ =	sfence.sel $0xFFFF  }
0xc6: {  	[dreg:$0x0] =	wrdreg $0xFFFFFFFF;
	(pc) =	sbr.abs _section_cstart, $3  }
0xc7: {  	[dreg:$0x1] =	wrdreg $0xFFFFFFFF  }
0xc8: {  	_ =	task.clear_ibuf [dreg:s7], $0x2FFFF;
	_ =	strace $0x9FFFFFFF  }
0xc9: {  	(tm) =	ssettm $0x7FFFFFFF  }
tec
execute0_lowered:
.L_overlay_start_1:
0x0: {  	(tag) =	ssettag $0x1  }
0x1: {  	s0 =	rddreg [dreg:$0x0]  }
0x2: {  	s1 =	rddreg [dreg:$0x1]  }
0x3: {  	s3 =	srdreg.scid;
	s2 =	rddreg [dreg:$0x2]  }
0x4: {  	s13 =	stileid.u32;
	s22 =	simm.s32 $0xE0;
	s14 =	simm.s32 $0x40C0  }
0x5: {  	s15 =	simm.s32 $0x1;
	s16 =	simm.s32 $0x78C0;
	s17 =	simm.s32 $0x2  }
0x6: {  	s23 =	simm.s32 $0x150;
	s24 =	simm.s32 $0x4D0;
	s25 =	simm.s32 $0x1C0  }
0x7: {  	s26 =	simm.s32 $0x540;
	s28 =	simm.s32 $0x690;
	s29 =	simm.s32 $0x380  }
0x8: {  	s30 =	simm.s32 $0x700;
	s5 =	sand.u32 $0x1, s3;
	s3 =	simm.s32 $0x0  }
0x9: {  	s31 =	simm.s32 $0x3F0;
	s7 =	smul.u32 $0x14000, s13;
	[smem:$0x7FF] =	sst s3  }
0xa: {  	s4 =	sadd.s32 $0xEE00, s0;
	_ =	strace $0x8000004A;
	[dreg:$0x6] =	wrdreg s22  }
0xb: {  	s12 =	smul.u32 $0x4EC, s13;
	s20 =	sshll.u32 s13, $0x6;
	[dreg:$0x7] =	wrdreg s23  }
0xc: {  	s13 =	simm.s32 $0x8C0;
	s6 =	smul.u32 $0x4EC0, s5;
	[dreg:$0x8] =	wrdreg s24  }
0xd: {  	s8 =	smul.u32 $0x140000, s5;
	s5 =	ssub.s32 $0x2, s5;
	[dreg:$0x9] =	wrdreg s25  }
0xe: {  	s10 =	sshrl.u32 s7, $0x3;
	s11 =	sshrl.u32 s5, $0x1;
	[dreg:$0xa] =	wrdreg s26  }
0xf: {  	s22 =	simm.s32 $0x230;
	s23 =	simm.s32 $0x5B0;
	s24 =	simm.s32 $0x2A0  }
0x10: {  	s25 =	simm.s32 $0x620;
	s26 =	simm.s32 $0x310;
	s9 =	sadd.s32 s6, s0  }
0x11: {  	s8 =	sadd.s32 s7, s8;
	s10 =	sadd.s32 s10, s0;
	s5 =	ssub.s32 s5, s11  }
0x12: {  	s7 =	sadd.s32 s7, s2;
	s1 =	sadd.s32 s6, s1;
	s11 =	simm.s32 $0x460  }
0x13: {  	s8 =	sshrl.u32 s8, $0x3;
	s18 =	sadd.s32 $0x36000, s10;
	s19 =	sadd.s32 s12, s9  }
0x14: {  	s9 =	sor.u32 $0x1C07, s20;
	s1 =	sadd.s32 s12, s1;
	s21 =	smax.u32 s5, $0x1  }
0x15: {  	s7 =	sshrl.u32 s7, $0x3;
	s10 =	simm.s32 $0x7;
	[dreg:$0xb] =	wrdreg s18  }
0x16: {  	s12 =	simm.s32 $0x70;
	s20 =	simm.s32 $0x5;
	[dreg:$0xe] =	wrdreg s21  }
0x17: {  	s5 =	simm.s32 $0x850;
	s0 =	sadd.s32 s8, s0;
	[dreg:$0x5] =	wrdreg s1  }
0x18: {  	s8 =	sadd.s32 $0x5000, s19;
	s18 =	simm.s32 $0x4;
	[dreg:$0xc] =	wrdreg s9  }
0x19: {  	s19 =	simm.s32 $0x3;
	s21 =	simm.s32 $0x6;
	[dreg:$0xf] =	wrdreg s7  }
0x1a: {  	s1 =	simm.s32 $0x7E0;
	[dreg:$0x4] =	wrdreg s8;
	s0 =	sadd.s32 $0x5E000, s0  }
0x1b: {  	s8 =	simm.s32 $0x0;
	[dreg:$0xd] =	wrdreg s0;
	s0 =	simm.s32 $0x770  }
.LBB2_1:
0x1c: {  	[dreg:$0x10] =	wrdreg s8  }
0x1d: {  	s6 =	rddreg [dreg:$0xb]  }
0x1e: {  	[spmem:s7], [sflag:s9] =	dma.local [hbm:s6], $0x2800  }
0x1f: {  	_ =	swait.ge [sflag:s10], $0x2800  }
0x20: {  	[sflag:s10] =	ssyncset.done $0x0  }
0x21: {  	[sflag:s10] =	ssyncadd.s32 $0xFFFFD800  }
0x22: {  	[bflag:$0x0] =	sbarrier.arrive $0xFFFF  }
0x23: {  	s9 =	rddreg [dreg:$0x4]  }
0x24: {  	s6 =	sadd.s32 $0x0, s9  }
0x25: {  	[tilespmem:s3], [sflag:$0x7] =	stream.linear.gather [hbm4b:s6+s3], $0x460, $0x38;
	[tilespmem:$0x1F0C0] =	vst v63  }
0x26: {  	_ =	swait.ge [sflag:s10], $0x460  }
0x27: {  	s7 =	rddreg [dreg:$0x5];
	[sflag:s10] =	ssyncset.done $0x0  }
0x28: {  	[sflag:s10] =	ssyncadd.s32 $0xFFFFFBA0;
	s6 =	sadd.s32 $0x0, s7  }
0x29: {  	[tilespmem:s11], [sflag:$0x7] =	stream.linear.gather [hbm4b:s6+s3], $0x460, $0x38;
	[tilespmem:$0x1F0C0] =	vst v63  }
0x2a: {  	_ =	swait.ge [sflag:s10], $0x460  }
0x2b: {  	[sflag:s10] =	ssyncset.done $0x0  }
0x2c: {  	[sflag:s10] =	ssyncadd.s32 $0xFFFFFBA0  }
0x2d: {  	[tilespmem:s13], [sflag:$0x1] =	stream.indirect.gather [hbm4b:s4+s12], $0x80, s3, s12, $0xb8;
	[tilespmem:$0x1F0C0] =	vst v63  }
0x2e: {  	_ = 	snop  }
0x2f: {  	[tilespmem:s14], [sflag:$0x2] =	stream.indirect.gather [hbm4b:s4+s12], $0x80, s12, s12, $0xb8;
	[tilespmem:$0x1F0C0] =	vst v63  }
0x30: {  	_ =	swait.ge [sflag:s15], $0x3800  }
0x31: {  	[sflag:s15] =	ssyncset.done $0x0  }
0x32: {  	s8 =	rddreg [dreg:$0x6];
	[sflag:s15] =	ssyncadd.s32 $0xFFFFC800  }
0x33: {  	[tilespmem:s16], [sflag:$0x3] =	stream.indirect.gather [hbm4b:s4+s12], $0x80, s8, s12, $0xb8;
	[tilespmem:$0x1F0C0] =	vst v63  }
0x34: {  	_ = 	snop  }
0x35: {  	[spmem:s2] =	stream.indirect.scatter.add.f32 [tilespmem:s13], [sflag:$0x4], $0x80, s11, s12, $0xb8;
	[tilespmem:$0x1F0C0] =	vst v63  }
0x36: {  	_ =	swait.ge [sflag:s17], $0x3800  }
0x37: {  	[sflag:s17] =	ssyncset.done $0x0  }
0x38: {  	[sflag:s17] =	ssyncadd.s32 $0xFFFFC800  }
0x39: {  	_ =	swait.ge [sflag:s18], $0x3800  }
0x3a: {  	[sflag:s18] =	ssyncset.done $0x0  }
0x3b: {  	s9 =	rddreg [dreg:$0x7];
	[sflag:s18] =	ssyncadd.s32 $0xFFFFC800  }
0x3c: {  	[tilespmem:s13], [sflag:$0x1] =	stream.indirect.gather [hbm4b:s4+s12], $0x80, s9, s12, $0xb8;
	[tilespmem:$0x1F0C0] =	vst v63  }
0x3d: {  	s7 =	rddreg [dreg:$0x8]  }
0x3e: {  	[spmem:s2] =	stream.indirect.scatter.add.f32 [tilespmem:s14], [sflag:$0x5], $0x80, s7, s12, $0xb8;
	[tilespmem:$0x1F0C0] =	vst v63  }
0x3f: {  	_ =	swait.ge [sflag:s19], $0x3800  }
0x40: {  	[sflag:s19] =	ssyncset.done $0x0  }
0x41: {  	[sflag:s19] =	ssyncadd.s32 $0xFFFFC800  }
0x42: {  	_ =	swait.ge [sflag:s20], $0x3800  }
0x43: {  	[sflag:s20] =	ssyncset.done $0x0  }
0x44: {  	s8 =	rddreg [dreg:$0x9];
	[sflag:s20] =	ssyncadd.s32 $0xFFFFC800  }
0x45: {  	[tilespmem:s14], [sflag:$0x2] =	stream.indirect.gather [hbm4b:s4+s12], $0x80, s8, s12, $0xb8;
	[tilespmem:$0x1F0C0] =	vst v63  }
0x46: {  	s9 =	rddreg [dreg:$0xa]  }
0x47: {  	[spmem:s2] =	stream.indirect.scatter.add.f32 [tilespmem:s16], [sflag:$0x6], $0x80, s9, s12, $0xb8;
	[tilespmem:$0x1F0C0] =	vst v63  }
0x48: {  	_ =	swait.ge [sflag:s15], $0x3800  }
0x49: {  	[sflag:s15] =	ssyncset.done $0x0  }
0x4a: {  	[sflag:s15] =	ssyncadd.s32 $0xFFFFC800  }
0x4b: {  	_ =	swait.ge [sflag:s21], $0x3800  }
0x4c: {  	[sflag:s21] =	ssyncset.done $0x0  }
0x4d: {  	[sflag:s21] =	ssyncadd.s32 $0xFFFFC800  }
0x4e: {  	[tilespmem:s16], [sflag:$0x3] =	stream.indirect.gather [hbm4b:s4+s12], $0x80, s22, s12, $0xb8;
	[tilespmem:$0x1F0C0] =	vst v63  }
0x4f: {  	_ = 	snop  }
0x50: {  	[spmem:s2] =	stream.indirect.scatter.add.f32 [tilespmem:s13], [sflag:$0x4], $0x80, s23, s12, $0xb8;
	[tilespmem:$0x1F0C0] =	vst v63  }
0x51: {  	_ =	swait.ge [sflag:s17], $0x3800  }
0x52: {  	[sflag:s17] =	ssyncset.done $0x0  }
0x53: {  	[sflag:s17] =	ssyncadd.s32 $0xFFFFC800  }
0x54: {  	_ =	swait.ge [sflag:s18], $0x3800  }
0x55: {  	[sflag:s18] =	ssyncset.done $0x0  }
0x56: {  	[sflag:s18] =	ssyncadd.s32 $0xFFFFC800  }
0x57: {  	[tilespmem:s13], [sflag:$0x1] =	stream.indirect.gather [hbm4b:s4+s12], $0x80, s24, s12, $0xb8;
	[tilespmem:$0x1F0C0] =	vst v63  }
0x58: {  	_ = 	snop  }
0x59: {  	[spmem:s2] =	stream.indirect.scatter.add.f32 [tilespmem:s14], [sflag:$0x5], $0x80, s25, s12, $0xb8;
	[tilespmem:$0x1F0C0] =	vst v63  }
0x5a: {  	_ =	swait.ge [sflag:s19], $0x3800  }
0x5b: {  	[sflag:s19] =	ssyncset.done $0x0  }
0x5c: {  	[sflag:s19] =	ssyncadd.s32 $0xFFFFC800  }
0x5d: {  	_ =	swait.ge [sflag:s20], $0x3800  }
0x5e: {  	[sflag:s20] =	ssyncset.done $0x0  }
0x5f: {  	[sflag:s20] =	ssyncadd.s32 $0xFFFFC800  }
0x60: {  	[tilespmem:s14], [sflag:$0x2] =	stream.indirect.gather [hbm4b:s4+s12], $0x80, s26, s12, $0xb8;
	[tilespmem:$0x1F0C0] =	vst v63  }
0x61: {  	_ = 	snop  }
0x62: {  	[spmem:s2] =	stream.indirect.scatter.add.f32 [tilespmem:s16], [sflag:$0x6], $0x80, s28, s12, $0xb8;
	[tilespmem:$0x1F0C0] =	vst v63  }
0x63: {  	_ =	swait.ge [sflag:s15], $0x3800  }
0x64: {  	[sflag:s15] =	ssyncset.done $0x0  }
0x65: {  	[sflag:s15] =	ssyncadd.s32 $0xFFFFC800  }
0x66: {  	_ =	swait.ge [sflag:s21], $0x3800  }
0x67: {  	[sflag:s21] =	ssyncset.done $0x0  }
0x68: {  	[sflag:s21] =	ssyncadd.s32 $0xFFFFC800  }
0x69: {  	[tilespmem:s16], [sflag:$0x3] =	stream.indirect.gather [hbm4b:s4+s12], $0x80, s29, s12, $0xb8;
	[tilespmem:$0x1F0C0] =	vst v63  }
0x6a: {  	_ = 	snop  }
0x6b: {  	[spmem:s2] =	stream.indirect.scatter.add.f32 [tilespmem:s13], [sflag:$0x4], $0x80, s30, s12, $0xb8;
	[tilespmem:$0x1F0C0] =	vst v63  }
0x6c: {  	_ =	swait.ge [sflag:s17], $0x3800  }
0x6d: {  	[sflag:s17] =	ssyncset.done $0x0  }
0x6e: {  	[sflag:s17] =	ssyncadd.s32 $0xFFFFC800  }
0x6f: {  	_ =	swait.ge [sflag:s18], $0x3800  }
0x70: {  	[sflag:s18] =	ssyncset.done $0x0  }
0x71: {  	[sflag:s18] =	ssyncadd.s32 $0xFFFFC800  }
0x72: {  	[tilespmem:s13], [sflag:$0x1] =	stream.indirect.gather [hbm4b:s4+s12], $0x80, s31, s12, $0xb8;
	[tilespmem:$0x1F0C0] =	vst v63  }
0x73: {  	_ = 	snop  }
0x74: {  	[spmem:s2] =	stream.indirect.scatter.add.f32 [tilespmem:s14], [sflag:$0x5], $0x80, s0, s12, $0xb8;
	[tilespmem:$0x1F0C0] =	vst v63  }
0x75: {  	_ =	swait.ge [sflag:s19], $0x3800  }
0x76: {  	[sflag:s19] =	ssyncset.done $0x0  }
0x77: {  	[sflag:s19] =	ssyncadd.s32 $0xFFFFC800  }
0x78: {  	[spmem:s2] =	stream.indirect.scatter.add.f32 [tilespmem:s16], [sflag:$0x6], $0x80, s1, s12, $0xb8;
	[tilespmem:$0x1F0C0] =	vst v63  }
0x79: {  	_ =	swait.ge [sflag:s15], $0x3800  }
0x7a: {  	[sflag:s15] =	ssyncset.done $0x0  }
0x7b: {  	[sflag:s15] =	ssyncadd.s32 $0xFFFFC800  }
0x7c: {  	[spmem:s2] =	stream.indirect.scatter.add.f32 [tilespmem:s13], [sflag:$0x4], $0x80, s5, s12, $0xb8;
	[tilespmem:$0x1F0C0] =	vst v63  }
0x7d: {  	_ =	swait.ge [sflag:s20], $0x3800  }
0x7e: {  	[sflag:s20] =	ssyncset.done $0x0  }
0x7f: {  	[sflag:s20] =	ssyncadd.s32 $0xFFFFC800  }
0x80: {  	_ =	swait.ge [sflag:s21], $0x3800  }
0x81: {  	[sflag:s21] =	ssyncset.done $0x0  }
0x82: {  	[sflag:s21] =	ssyncadd.s32 $0xFFFFC800  }
0x83: {  	s6 =	simm.s32 $0x118;
	_ =	swait.ge [sflag:s18], $0x3800  }
0x84: {  	s8 =	simm.s32 $0x8C;
	s9 =	rddreg [dreg:$0x4];
	[sflag:s18] =	ssyncset.done $0x0  }
.LBB2_2:
0x85: {  	[sflag:s18] =	ssyncadd.s32 $0xFFFFC800;
	s9 =	sadd.s32 s8, s9  }
0x86: {  	[tilespmem:s3], [sflag:$0x7] =	stream.linear.gather [hbm4b:s9+s3], $0x460, $0x38;
	[tilespmem:$0x1F0C0] =	vst v63  }
0x87: {  	_ =	swait.ge [sflag:s10], $0x460  }
0x88: {  	s9 =	rddreg [dreg:$0x5];
	[sflag:s10] =	ssyncset.done $0x0  }
0x89: {  	[sflag:s10] =	ssyncadd.s32 $0xFFFFFBA0;
	s9 =	sadd.s32 s8, s9  }
0x8a: {  	[tilespmem:s11], [sflag:$0x7] =	stream.linear.gather [hbm4b:s9+s3], $0x460, $0x38;
	[tilespmem:$0x1F0C0] =	vst v63  }
0x8b: {  	_ =	swait.ge [sflag:s10], $0x460  }
0x8c: {  	[sflag:s10] =	ssyncset.done $0x0  }
0x8d: {  	[sflag:s10] =	ssyncadd.s32 $0xFFFFFBA0  }
0x8e: {  	[tilespmem:s13], [sflag:$0x1] =	stream.indirect.gather [hbm4b:s4+s12], $0x80, s3, s12, $0xb8;
	[tilespmem:$0x1F0C0] =	vst v63  }
0x8f: {  	_ = 	snop  }
0x90: {  	[tilespmem:s14], [sflag:$0x2] =	stream.indirect.gather [hbm4b:s4+s12], $0x80, s12, s12, $0xb8;
	[tilespmem:$0x1F0C0] =	vst v63  }
0x91: {  	_ =	swait.ge [sflag:s15], $0x3800  }
0x92: {  	[sflag:s15] =	ssyncset.done $0x0  }
0x93: {  	s9 =	rddreg [dreg:$0x6];
	[sflag:s15] =	ssyncadd.s32 $0xFFFFC800  }
0x94: {  	[tilespmem:s16], [sflag:$0x3] =	stream.indirect.gather [hbm4b:s4+s12], $0x80, s9, s12, $0xb8;
	[tilespmem:$0x1F0C0] =	vst v63  }
0x95: {  	_ = 	snop  }
0x96: {  	[spmem:s2] =	stream.indirect.scatter.add.f32 [tilespmem:s13], [sflag:$0x4], $0x80, s11, s12, $0xb8;
	[tilespmem:$0x1F0C0] =	vst v63  }
0x97: {  	_ =	swait.ge [sflag:s17], $0x3800  }
0x98: {  	[sflag:s17] =	ssyncset.done $0x0  }
0x99: {  	[sflag:s17] =	ssyncadd.s32 $0xFFFFC800  }
0x9a: {  	_ =	swait.ge [sflag:s18], $0x3800  }
0x9b: {  	s7 =	smov.u32 s6;
	[sflag:s18] =	ssyncset.done $0x0  }
0x9c: {  	s8 =	smov.u32 s7;
	s7 =	rddreg [dreg:$0x7];
	[sflag:s18] =	ssyncadd.s32 $0xFFFFC800  }
0x9d: {  	[tilespmem:s13], [sflag:$0x1] =	stream.indirect.gather [hbm4b:s4+s12], $0x80, s7, s12, $0xb8;
	[tilespmem:$0x1F0C0] =	vst v63  }
0x9e: {  	s9 =	rddreg [dreg:$0x8]  }
0x9f: {  	[spmem:s2] =	stream.indirect.scatter.add.f32 [tilespmem:s14], [sflag:$0x5], $0x80, s9, s12, $0xb8;
	[tilespmem:$0x1F0C0] =	vst v63  }
0xa0: {  	_ =	swait.ge [sflag:s19], $0x3800  }
0xa1: {  	[sflag:s19] =	ssyncset.done $0x0  }
0xa2: {  	[sflag:s19] =	ssyncadd.s32 $0xFFFFC800  }
0xa3: {  	_ =	swait.ge [sflag:s20], $0x3800  }
0xa4: {  	[sflag:s20] =	ssyncset.done $0x0  }
0xa5: {  	s7 =	rddreg [dreg:$0x9];
	[sflag:s20] =	ssyncadd.s32 $0xFFFFC800  }
0xa6: {  	[tilespmem:s14], [sflag:$0x2] =	stream.indirect.gather [hbm4b:s4+s12], $0x80, s7, s12, $0xb8;
	[tilespmem:$0x1F0C0] =	vst v63  }
0xa7: {  	s9 =	rddreg [dreg:$0xa]  }
0xa8: {  	[spmem:s2] =	stream.indirect.scatter.add.f32 [tilespmem:s16], [sflag:$0x6], $0x80, s9, s12, $0xb8;
	[tilespmem:$0x1F0C0] =	vst v63  }
0xa9: {  	_ =	swait.ge [sflag:s15], $0x3800  }
0xaa: {  	[sflag:s15] =	ssyncset.done $0x0  }
0xab: {  	[sflag:s15] =	ssyncadd.s32 $0xFFFFC800  }
0xac: {  	_ =	swait.ge [sflag:s21], $0x3800  }
0xad: {  	[sflag:s21] =	ssyncset.done $0x0  }
0xae: {  	[sflag:s21] =	ssyncadd.s32 $0xFFFFC800  }
0xaf: {  	[tilespmem:s16], [sflag:$0x3] =	stream.indirect.gather [hbm4b:s4+s12], $0x80, s22, s12, $0xb8;
	[tilespmem:$0x1F0C0] =	vst v63  }
0xb0: {  	_ = 	snop  }
0xb1: {  	[spmem:s2] =	stream.indirect.scatter.add.f32 [tilespmem:s13], [sflag:$0x4], $0x80, s23, s12, $0xb8;
	[tilespmem:$0x1F0C0] =	vst v63  }
0xb2: {  	_ =	swait.ge [sflag:s17], $0x3800  }
0xb3: {  	[sflag:s17] =	ssyncset.done $0x0  }
0xb4: {  	[sflag:s17] =	ssyncadd.s32 $0xFFFFC800  }
0xb5: {  	_ =	swait.ge [sflag:s18], $0x3800  }
0xb6: {  	[sflag:s18] =	ssyncset.done $0x0  }
0xb7: {  	[sflag:s18] =	ssyncadd.s32 $0xFFFFC800  }
0xb8: {  	[tilespmem:s13], [sflag:$0x1] =	stream.indirect.gather [hbm4b:s4+s12], $0x80, s24, s12, $0xb8;
	[tilespmem:$0x1F0C0] =	vst v63  }
0xb9: {  	_ = 	snop  }
0xba: {  	[spmem:s2] =	stream.indirect.scatter.add.f32 [tilespmem:s14], [sflag:$0x5], $0x80, s25, s12, $0xb8;
	[tilespmem:$0x1F0C0] =	vst v63  }
0xbb: {  	_ =	swait.ge [sflag:s19], $0x3800  }
0xbc: {  	[sflag:s19] =	ssyncset.done $0x0  }
0xbd: {  	[sflag:s19] =	ssyncadd.s32 $0xFFFFC800  }
0xbe: {  	_ =	swait.ge [sflag:s20], $0x3800  }
0xbf: {  	[sflag:s20] =	ssyncset.done $0x0  }
0xc0: {  	[sflag:s20] =	ssyncadd.s32 $0xFFFFC800  }
0xc1: {  	[tilespmem:s14], [sflag:$0x2] =	stream.indirect.gather [hbm4b:s4+s12], $0x80, s26, s12, $0xb8;
	[tilespmem:$0x1F0C0] =	vst v63  }
0xc2: {  	_ = 	snop  }
0xc3: {  	[spmem:s2] =	stream.indirect.scatter.add.f32 [tilespmem:s16], [sflag:$0x6], $0x80, s28, s12, $0xb8;
	[tilespmem:$0x1F0C0] =	vst v63  }
0xc4: {  	_ =	swait.ge [sflag:s15], $0x3800  }
0xc5: {  	[sflag:s15] =	ssyncset.done $0x0  }
0xc6: {  	[sflag:s15] =	ssyncadd.s32 $0xFFFFC800  }
0xc7: {  	_ =	swait.ge [sflag:s21], $0x3800  }
0xc8: {  	[sflag:s21] =	ssyncset.done $0x0  }
0xc9: {  	[sflag:s21] =	ssyncadd.s32 $0xFFFFC800  }
0xca: {  	[tilespmem:s16], [sflag:$0x3] =	stream.indirect.gather [hbm4b:s4+s12], $0x80, s29, s12, $0xb8;
	[tilespmem:$0x1F0C0] =	vst v63  }
0xcb: {  	_ = 	snop  }
0xcc: {  	[spmem:s2] =	stream.indirect.scatter.add.f32 [tilespmem:s13], [sflag:$0x4], $0x80, s30, s12, $0xb8;
	[tilespmem:$0x1F0C0] =	vst v63  }
0xcd: {  	_ =	swait.ge [sflag:s17], $0x3800  }
0xce: {  	[sflag:s17] =	ssyncset.done $0x0  }
0xcf: {  	[sflag:s17] =	ssyncadd.s32 $0xFFFFC800  }
0xd0: {  	_ =	swait.ge [sflag:s18], $0x3800  }
0xd1: {  	[sflag:s18] =	ssyncset.done $0x0  }
0xd2: {  	[sflag:s18] =	ssyncadd.s32 $0xFFFFC800  }
0xd3: {  	[tilespmem:s13], [sflag:$0x1] =	stream.indirect.gather [hbm4b:s4+s12], $0x80, s31, s12, $0xb8;
	[tilespmem:$0x1F0C0] =	vst v63  }
0xd4: {  	_ = 	snop  }
0xd5: {  	[spmem:s2] =	stream.indirect.scatter.add.f32 [tilespmem:s14], [sflag:$0x5], $0x80, s0, s12, $0xb8;
	[tilespmem:$0x1F0C0] =	vst v63  }
0xd6: {  	_ =	swait.ge [sflag:s19], $0x3800  }
0xd7: {  	[sflag:s19] =	ssyncset.done $0x0  }
0xd8: {  	[sflag:s19] =	ssyncadd.s32 $0xFFFFC800  }
0xd9: {  	[spmem:s2] =	stream.indirect.scatter.add.f32 [tilespmem:s16], [sflag:$0x6], $0x80, s1, s12, $0xb8;
	[tilespmem:$0x1F0C0] =	vst v63  }
0xda: {  	_ =	swait.ge [sflag:s15], $0x3800  }
0xdb: {  	[sflag:s15] =	ssyncset.done $0x0  }
0xdc: {  	[sflag:s15] =	ssyncadd.s32 $0xFFFFC800  }
0xdd: {  	[spmem:s2] =	stream.indirect.scatter.add.f32 [tilespmem:s13], [sflag:$0x4], $0x80, s5, s12, $0xb8;
	[tilespmem:$0x1F0C0] =	vst v63  }
0xde: {  	_ =	swait.ge [sflag:s20], $0x3800  }
0xdf: {  	[sflag:s20] =	ssyncset.done $0x0  }
0xe0: {  	p0 =	sne.s32 s6, $0x460;
	[sflag:s20] =	ssyncadd.s32 $0xFFFFC800  }
.Ltmp0:
0xe1: {  	_ =	swait.ge [sflag:s21], $0x3800;
	(pc) =	sbr.rel @p0 .LBB2_2-.Ltmp0, $4  }
0xe2: {  	[sflag:s21] =	ssyncset.done $0x0  }
0xe3: {  	[sflag:s21] =	ssyncadd.s32 $0xFFFFC800  }
0xe4: {  	_ =	swait.ge [sflag:s18], $0x3800  }
0xe5: {  	s6 =	sadd.s32 $0x8C, s6;
	s9 =	rddreg [dreg:$0x4];
	[sflag:s18] =	ssyncset.done $0x0  }
0xe6: {  	[sflag:s18] =	ssyncadd.s32 $0xFFFFC800;
	s6 =	sadd.s32 s8, s9  }
0xe7: {  	[tilespmem:s3], [sflag:$0x7] =	stream.linear.gather [hbm4b:s6+s3], $0x460, $0x38;
	[tilespmem:$0x1F0C0] =	vst v63  }
0xe8: {  	_ =	swait.ge [sflag:s10], $0x460  }
0xe9: {  	s7 =	rddreg [dreg:$0x5];
	[sflag:s10] =	ssyncset.done $0x0  }
0xea: {  	[sflag:s10] =	ssyncadd.s32 $0xFFFFFBA0;
	s6 =	sadd.s32 s8, s7  }
0xeb: {  	[tilespmem:s11], [sflag:$0x7] =	stream.linear.gather [hbm4b:s6+s3], $0x460, $0x38;
	[tilespmem:$0x1F0C0] =	vst v63  }
0xec: {  	_ =	swait.ge [sflag:s10], $0x460  }
0xed: {  	[sflag:s10] =	ssyncset.done $0x0  }
0xee: {  	[sflag:s10] =	ssyncadd.s32 $0xFFFFFBA0  }
0xef: {  	[tilespmem:s13], [sflag:$0x1] =	stream.indirect.gather [hbm4b:s4+s12], $0x80, s3, s12, $0xb8;
	[tilespmem:$0x1F0C0] =	vst v63  }
0xf0: {  	_ = 	snop  }
0xf1: {  	[tilespmem:s14], [sflag:$0x2] =	stream.indirect.gather [hbm4b:s4+s12], $0x80, s12, s12, $0xb8;
	[tilespmem:$0x1F0C0] =	vst v63  }
0xf2: {  	_ =	swait.ge [sflag:s15], $0x3800  }
0xf3: {  	[sflag:s15] =	ssyncset.done $0x0  }
0xf4: {  	s8 =	rddreg [dreg:$0x6];
	[sflag:s15] =	ssyncadd.s32 $0xFFFFC800  }
0xf5: {  	[tilespmem:s16], [sflag:$0x3] =	stream.indirect.gather [hbm4b:s4+s12], $0x80, s8, s12, $0xb8;
	[tilespmem:$0x1F0C0] =	vst v63  }
0xf6: {  	_ = 	snop  }
0xf7: {  	[spmem:s2] =	stream.indirect.scatter.add.f32 [tilespmem:s13], [sflag:$0x4], $0x80, s11, s12, $0xb8;
	[tilespmem:$0x1F0C0] =	vst v63  }
0xf8: {  	_ =	swait.ge [sflag:s17], $0x3800  }
0xf9: {  	[sflag:s17] =	ssyncset.done $0x0  }
0xfa: {  	[sflag:s17] =	ssyncadd.s32 $0xFFFFC800  }
0xfb: {  	_ =	swait.ge [sflag:s18], $0x3800  }
0xfc: {  	[sflag:s18] =	ssyncset.done $0x0  }
0xfd: {  	s9 =	rddreg [dreg:$0x7];
	[sflag:s18] =	ssyncadd.s32 $0xFFFFC800  }
0xfe: {  	[tilespmem:s13], [sflag:$0x1] =	stream.indirect.gather [hbm4b:s4+s12], $0x80, s9, s12, $0xb8;
	[tilespmem:$0x1F0C0] =	vst v63  }
0xff: {  	s7 =	rddreg [dreg:$0x8]  }
0x100: {  	[spmem:s2] =	stream.indirect.scatter.add.f32 [tilespmem:s14], [sflag:$0x5], $0x80, s7, s12, $0xb8;
	[tilespmem:$0x1F0C0] =	vst v63  }
0x101: {  	_ =	swait.ge [sflag:s19], $0x3800  }
0x102: {  	[sflag:s19] =	ssyncset.done $0x0  }
0x103: {  	[sflag:s19] =	ssyncadd.s32 $0xFFFFC800  }
0x104: {  	_ =	swait.ge [sflag:s20], $0x3800  }
0x105: {  	[sflag:s20] =	ssyncset.done $0x0  }
0x106: {  	s8 =	rddreg [dreg:$0x9];
	[sflag:s20] =	ssyncadd.s32 $0xFFFFC800  }
0x107: {  	[tilespmem:s14], [sflag:$0x2] =	stream.indirect.gather [hbm4b:s4+s12], $0x80, s8, s12, $0xb8;
	[tilespmem:$0x1F0C0] =	vst v63  }
0x108: {  	s9 =	rddreg [dreg:$0xa]  }
0x109: {  	[spmem:s2] =	stream.indirect.scatter.add.f32 [tilespmem:s16], [sflag:$0x6], $0x80, s9, s12, $0xb8;
	[tilespmem:$0x1F0C0] =	vst v63  }
0x10a: {  	_ =	swait.ge [sflag:s15], $0x3800  }
0x10b: {  	[sflag:s15] =	ssyncset.done $0x0  }
0x10c: {  	[sflag:s15] =	ssyncadd.s32 $0xFFFFC800  }
0x10d: {  	_ =	swait.ge [sflag:s21], $0x3800  }
0x10e: {  	[sflag:s21] =	ssyncset.done $0x0  }
0x10f: {  	[sflag:s21] =	ssyncadd.s32 $0xFFFFC800  }
0x110: {  	[tilespmem:s16], [sflag:$0x3] =	stream.indirect.gather [hbm4b:s4+s12], $0x80, s22, s12, $0xb8;
	[tilespmem:$0x1F0C0] =	vst v63  }
0x111: {  	_ = 	snop  }
0x112: {  	[spmem:s2] =	stream.indirect.scatter.add.f32 [tilespmem:s13], [sflag:$0x4], $0x80, s23, s12, $0xb8;
	[tilespmem:$0x1F0C0] =	vst v63  }
0x113: {  	_ =	swait.ge [sflag:s17], $0x3800  }
0x114: {  	[sflag:s17] =	ssyncset.done $0x0  }
0x115: {  	[sflag:s17] =	ssyncadd.s32 $0xFFFFC800  }
0x116: {  	_ =	swait.ge [sflag:s18], $0x3800  }
0x117: {  	[sflag:s18] =	ssyncset.done $0x0  }
0x118: {  	[sflag:s18] =	ssyncadd.s32 $0xFFFFC800  }
0x119: {  	[tilespmem:s13], [sflag:$0x1] =	stream.indirect.gather [hbm4b:s4+s12], $0x80, s24, s12, $0xb8;
	[tilespmem:$0x1F0C0] =	vst v63  }
0x11a: {  	_ = 	snop  }
0x11b: {  	[spmem:s2] =	stream.indirect.scatter.add.f32 [tilespmem:s14], [sflag:$0x5], $0x80, s25, s12, $0xb8;
	[tilespmem:$0x1F0C0] =	vst v63  }
0x11c: {  	_ =	swait.ge [sflag:s19], $0x3800  }
0x11d: {  	[sflag:s19] =	ssyncset.done $0x0  }
0x11e: {  	[sflag:s19] =	ssyncadd.s32 $0xFFFFC800  }
0x11f: {  	_ =	swait.ge [sflag:s20], $0x3800  }
0x120: {  	[sflag:s20] =	ssyncset.done $0x0  }
0x121: {  	[sflag:s20] =	ssyncadd.s32 $0xFFFFC800  }
0x122: {  	[tilespmem:s14], [sflag:$0x2] =	stream.indirect.gather [hbm4b:s4+s12], $0x80, s26, s12, $0xb8;
	[tilespmem:$0x1F0C0] =	vst v63  }
0x123: {  	_ = 	snop  }
0x124: {  	[spmem:s2] =	stream.indirect.scatter.add.f32 [tilespmem:s16], [sflag:$0x6], $0x80, s28, s12, $0xb8;
	[tilespmem:$0x1F0C0] =	vst v63  }
0x125: {  	_ =	swait.ge [sflag:s15], $0x3800  }
0x126: {  	[sflag:s15] =	ssyncset.done $0x0  }
0x127: {  	[sflag:s15] =	ssyncadd.s32 $0xFFFFC800  }
0x128: {  	_ =	swait.ge [sflag:s21], $0x3800  }
0x129: {  	[sflag:s21] =	ssyncset.done $0x0  }
0x12a: {  	[sflag:s21] =	ssyncadd.s32 $0xFFFFC800  }
0x12b: {  	[tilespmem:s16], [sflag:$0x3] =	stream.indirect.gather [hbm4b:s4+s12], $0x80, s29, s12, $0xb8;
	[tilespmem:$0x1F0C0] =	vst v63  }
0x12c: {  	_ = 	snop  }
0x12d: {  	[spmem:s2] =	stream.indirect.scatter.add.f32 [tilespmem:s13], [sflag:$0x4], $0x80, s30, s12, $0xb8;
	[tilespmem:$0x1F0C0] =	vst v63  }
0x12e: {  	_ =	swait.ge [sflag:s17], $0x3800  }
0x12f: {  	[sflag:s17] =	ssyncset.done $0x0  }
0x130: {  	[sflag:s17] =	ssyncadd.s32 $0xFFFFC800  }
0x131: {  	_ =	swait.ge [sflag:s18], $0x3800  }
0x132: {  	[sflag:s18] =	ssyncset.done $0x0  }
0x133: {  	[sflag:s18] =	ssyncadd.s32 $0xFFFFC800  }
0x134: {  	[tilespmem:s13], [sflag:$0x1] =	stream.indirect.gather [hbm4b:s4+s12], $0x80, s31, s12, $0xb8;
	[tilespmem:$0x1F0C0] =	vst v63  }
0x135: {  	_ = 	snop  }
0x136: {  	[spmem:s2] =	stream.indirect.scatter.add.f32 [tilespmem:s14], [sflag:$0x5], $0x80, s0, s12, $0xb8;
	[tilespmem:$0x1F0C0] =	vst v63  }
0x137: {  	_ =	swait.ge [sflag:s19], $0x3800  }
0x138: {  	[sflag:s19] =	ssyncset.done $0x0  }
0x139: {  	[sflag:s19] =	ssyncadd.s32 $0xFFFFC800  }
0x13a: {  	[spmem:s2] =	stream.indirect.scatter.add.f32 [tilespmem:s16], [sflag:$0x6], $0x80, s1, s12, $0xb8;
	[tilespmem:$0x1F0C0] =	vst v63  }
0x13b: {  	_ =	swait.ge [sflag:s15], $0x3800  }
0x13c: {  	[sflag:s15] =	ssyncset.done $0x0  }
0x13d: {  	[sflag:s15] =	ssyncadd.s32 $0xFFFFC800  }
0x13e: {  	[spmem:s2] =	stream.indirect.scatter.add.f32 [tilespmem:s13], [sflag:$0x4], $0x80, s5, s12, $0xb8;
	[tilespmem:$0x1F0C0] =	vst v63  }
0x13f: {  	_ =	swait.ge [sflag:s20], $0x3800  }
0x140: {  	[sflag:s20] =	ssyncset.done $0x0  }
0x141: {  	[sflag:s20] =	ssyncadd.s32 $0xFFFFC800  }
0x142: {  	_ =	swait.ge [sflag:s21], $0x3800  }
0x143: {  	[sflag:s21] =	ssyncset.done $0x0  }
0x144: {  	[sflag:s21] =	ssyncadd.s32 $0xFFFFC800  }
0x145: {  	_ =	swait.ge [sflag:s18], $0x3800  }
0x146: {  	[sflag:s18] =	ssyncset.done $0x0  }
0x147: {  	[sflag:s18] =	ssyncadd.s32 $0xFFFFC800  }
0x148: {  	[bflag:$0x0] =	sbarrier.arrive $0xFFFF  }
0x149: {  	s9 =	rddreg [dreg:$0xc]  }
0x14a: {  	s8 =	rddreg [dreg:$0xd]  }
0x14b: {  	s7 =	rddreg [dreg:$0xf]  }
0x14c: {  	[hbm:s8], [sflag:s9] =	dma.local [spmem:s7], $0x2800  }
0x14d: {  	_ =	swait.ge [sflag:s10], $0x2800  }
0x14e: {  	s6 =	rddreg [dreg:$0x10]  }
0x14f: {  	s8 =	sadd.s32 $0x1, s6;
	s6 =	rddreg [dreg:$0xe]  }
0x150: {  	p0 =	sne.s32 s8, s6  }
.Ltmp1:
0x151: {  	_ = 	snop;
	(pc) =	sbr.rel @p0 .LBB2_1-.Ltmp1, $3  }
0x152: {  	_ =	sdelay $0x1  }
0x153: {  	[sflag:s10] =	ssyncset.done $0x0  }
0x154: {  	[sflag:s10] =	ssyncadd.s32 $0xFFFFD800  }
0x155: {  	_ =	sfence.sel $0x180000  }
0x156: {  	[bflag:$0x0] =	sbarrier.arrive $0xFFFF  }
0x157: {  	_ =	strace $0x9000004A  }
0x158: {  	s0 =	stileid.u32;
	[bflag:$0x2] =	sbarrier.arrive $0xFFFF  }
0x159: {  	p0 =	sne.s32 s0, $0x0;
	s0 =	rddreg [dreg:$0x3]  }
0x15a: {  	s0 =	sadd.s32 @!p0 $0x100000, s0  }
0x15b: {  	[sflag:s0] =	ssyncadd.tile.s32 @!p0 $0x1;
	_ =	shalt  }
.Lfunc_end2:
_tile_overlayer_lowered:
.L_overlay_start_2:
0x15c: {  	(tag) =	ssettag $0x2  }
0x15d: {  	s0 =	rddreg [dreg:$0x0];
	s2 =	stileid.u32  }
0x15e: {  	s1 =	rddreg [dreg:$0x1];
	p0 =	sne.s32 s2, $0x0  }
0x15f: {  	s3 =	rddreg [dreg:$0x2];
	[bflag:$0x3] =	sbarrier.arrive $0xFFFF;
	s2 =	simm.s32 @!p0 $0x1C07  }
0x160: {  	[timem:s3], [sflag:s2] =	dma.local @!p0 [hbm:s0], s1  }
0x161: {  	s0 =	simm.s32 @!p0 $0x7  }
0x162: {  	_ =	swait.ge @!p0 [sflag:s0], s1  }
0x163: {  	s1 =	ssub.s32 @!p0 $0x0, s1;
	[sflag:s0] =	ssyncset.done @!p0 $0x0  }
0x164: {  	[sflag:s0] =	ssyncadd.s32 @!p0 s1  }
0x165: {  	[bflag:$0x3] =	sbarrier.arrive $0xFFFF  }
0x166: {  	_ =	shalt  }

// kernel: kernel.16.cloned.1.call-start
scs
__scs_entry_jumppad:
0x0: {  	(pc) =	sbr.rel $0x88, $3  }
0x1: {  	(tag) =	ssettag $0x0;
	lr =	simm.s32 $0x1  }
0x2: {  	[smem:$0x3F99] =	sst lr;
	_ =	strace $0xD0000000  }
0x3: {  	_ = 	snop  }
0x4: {  	_ = 	snop  }
0x5: {  	_ = 	snop  }
0x6: {  	_ = 	snop  }
0x7: {  	_ = 	snop  }
__scs_overlays_trampoline_lowered:
0x8: {  	[smem:$0x3FA8] =	sst s0  }
0x9: {  	[smem:$0x3FA9] =	sst s1  }
0xa: {  	[smem:$0x3FAA] =	sst s2  }
0xb: {  	[smem:$0x3FAB] =	sst s3  }
0xc: {  	[smem:$0x3FAC] =	sst s4  }
0xd: {  	[smem:$0x3FAD] =	sst s5  }
0xe: {  	[smem:$0x3FAE] =	sst s6  }
0xf: {  	[smem:$0x3FAF] =	sst s7  }
0x10: {  	[smem:$0x3FB0] =	sst s8  }
0x11: {  	[smem:$0x3FB1] =	sst s9;
	s0 =	simm.s32 @!p0 $0x0  }
0x12: {  	s1 =	sld [smem:$0x3F97];
	s0 =	simm.s32 @p0 $0x1  }
0x13: {  	[smem:$0x3FB2] =	sst s0;
	s0 =	simm.s32 @!p1 $0x0  }
0x14: {  	s2 =	sld [smem:$0x3F96];
	s0 =	simm.s32 @p1 $0x1  }
0x15: {  	[smem:$0x3FB3] =	sst s0;
	s0 =	simm.s32 @!p2 $0x0  }
0x16: {  	s3 =	sld [smem:$0x3FDB];
	s0 =	simm.s32 @p2 $0x1  }
0x17: {  	s4 =	simm.s32 $0x1BF5;
	[smem:$0x3FB5] =	sst s0  }
0x18: {  	s0 =	sld [smem:$0x3F98];
	_ =	swait.ge [sflag:s4], $0x0  }
0x19: {  	s7 =	sld [smem:$0x3F99]  }
0x1a: {  	s8 =	sadd.s32 $0xFFFFE003, lr  }
0x1b: {  	s9 =	sadd.s32 $0xFFFFFEF7, lr;
	s5 =	simm.s32 $0xFFFFFFFF;
	p2 =	slt.u32 s8, $0xFFFFF086  }
0x1c: {  	p1 =	slt.u32 s9, $0xF7A;
	s5 =	simm.s32 @!p2 $0x0  }
0x1d: {  	s5 =	simm.s32 @p1 $0x1;
	p0 =	seq.s32 s7, s2  }
0x1e: {  	s7 =	smul.u32 @!p0 $0xF7A, s2;
	p2 =	seq.s32 @!p0 s5, $0x0  }
0x1f: {  	s9 =	smul.u32 $0xF7A, s1;
	s8 =	simm.s32 @!p0 $0x1BF5;
	p2 =	por !p2, p0  }
0x20: {  	[sflag:s8] =	ssyncset.s32 @!p0 $0xFFFFF086;
	s6 =	sadd.s32 @!p0 s3, s7;
	s7 =	simm.s32 @!p0 $0x108  }
0x21: {  	s3 =	sadd.s32 s3, s9;
	s6 =	sadd.s32 @!p0 $0x88, s6;
	s7 =	simm.s32 @p2 $0x1082  }
0x22: {  	[simem:s7], [sflag:s8] =	dma.local @!p0 [hbm:s6], $0xF7A  }
0x23: {  	s9 =	sor.u32 $0xD0000000, s2;
	s6 =	simm.s32 $0x108;
	_ =	swait.ge @!p0 [sflag:s8], $0x0  }
0x24: {  	s3 =	sadd.s32 $0x88, s3;
	s6 =	simm.s32 @!p1 $0x1082;
	[sflag:s4] =	ssyncset.s32 $0xFFFFF086  }
0x25: {  	[simem:s6], [sflag:s4] =	dma.local [hbm:s3], $0xF7A  }
0x26: {  	[smem:$0x3F99] =	sst s1;
	(tag) =	ssettag s2;
	_ =	strace s9  }
0x27: {  	s1 =	sld [smem:$0x3FA9]  }
0x28: {  	s2 =	sld [smem:$0x3FAA]  }
0x29: {  	s4 =	sld [smem:$0x3FAC]  }
0x2a: {  	p0 =	seq.s32 s5, $0x0;
	s5 =	sld [smem:$0x3FAD]  }
0x2b: {  	s6 =	sld [smem:$0x3FAE]  }
0x2c: {  	s7 =	sld [smem:$0x3FAF]  }
0x2d: {  	s3 =	simm.s32 $0x108;
	s8 =	sld [smem:$0x3FB0]  }
0x2e: {  	s3 =	simm.s32 @!p0 $0x1082;
	s9 =	sld [smem:$0x3FB1]  }
0x2f: {  	lr =	sadd.s32 s0, s3;
	s0 =	sld [smem:$0x3FA8]  }
0x30: {  	s3 =	sld [smem:$0x3FAB]  }
0x31: {  	[smem:$0x3FB4] =	sst s10  }
0x32: {  	s10 =	sld [smem:$0x3FB2];
	_ =	sdelay $0x3  }
0x33: {  	p0 =	seq.s32 s10, $0x1;
	s10 =	sld [smem:$0x3FB4];
	_ =	sdelay $0x3  }
0x34: {  	[smem:$0x3FB4] =	sst s10  }
0x35: {  	s10 =	sld [smem:$0x3FB3];
	_ =	sdelay $0x3  }
0x36: {  	p1 =	seq.s32 s10, $0x1;
	s10 =	sld [smem:$0x3FB4];
	_ =	sdelay $0x3  }
0x37: {  	[smem:$0x3FB4] =	sst s10  }
0x38: {  	s10 =	sld [smem:$0x3FB5]  }
0x39: {  	_ = 	snop;
	(pc) =	sbr.ind lr, $3  }
0x3a: {  	_ = 	snop  }
0x3b: {  	_ = 	snop  }
0x3c: {  	p2 =	seq.s32 s10, $0x1;
	s10 =	sld [smem:$0x3FB4]  }
0x3d: {  	_ =	shalt  }
0x3e: {  	_ =	shalt  }
0x3f: {  	_ =	shalt  }
0x40: {  	_ =	shalt  }
0x41: {  	_ =	shalt  }
0x42: {  	_ =	shalt  }
0x43: {  	_ =	shalt  }
0x44: {  	_ =	shalt  }
0x45: {  	_ =	shalt  }
0x46: {  	_ =	shalt  }
0x47: {  	_ =	shalt  }
0x48: {  	_ =	shalt  }
0x49: {  	_ =	shalt  }
0x4a: {  	_ =	shalt  }
0x4b: {  	_ =	shalt  }
0x4c: {  	_ =	shalt  }
0x4d: {  	_ =	shalt  }
0x4e: {  	_ =	shalt  }
0x4f: {  	_ =	shalt  }
0x50: {  	_ =	shalt  }
0x51: {  	_ =	shalt  }
0x52: {  	_ =	shalt  }
0x53: {  	_ =	shalt  }
0x54: {  	_ =	shalt  }
0x55: {  	_ =	shalt  }
0x56: {  	_ =	shalt  }
0x57: {  	_ =	shalt  }
0x58: {  	_ =	shalt  }
0x59: {  	_ =	shalt  }
0x5a: {  	_ =	shalt  }
0x5b: {  	_ =	shalt  }
0x5c: {  	_ =	shalt  }
0x5d: {  	_ =	shalt  }
0x5e: {  	_ =	shalt  }
0x5f: {  	_ =	shalt  }
0x60: {  	_ =	shalt  }
0x61: {  	_ =	shalt  }
0x62: {  	_ =	shalt  }
0x63: {  	_ =	shalt  }
0x64: {  	_ =	shalt  }
0x65: {  	_ =	shalt  }
0x66: {  	_ =	shalt  }
0x67: {  	_ =	shalt  }
0x68: {  	_ =	shalt  }
0x69: {  	_ =	shalt  }
0x6a: {  	_ =	shalt  }
0x6b: {  	_ =	shalt  }
0x6c: {  	_ =	shalt  }
0x6d: {  	_ =	shalt  }
0x6e: {  	_ =	shalt  }
0x6f: {  	_ =	shalt  }
0x70: {  	_ =	shalt  }
0x71: {  	_ =	shalt  }
0x72: {  	_ =	shalt  }
0x73: {  	_ =	shalt  }
0x74: {  	_ =	shalt  }
0x75: {  	_ =	shalt  }
0x76: {  	_ =	shalt  }
0x77: {  	_ =	shalt  }
0x78: {  	_ =	shalt  }
0x79: {  	_ =	shalt  }
0x7a: {  	_ =	shalt  }
0x7b: {  	_ =	shalt  }
0x7c: {  	_ =	shalt  }
0x7d: {  	_ =	shalt  }
0x7e: {  	_ =	shalt  }
0x7f: {  	_ =	shalt  }
0x80: {  	_ =	shalt  }
0x81: {  	_ =	shalt  }
0x82: {  	_ =	shalt  }
0x83: {  	_ =	shalt  }
0x84: {  	_ =	shalt  }
0x85: {  	_ =	shalt  }
0x86: {  	_ =	shalt  }
0x87: {  	_ =	shalt  }
.Lfunc_end0:
.L_simem_size_0:
called_computation.2_lowered:
.L_overlay_start_0:
0x88: {  	s2 =	sld [smem:$0x3FD9]  }
0x89: {  	s3 =	sld [smem:$0x3FFE];
	_ =	sdelay $0x1  }
0x8a: {  	s1 =	srdreg.scid  }
0x8b: {  	s0 =	sand.u32 $0x1, s1  }
0x8c: {  	s14 =	sshll.u32 s0, $0xA;
	s2 =	sadd.s32 s3, s2  }
0x8d: {  	s2 =	sadd.s32 s2, s14  }
0x8e: {  	[smem:$0x3FC0] =	sst s2  }
0x8f: {  	_ = 	snop  }
0x90: {  	s2 =	sld [smem:$0x3FD0];
	_ =	sdelay $0x2  }
0x91: {  	s15 =	simm.s32 $0xA;
	s4 =	simm.s32 $0x10  }
0x92: {  	[smem:s4], [sflag:s15] =	dma.local [hbm:s2], $0x1  }
0x93: {  	_ =	swait.eq [sflag:s15], $0x1  }
0x94: {  	[sflag:s15] =	ssyncset.done $0x0  }
0x95: {  	[sflag:s15] =	ssyncadd.s32 $0xFFFFFFFF  }
0x96: {  	s16 =	sld [smem:$0x10];
	(tm) =	ssettm $0x1  }
0x97: {  	s17 =	sld [smem:$0x3FFB];
	_ =	sdelay $0x3  }
0x98: {  	_ =	strace s17  }
0x99: {  	s3 =	sld [smem:$0x3FFC];
	_ =	sdelay $0x3  }
0x9a: {  	_ =	strace s3  }
0x9b: {  	s3 =	sld [smem:$0x3FFD];
	_ =	sdelay $0x3  }
0x9c: {  	_ =	strace s3  }
0x9d: {  	_ =	strace $0x8FFFFFFF  }
0x9e: {  	s18 =	sld [smem:$0x3FDB];
	_ =	sdelay $0x1  }
0x9f: {  	s19 =	simm.s32 $_scs_section_size  }
0xa0: {  	s5 =	simm.s32 $_size__tile_overlayer_lowered;
	s6 =	simm.s32 $_tile_overlayer_lowered  }
0xa1: {  	s22 =	simm.s32 $0x1BFF;
	s21 =	sshll.u32 s6, $0x1;
	s3 =	sadd.s32 s19, s18  }
0xa2: {  	s7 =	simm.s32 $0x0;
	s20 =	sshll.u32 s5, $0x1;
	s5 =	sadd.s32 s21, s3  }
0xa3: {  	[timem:s7], [sflag:s22] =	dma.local [hbm:s5], s20  }
0xa4: {  	_ =	swait.ge [sflag:s22], s20  }
0xa5: {  	s4 =	ssub.s32 $0x0, s20;
	[sflag:s22] =	ssyncset.done $0x0  }
0xa6: {  	[sflag:s22] =	ssyncadd.s32 s4;
	_ =	sdelay $0x1  }
0xa7: {  	s23 =	simm.s32 $0x1B8B  }
0xa8: {  	_ =	swait.ge [sflag:s23], $0x1  }
0xa9: {  	[sflag:s23] =	ssyncset.done $0x0  }
0xaa: {  	s25 =	simm.s32 $0x1B8E;
	s24 =	sld [smem:$0x3FFE];
	[sflag:s23] =	ssyncadd.s32 $0xFFFFFFFF  }
0xab: {  	s26 =	simm.s32 $execute0_lowered;
	[smem:$0x3FD2] =	sst s25  }
0xac: {  	s5 =	sshll.u32 s26, $0x1;
	_ =	strace $0x8000004C;
	[dreg:$0x1] =	wrdreg $0xFFFFFFFF  }
0xad: {  	s28 =	simm.s32 $_size_execute0_lowered;
	s3 =	sadd.s32 s3, s5;
	[dreg:$0x0] =	wrdreg $0x0  }
0xae: {  	s5 =	sshll.u32 s28, $0x1;
	[dreg:$0x2] =	wrdreg s3  }
0xaf: {  	[dreg:$0x3] =	wrdreg s5  }
0xb0: {  	[dreg:$0x4] =	wrdreg $0xC0  }
0xb1: {  	_ =	task [dreg:s7], $0x5FFFF  }
0xb2: {  	[dreg:$0x1] =	wrdreg $0xFFFFFFFF  }
0xb3: {  	[dreg:$0x0] =	wrdreg $0x60  }
0xb4: {  	[dreg:$0x2] =	wrdreg s24  }
0xb5: {  	[dreg:$0x3] =	wrdreg s16  }
0xb6: {  	[dreg:$0x4] =	wrdreg $0xB0C00  }
0xb7: {  	[dreg:$0x5] =	wrdreg $0x9  }
0xb8: {  	_ =	task.clear_ibuf [dreg:s7], $0x6FFFF;
	_ =	strace $0x9000004C  }
0xb9: {  	s29 =	simm.s32 $0x9;
	_ =	strace $0x8000004E  }
0xba: {  	_ =	swait.ge [sflag:s29], $0x1  }
0xbb: {  	[sflag:s29] =	ssyncadd.s32 $0xFFFFFFFF  }
0xbc: {  	_ =	strace $0x9000004E  }
0xbd: {  	_ =	sfence  }
0xbe: {  	s30 =	sld [smem:$0x0];
	_ =	sdelay $0x2  }
0xbf: {  	s31 =	sshll.u32 s1, $0xD;
	s1 =	sshrl.u32 s1, $0x2  }
0xc0: {  	s3 =	sand.u32 $0x4000, s31;
	s1 =	sadd.s32 s1, s30  }
0xc1: {  	s0 =	sor.u32 s3, s0;
	s1 =	sshll.u32 s1, $0x11  }
0xc2: {  	s0 =	sor.u32 s1, s0  }
0xc3: {  	s0 =	sadd.s32 $0x8F2B, s0  }
0xc4: {  	[sflag:s0] =	ssyncadd.remote.s32 $0x1  }
0xc5: {  	_ =	sfence.sel $0xFFFF  }
0xc6: {  	[dreg:$0x0] =	wrdreg $0xFFFFFFFF;
	(pc) =	sbr.abs _section_cstart, $3  }
0xc7: {  	[dreg:$0x1] =	wrdreg $0xFFFFFFFF  }
0xc8: {  	_ =	task.clear_ibuf [dreg:s7], $0x2FFFF;
	_ =	strace $0x9FFFFFFF  }
0xc9: {  	(tm) =	ssettm $0x7FFFFFFF  }
tec
execute0_lowered:
.L_overlay_start_1:
0x0: {  	(tag) =	ssettag $0x1  }
0x1: {  	s0 =	rddreg [dreg:$0x0]  }
0x2: {  	s3 =	rddreg [dreg:$0x2]  }
0x3: {  	s10 =	stileid.u32;
	s1 =	srdreg.scid  }
0x4: {  	s4 =	simm.s32 $0x0;
	s13 =	simm.s32 $0x7;
	s14 =	simm.s32 $0x460  }
0x5: {  	s15 =	simm.s32 $0x70;
	s16 =	simm.s32 $0x8C0;
	s17 =	simm.s32 $0x40C0  }
0x6: {  	s18 =	simm.s32 $0x1;
	s20 =	simm.s32 $0x78C0;
	s21 =	simm.s32 $0x2  }
0x7: {  	s22 =	simm.s32 $0x4;
	s25 =	simm.s32 $0x3;
	s30 =	simm.s32 $0x6  }
0x8: {  	s12 =	simm.s32 $0x700;
	s19 =	simm.s32 $0x7E0;
	s23 =	simm.s32 $0x850  }
0x9: {  	s2 =	smul.u32 $0x14000, s10;
	s1 =	sand.u32 $0x1, s1;
	[smem:$0x7FF] =	sst s4  }
0xa: {  	s5 =	sadd.s32 $0x5E000, s0;
	s6 =	sadd.s32 $0x5000, s0;
	s29 =	sshll.u32 s10, $0x6  }
0xb: {  	s26 =	smul.u32 $0x140000, s1;
	_ =	strace $0x8000004D;
	s7 =	ssub.s32 $0x2, s1  }
0xc: {  	s1 =	smul.u32 $0x2710, s1;
	s8 =	sshrl.u32 s2, $0x3;
	s9 =	sshrl.u32 s7, $0x1  }
0xd: {  	s4 =	sadd.s32 s2, s26;
	s8 =	sadd.s32 s8, s0;
	s28 =	ssub.s32 s7, s9  }
0xe: {  	s2 =	sadd.s32 s2, s3;
	s7 =	sor.u32 $0x1C07, s29;
	s9 =	smul.u32 $0xB4, s10  }
0xf: {  	s26 =	simm.s32 $0x5;
	s8 =	sadd.s32 $0x36000, s8;
	[dreg:$0x5] =	wrdreg s7  }
0x10: {  	s4 =	sshrl.u32 s4, $0x3;
	s31 =	smax.u32 s28, $0x1;
	[dreg:$0x4] =	wrdreg s8  }
0x11: {  	s0 =	sadd.s32 s4, s0;
	[dreg:$0x7] =	wrdreg s31;
	s8 =	sshrl.u32 s2, $0x3  }
0x12: {  	v0 =	vmov s1;
	s1 =	simm.s32 $0x0;
	s0 =	sadd.s32 $0xFC200, s0;
	[dreg:$0x8] =	wrdreg s8  }
0x13: {  	s2 =	simm.s32 $0x3F0;
	s4 =	simm.s32 $0x770;
	[dreg:$0x6] =	wrdreg s0  }
.LBB2_1:
0x14: {  	[dreg:$0x9] =	wrdreg s1  }
0x15: {  	s0 =	rddreg [dreg:$0x4]  }
0x16: {  	[spmem:s8], [sflag:s7] =	dma.local [hbm:s0], $0x2800  }
0x17: {  	_ =	swait.ge [sflag:s13], $0x2800  }
0x18: {  	[sflag:s13] =	ssyncset.done $0x0  }
0x19: {  	[sflag:s13] =	ssyncadd.s32 $0xFFFFD800  }
0x1a: {  	s24 =	simm.s32 $0x0;
	[bflag:$0x0] =	sbarrier.arrive $0xFFFF  }
.LBB2_2:
0x1b: {  	s0 =	smul.u32 $0xA, s24;
	_ =	sdelay $0x1  }
0x1c: {  	s0 =	sadd.s32 s9, s0  }
0x1d: {  	s0 =	smul.u32 $0xE, s0  }
0x1e: {  	s7 =	simm.s32 $0x0  }
0x1f: {  	s10 =	smul.u32 $0x25, s7;
	s1 =	sadd.s32 s6, s0  }
0x20: {  	[tilespmem:s7], [sflag:$0x7] =	stream.linear.gather [hbm4b:s1+s7], $0x460, $0x38;
	[tilespmem:$0x1F0C0] =	vst v63  }
0x21: {  	_ =	swait.ge [sflag:s13], $0x460  }
0x22: {  	s11 =	sshrl.u32 s10, $0x8;
	[sflag:s13] =	ssyncset.done $0x0  }
0x23: {  	s1 =	ssub.s32 $0x0, s11;
	[sflag:s13] =	ssyncadd.s32 $0xFFFFFBA0  }
0x24: {  	s1 =	sand.u32 $0xFE, s1;
	s8 =	rddreg [dreg:$0x1]  }
0x25: {  	s1 =	sshrl.u32 s1, $0x1;
	s0 =	sadd.s32 s8, s0  }
0x26: {  	[tilespmem:s14], [sflag:$0x7] =	stream.linear.gather [hbm4b:s0+s7], $0x460, $0x38;
	[tilespmem:$0x1F0C0] =	vst v63  }
0x27: {  	s29 =	simm.s32 $0x1;
	s0 =	sadd.s32 s11, s1  }
0x28: {  	s7 =	smul.u32 $0x25, s29;
	s0 =	sand.u32 $0xFC, s0  }
0x29: {  	s28 =	simm.s32 $0x2;
	s0 =	sshrl.u32 s0, $0x2  }
0x2a: {  	_ =	swait.ge [sflag:s13], $0x460;
	s8 =	sshrl.u32 s7, $0x8;
	s11 =	smul.u32 $0x7, s0  }
0x2b: {  	s1 =	smul.u32 $0x25, s28;
	[sflag:s13] =	ssyncset.done $0x0;
	s31 =	ssub.s32 $0x1, s8  }
0x2c: {  	s0 =	smul.u32 $0x1C0, s0;
	s31 =	sand.u32 $0xFE, s31;
	s10 =	ssub.s32 $0x0, s11  }
0x2d: {  	[sflag:s13] =	ssyncadd.s32 $0xFFFFFBA0;
	s31 =	sshrl.u32 s31, $0x1;
	s10 =	sand.u32 $0xFF, s10  }
0x2e: {  	s7 =	sadd.s32 s8, s31;
	s31 =	sshrl.u32 s0, $0x2;
	s10 =	sshll.u32 s10, $0x4  }
0x2f: {  	s0 =	simm.s32 $0x3;
	s7 =	sand.u32 $0xFC, s7;
	s31 =	sadd.s32 s10, s31  }
.LBB2_3:
0x30: {  	p0 =	sne.s32 s0, $0x45;
	s7 =	sshrl.u32 s7, $0x2;
	v1 =	vld [tilespmem:s31+$0x0];
	s10 =	smov.u32 s29  }
0x31: {  	s11 =	sshrl.u32 s1, $0x8;
	s29 =	smov.u32 s28;
	s1 =	smul.u32 $0x7, s7  }
.Ltmp0:
0x32: {  	s28 =	smov.u32 s0;
	s8 =	ssub.s32 s29, s11;
	(pc) =	sbr.rel @p0 .LBB2_3-.Ltmp0, $4  }
0x33: {  	s7 =	smul.u32 $0x1C0, s7;
	s8 =	sand.u32 $0xFE, s8;
	s10 =	ssub.s32 s10, s1  }
0x34: {  	s1 =	smul.u32 $0x25, s0;
	s8 =	sshrl.u32 s8, $0x1;
	s10 =	sand.u32 $0xFF, s10  }
0x35: {  	s8 =	sadd.s32 s11, s8;
	s11 =	sshrl.u32 s7, $0x2;
	s10 =	sshll.u32 s10, $0x4;
	v1 =	vadd.s32 v0, v1  }
0x36: {  	s0 =	sadd.s32 $0x1, s0;
	s7 =	sand.u32 $0xFC, s8;
	[tilespmem:s31+$0x0] =	vst v1;
	s31 =	sadd.s32 s10, s11  }
0x37: {  	s0 =	sshrl.u32 s7, $0x2;
	v1 =	vld [tilespmem:s31+$0x0]  }
0x38: {  	s1 =	sshrl.u32 s1, $0x8;
	s7 =	smul.u32 $0x7, s0  }
0x39: {  	s8 =	ssub.s32 s28, s1  }
0x3a: {  	s0 =	smul.u32 $0x1C0, s0;
	s8 =	sand.u32 $0xFE, s8;
	s7 =	ssub.s32 s29, s7  }
0x3b: {  	s8 =	sshrl.u32 s8, $0x1;
	s7 =	sand.u32 $0xFF, s7  }
0x3c: {  	s0 =	sshrl.u32 s0, $0x2;
	s1 =	sadd.s32 s1, s8;
	s7 =	sshll.u32 s7, $0x4;
	v1 =	vadd.s32 v0, v1  }
0x3d: {  	s1 =	sand.u32 $0xFC, s1;
	s0 =	sadd.s32 s7, s0;
	[tilespmem:s31+$0x0] =	vst v1  }
0x3e: {  	s1 =	sshrl.u32 s1, $0x2;
	v1 =	vld [tilespmem:s0+$0x0]  }
0x3f: {  	s8 =	smul.u32 $0x7, s1;
	_ =	sdelay $0x1  }
0x40: {  	s1 =	smul.u32 $0x1C0, s1;
	s7 =	ssub.s32 s28, s8  }
0x41: {  	s7 =	sand.u32 $0xFF, s7  }
0x42: {  	s1 =	sshrl.u32 s1, $0x2;
	s7 =	sshll.u32 s7, $0x4;
	v1 =	vadd.s32 v0, v1  }
0x43: {  	s1 =	sadd.s32 s7, s1;
	[tilespmem:s0+$0x0] =	vst v1  }
0x44: {  	v1 =	vld [tilespmem:s1+$0x0];
	_ =	sdelay $0x4  }
0x45: {  	v1 =	vadd.s32 v0, v1  }
0x46: {  	s10 =	simm.s32 $0x0;
	[tilespmem:s1+$0x0] =	vst v1  }
0x47: {  	[tilespmem:s16], [sflag:$0x1] =	stream.indirect.gather [hbm4b:s5+s15], $0x80, s10, s15, $0xb8;
	[tilespmem:$0x1F0C0] =	vst v63  }
0x48: {  	_ = 	snop  }
0x49: {  	[tilespmem:s17], [sflag:$0x2] =	stream.indirect.gather [hbm4b:s5+s15], $0x80, s15, s15, $0xb8;
	[tilespmem:$0x1F0C0] =	vst v63  }
0x4a: {  	_ =	swait.ge [sflag:s18], $0x3800  }
0x4b: {  	[sflag:s18] =	ssyncset.done $0x0  }
0x4c: {  	s11 =	simm.s32 $0xE0;
	[sflag:s18] =	ssyncadd.s32 $0xFFFFC800  }
0x4d: {  	[tilespmem:s20], [sflag:$0x3] =	stream.indirect.gather [hbm4b:s5+s15], $0x80, s11, s15, $0xb8;
	[tilespmem:$0x1F0C0] =	vst v63  }
0x4e: {  	_ = 	snop  }
0x4f: {  	[spmem:s3] =	stream.indirect.scatter.add.f32 [tilespmem:s16], [sflag:$0x4], $0x80, s14, s15, $0xb8;
	[tilespmem:$0x1F0C0] =	vst v63  }
0x50: {  	_ =	swait.ge [sflag:s21], $0x3800  }
0x51: {  	[sflag:s21] =	ssyncset.done $0x0  }
0x52: {  	[sflag:s21] =	ssyncadd.s32 $0xFFFFC800  }
0x53: {  	_ =	swait.ge [sflag:s22], $0x3800  }
0x54: {  	[sflag:s22] =	ssyncset.done $0x0  }
0x55: {  	s28 =	simm.s32 $0x150;
	[sflag:s22] =	ssyncadd.s32 $0xFFFFC800  }
0x56: {  	[tilespmem:s16], [sflag:$0x1] =	stream.indirect.gather [hbm4b:s5+s15], $0x80, s28, s15, $0xb8;
	[tilespmem:$0x1F0C0] =	vst v63  }
0x57: {  	s29 =	simm.s32 $0x4D0  }
0x58: {  	[spmem:s3] =	stream.indirect.scatter.add.f32 [tilespmem:s17], [sflag:$0x5], $0x80, s29, s15, $0xb8;
	[tilespmem:$0x1F0C0] =	vst v63  }
0x59: {  	_ =	swait.ge [sflag:s25], $0x3800  }
0x5a: {  	[sflag:s25] =	ssyncset.done $0x0  }
0x5b: {  	[sflag:s25] =	ssyncadd.s32 $0xFFFFC800  }
0x5c: {  	_ =	swait.ge [sflag:s26], $0x3800  }
0x5d: {  	[sflag:s26] =	ssyncset.done $0x0  }
0x5e: {  	s31 =	simm.s32 $0x1C0;
	[sflag:s26] =	ssyncadd.s32 $0xFFFFC800  }
0x5f: {  	[tilespmem:s17], [sflag:$0x2] =	stream.indirect.gather [hbm4b:s5+s15], $0x80, s31, s15, $0xb8;
	[tilespmem:$0x1F0C0] =	vst v63  }
0x60: {  	s1 =	simm.s32 $0x540  }
0x61: {  	[spmem:s3] =	stream.indirect.scatter.add.f32 [tilespmem:s20], [sflag:$0x6], $0x80, s1, s15, $0xb8;
	[tilespmem:$0x1F0C0] =	vst v63  }
0x62: {  	_ =	swait.ge [sflag:s18], $0x3800  }
0x63: {  	[sflag:s18] =	ssyncset.done $0x0  }
0x64: {  	[sflag:s18] =	ssyncadd.s32 $0xFFFFC800  }
0x65: {  	_ =	swait.ge [sflag:s30], $0x3800  }
0x66: {  	[sflag:s30] =	ssyncset.done $0x0  }
0x67: {  	s7 =	simm.s32 $0x230;
	[sflag:s30] =	ssyncadd.s32 $0xFFFFC800  }
0x68: {  	[tilespmem:s20], [sflag:$0x3] =	stream.indirect.gather [hbm4b:s5+s15], $0x80, s7, s15, $0xb8;
	[tilespmem:$0x1F0C0] =	vst v63  }
0x69: {  	s8 =	simm.s32 $0x5B0  }
0x6a: {  	[spmem:s3] =	stream.indirect.scatter.add.f32 [tilespmem:s16], [sflag:$0x4], $0x80, s8, s15, $0xb8;
	[tilespmem:$0x1F0C0] =	vst v63  }
0x6b: {  	_ =	swait.ge [sflag:s21], $0x3800  }
0x6c: {  	[sflag:s21] =	ssyncset.done $0x0  }
0x6d: {  	[sflag:s21] =	ssyncadd.s32 $0xFFFFC800  }
0x6e: {  	_ =	swait.ge [sflag:s22], $0x3800  }
0x6f: {  	[sflag:s22] =	ssyncset.done $0x0  }
0x70: {  	s10 =	simm.s32 $0x2A0;
	[sflag:s22] =	ssyncadd.s32 $0xFFFFC800  }
0x71: {  	[tilespmem:s16], [sflag:$0x1] =	stream.indirect.gather [hbm4b:s5+s15], $0x80, s10, s15, $0xb8;
	[tilespmem:$0x1F0C0] =	vst v63  }
0x72: {  	s11 =	simm.s32 $0x620  }
0x73: {  	[spmem:s3] =	stream.indirect.scatter.add.f32 [tilespmem:s17], [sflag:$0x5], $0x80, s11, s15, $0xb8;
	[tilespmem:$0x1F0C0] =	vst v63  }
0x74: {  	_ =	swait.ge [sflag:s25], $0x3800  }
0x75: {  	[sflag:s25] =	ssyncset.done $0x0  }
0x76: {  	[sflag:s25] =	ssyncadd.s32 $0xFFFFC800  }
0x77: {  	_ =	swait.ge [sflag:s26], $0x3800  }
0x78: {  	[sflag:s26] =	ssyncset.done $0x0  }
0x79: {  	s28 =	simm.s32 $0x310;
	[sflag:s26] =	ssyncadd.s32 $0xFFFFC800  }
0x7a: {  	[tilespmem:s17], [sflag:$0x2] =	stream.indirect.gather [hbm4b:s5+s15], $0x80, s28, s15, $0xb8;
	[tilespmem:$0x1F0C0] =	vst v63  }
0x7b: {  	s29 =	simm.s32 $0x690  }
0x7c: {  	[spmem:s3] =	stream.indirect.scatter.add.f32 [tilespmem:s20], [sflag:$0x6], $0x80, s29, s15, $0xb8;
	[tilespmem:$0x1F0C0] =	vst v63  }
0x7d: {  	_ =	swait.ge [sflag:s18], $0x3800  }
0x7e: {  	[sflag:s18] =	ssyncset.done $0x0  }
0x7f: {  	[sflag:s18] =	ssyncadd.s32 $0xFFFFC800  }
0x80: {  	_ =	swait.ge [sflag:s30], $0x3800  }
0x81: {  	[sflag:s30] =	ssyncset.done $0x0  }
0x82: {  	s31 =	simm.s32 $0x380;
	[sflag:s30] =	ssyncadd.s32 $0xFFFFC800  }
0x83: {  	[tilespmem:s20], [sflag:$0x3] =	stream.indirect.gather [hbm4b:s5+s15], $0x80, s31, s15, $0xb8;
	[tilespmem:$0x1F0C0] =	vst v63  }
0x84: {  	_ = 	snop  }
0x85: {  	[spmem:s3] =	stream.indirect.scatter.add.f32 [tilespmem:s16], [sflag:$0x4], $0x80, s12, s15, $0xb8;
	[tilespmem:$0x1F0C0] =	vst v63  }
0x86: {  	_ =	swait.ge [sflag:s21], $0x3800  }
0x87: {  	[sflag:s21] =	ssyncset.done $0x0  }
0x88: {  	[sflag:s21] =	ssyncadd.s32 $0xFFFFC800  }
0x89: {  	_ =	swait.ge [sflag:s22], $0x3800  }
0x8a: {  	[sflag:s22] =	ssyncset.done $0x0  }
0x8b: {  	[sflag:s22] =	ssyncadd.s32 $0xFFFFC800  }
0x8c: {  	[tilespmem:s16], [sflag:$0x1] =	stream.indirect.gather [hbm4b:s5+s15], $0x80, s2, s15, $0xb8;
	[tilespmem:$0x1F0C0] =	vst v63  }
0x8d: {  	_ = 	snop  }
0x8e: {  	[spmem:s3] =	stream.indirect.scatter.add.f32 [tilespmem:s17], [sflag:$0x5], $0x80, s4, s15, $0xb8;
	[tilespmem:$0x1F0C0] =	vst v63  }
0x8f: {  	_ =	swait.ge [sflag:s25], $0x3800  }
0x90: {  	[sflag:s25] =	ssyncset.done $0x0  }
0x91: {  	[sflag:s25] =	ssyncadd.s32 $0xFFFFC800  }
0x92: {  	[spmem:s3] =	stream.indirect.scatter.add.f32 [tilespmem:s20], [sflag:$0x6], $0x80, s19, s15, $0xb8;
	[tilespmem:$0x1F0C0] =	vst v63  }
0x93: {  	_ =	swait.ge [sflag:s18], $0x3800  }
0x94: {  	[sflag:s18] =	ssyncset.done $0x0  }
0x95: {  	[sflag:s18] =	ssyncadd.s32 $0xFFFFC800  }
0x96: {  	[spmem:s3] =	stream.indirect.scatter.add.f32 [tilespmem:s16], [sflag:$0x4], $0x80, s23, s15, $0xb8;
	[tilespmem:$0x1F0C0] =	vst v63  }
0x97: {  	_ =	swait.ge [sflag:s26], $0x3800  }
0x98: {  	[sflag:s26] =	ssyncset.done $0x0  }
0x99: {  	s24 =	sadd.s32 $0x1, s24;
	[sflag:s26] =	ssyncadd.s32 $0xFFFFC800  }
0x9a: {  	p0 =	sne.s32 s24, $0x12;
	_ =	swait.ge [sflag:s30], $0x3800  }
.Ltmp1:
0x9b: {  	[sflag:s30] =	ssyncset.done $0x0;
	(pc) =	sbr.rel @p0 .LBB2_2-.Ltmp1, $4  }
0x9c: {  	[sflag:s30] =	ssyncadd.s32 $0xFFFFC800  }
0x9d: {  	_ =	swait.ge [sflag:s22], $0x3800  }
0x9e: {  	[sflag:s22] =	ssyncset.done $0x0  }
0x9f: {  	[sflag:s22] =	ssyncadd.s32 $0xFFFFC800  }
0xa0: {  	[bflag:$0x0] =	sbarrier.arrive $0xFFFF  }
0xa1: {  	s7 =	rddreg [dreg:$0x5]  }
0xa2: {  	s0 =	rddreg [dreg:$0x6]  }
0xa3: {  	s8 =	rddreg [dreg:$0x8]  }
0xa4: {  	[hbm:s0], [sflag:s7] =	dma.local [spmem:s8], $0x2800  }
0xa5: {  	_ =	swait.ge [sflag:s13], $0x2800  }
0xa6: {  	s1 =	rddreg [dreg:$0x9]  }
0xa7: {  	s31 =	rddreg [dreg:$0x7];
	s1 =	sadd.s32 $0x1, s1  }
0xa8: {  	p0 =	sne.s32 s1, s31  }
.Ltmp2:
0xa9: {  	_ = 	snop;
	(pc) =	sbr.rel @p0 .LBB2_1-.Ltmp2, $3  }
0xaa: {  	_ =	sdelay $0x1  }
0xab: {  	[sflag:s13] =	ssyncset.done $0x0  }
0xac: {  	[sflag:s13] =	ssyncadd.s32 $0xFFFFD800  }
0xad: {  	_ =	sfence.sel $0x180000  }
0xae: {  	[bflag:$0x0] =	sbarrier.arrive $0xFFFF  }
0xaf: {  	_ =	strace $0x9000004D  }
0xb0: {  	s0 =	stileid.u32;
	[bflag:$0x2] =	sbarrier.arrive $0xFFFF  }
0xb1: {  	p0 =	sne.s32 s0, $0x0;
	s0 =	rddreg [dreg:$0x3]  }
0xb2: {  	s0 =	sadd.s32 @!p0 $0x100000, s0  }
0xb3: {  	[sflag:s0] =	ssyncadd.tile.s32 @!p0 $0x1;
	_ =	shalt  }
.Lfunc_end2:
_tile_overlayer_lowered:
.L_overlay_start_2:
0xb4: {  	(tag) =	ssettag $0x2  }
0xb5: {  	s0 =	rddreg [dreg:$0x0];
	s2 =	stileid.u32  }
0xb6: {  	s1 =	rddreg [dreg:$0x1];
	p0 =	sne.s32 s2, $0x0  }
0xb7: {  	s3 =	rddreg [dreg:$0x2];
	[bflag:$0x3] =	sbarrier.arrive $0xFFFF;
	s2 =	simm.s32 @!p0 $0x1C07  }
0xb8: {  	[timem:s3], [sflag:s2] =	dma.local @!p0 [hbm:s0], s1  }
0xb9: {  	s0 =	simm.s32 @!p0 $0x7  }
0xba: {  	_ =	swait.ge @!p0 [sflag:s0], s1  }
0xbb: {  	s1 =	ssub.s32 @!p0 $0x0, s1;
	[sflag:s0] =	ssyncset.done @!p0 $0x0  }
0xbc: {  	[sflag:s0] =	ssyncadd.s32 @!p0 s1  }
0xbd: {  	[bflag:$0x3] =	sbarrier.arrive $0xFFFF  }
0xbe: {  	_ =	shalt  }

// kernel: kernel.19.cloned.1.call-start
scs
__scs_entry_jumppad:
0x0: {  	(pc) =	sbr.rel $0x88, $3  }
0x1: {  	(tag) =	ssettag $0x0;
	lr =	simm.s32 $0x1  }
0x2: {  	[smem:$0x3F99] =	sst lr;
	_ =	strace $0xD0000000  }
0x3: {  	_ = 	snop  }
0x4: {  	_ = 	snop  }
0x5: {  	_ = 	snop  }
0x6: {  	_ = 	snop  }
0x7: {  	_ = 	snop  }
__scs_overlays_trampoline_lowered:
0x8: {  	[smem:$0x3FA8] =	sst s0  }
0x9: {  	[smem:$0x3FA9] =	sst s1  }
0xa: {  	[smem:$0x3FAA] =	sst s2  }
0xb: {  	[smem:$0x3FAB] =	sst s3  }
0xc: {  	[smem:$0x3FAC] =	sst s4  }
0xd: {  	[smem:$0x3FAD] =	sst s5  }
0xe: {  	[smem:$0x3FAE] =	sst s6  }
0xf: {  	[smem:$0x3FAF] =	sst s7  }
0x10: {  	[smem:$0x3FB0] =	sst s8  }
0x11: {  	[smem:$0x3FB1] =	sst s9;
	s0 =	simm.s32 @!p0 $0x0  }
0x12: {  	s1 =	sld [smem:$0x3F97];
	s0 =	simm.s32 @p0 $0x1  }
0x13: {  	[smem:$0x3FB2] =	sst s0;
	s0 =	simm.s32 @!p1 $0x0  }
0x14: {  	s2 =	sld [smem:$0x3F96];
	s0 =	simm.s32 @p1 $0x1  }
0x15: {  	[smem:$0x3FB3] =	sst s0;
	s0 =	simm.s32 @!p2 $0x0  }
0x16: {  	s3 =	sld [smem:$0x3FDB];
	s0 =	simm.s32 @p2 $0x1  }
0x17: {  	s4 =	simm.s32 $0x1BF5;
	[smem:$0x3FB5] =	sst s0  }
0x18: {  	s0 =	sld [smem:$0x3F98];
	_ =	swait.ge [sflag:s4], $0x0  }
0x19: {  	s7 =	sld [smem:$0x3F99]  }
0x1a: {  	s8 =	sadd.s32 $0xFFFFE003, lr  }
0x1b: {  	s9 =	sadd.s32 $0xFFFFFEF7, lr;
	s5 =	simm.s32 $0xFFFFFFFF;
	p2 =	slt.u32 s8, $0xFFFFF086  }
0x1c: {  	p1 =	slt.u32 s9, $0xF7A;
	s5 =	simm.s32 @!p2 $0x0  }
0x1d: {  	s5 =	simm.s32 @p1 $0x1;
	p0 =	seq.s32 s7, s2  }
0x1e: {  	s7 =	smul.u32 @!p0 $0xF7A, s2;
	p2 =	seq.s32 @!p0 s5, $0x0  }
0x1f: {  	s9 =	smul.u32 $0xF7A, s1;
	s8 =	simm.s32 @!p0 $0x1BF5;
	p2 =	por !p2, p0  }
0x20: {  	[sflag:s8] =	ssyncset.s32 @!p0 $0xFFFFF086;
	s6 =	sadd.s32 @!p0 s3, s7;
	s7 =	simm.s32 @!p0 $0x108  }
0x21: {  	s3 =	sadd.s32 s3, s9;
	s6 =	sadd.s32 @!p0 $0x88, s6;
	s7 =	simm.s32 @p2 $0x1082  }
0x22: {  	[simem:s7], [sflag:s8] =	dma.local @!p0 [hbm:s6], $0xF7A  }
0x23: {  	s9 =	sor.u32 $0xD0000000, s2;
	s6 =	simm.s32 $0x108;
	_ =	swait.ge @!p0 [sflag:s8], $0x0  }
0x24: {  	s3 =	sadd.s32 $0x88, s3;
	s6 =	simm.s32 @!p1 $0x1082;
	[sflag:s4] =	ssyncset.s32 $0xFFFFF086  }
0x25: {  	[simem:s6], [sflag:s4] =	dma.local [hbm:s3], $0xF7A  }
0x26: {  	[smem:$0x3F99] =	sst s1;
	(tag) =	ssettag s2;
	_ =	strace s9  }
0x27: {  	s1 =	sld [smem:$0x3FA9]  }
0x28: {  	s2 =	sld [smem:$0x3FAA]  }
0x29: {  	s4 =	sld [smem:$0x3FAC]  }
0x2a: {  	p0 =	seq.s32 s5, $0x0;
	s5 =	sld [smem:$0x3FAD]  }
0x2b: {  	s6 =	sld [smem:$0x3FAE]  }
0x2c: {  	s7 =	sld [smem:$0x3FAF]  }
0x2d: {  	s3 =	simm.s32 $0x108;
	s8 =	sld [smem:$0x3FB0]  }
0x2e: {  	s3 =	simm.s32 @!p0 $0x1082;
	s9 =	sld [smem:$0x3FB1]  }
0x2f: {  	lr =	sadd.s32 s0, s3;
	s0 =	sld [smem:$0x3FA8]  }
0x30: {  	s3 =	sld [smem:$0x3FAB]  }
0x31: {  	[smem:$0x3FB4] =	sst s10  }
0x32: {  	s10 =	sld [smem:$0x3FB2];
	_ =	sdelay $0x3  }
0x33: {  	p0 =	seq.s32 s10, $0x1;
	s10 =	sld [smem:$0x3FB4];
	_ =	sdelay $0x3  }
0x34: {  	[smem:$0x3FB4] =	sst s10  }
0x35: {  	s10 =	sld [smem:$0x3FB3];
	_ =	sdelay $0x3  }
0x36: {  	p1 =	seq.s32 s10, $0x1;
	s10 =	sld [smem:$0x3FB4];
	_ =	sdelay $0x3  }
0x37: {  	[smem:$0x3FB4] =	sst s10  }
0x38: {  	s10 =	sld [smem:$0x3FB5]  }
0x39: {  	_ = 	snop;
	(pc) =	sbr.ind lr, $3  }
0x3a: {  	_ = 	snop  }
0x3b: {  	_ = 	snop  }
0x3c: {  	p2 =	seq.s32 s10, $0x1;
	s10 =	sld [smem:$0x3FB4]  }
0x3d: {  	_ =	shalt  }
0x3e: {  	_ =	shalt  }
0x3f: {  	_ =	shalt  }
0x40: {  	_ =	shalt  }
0x41: {  	_ =	shalt  }
0x42: {  	_ =	shalt  }
0x43: {  	_ =	shalt  }
0x44: {  	_ =	shalt  }
0x45: {  	_ =	shalt  }
0x46: {  	_ =	shalt  }
0x47: {  	_ =	shalt  }
0x48: {  	_ =	shalt  }
0x49: {  	_ =	shalt  }
0x4a: {  	_ =	shalt  }
0x4b: {  	_ =	shalt  }
0x4c: {  	_ =	shalt  }
0x4d: {  	_ =	shalt  }
0x4e: {  	_ =	shalt  }
0x4f: {  	_ =	shalt  }
0x50: {  	_ =	shalt  }
0x51: {  	_ =	shalt  }
0x52: {  	_ =	shalt  }
0x53: {  	_ =	shalt  }
0x54: {  	_ =	shalt  }
0x55: {  	_ =	shalt  }
0x56: {  	_ =	shalt  }
0x57: {  	_ =	shalt  }
0x58: {  	_ =	shalt  }
0x59: {  	_ =	shalt  }
0x5a: {  	_ =	shalt  }
0x5b: {  	_ =	shalt  }
0x5c: {  	_ =	shalt  }
0x5d: {  	_ =	shalt  }
0x5e: {  	_ =	shalt  }
0x5f: {  	_ =	shalt  }
0x60: {  	_ =	shalt  }
0x61: {  	_ =	shalt  }
0x62: {  	_ =	shalt  }
0x63: {  	_ =	shalt  }
0x64: {  	_ =	shalt  }
0x65: {  	_ =	shalt  }
0x66: {  	_ =	shalt  }
0x67: {  	_ =	shalt  }
0x68: {  	_ =	shalt  }
0x69: {  	_ =	shalt  }
0x6a: {  	_ =	shalt  }
0x6b: {  	_ =	shalt  }
0x6c: {  	_ =	shalt  }
0x6d: {  	_ =	shalt  }
0x6e: {  	_ =	shalt  }
0x6f: {  	_ =	shalt  }
0x70: {  	_ =	shalt  }
0x71: {  	_ =	shalt  }
0x72: {  	_ =	shalt  }
0x73: {  	_ =	shalt  }
0x74: {  	_ =	shalt  }
0x75: {  	_ =	shalt  }
0x76: {  	_ =	shalt  }
0x77: {  	_ =	shalt  }
0x78: {  	_ =	shalt  }
0x79: {  	_ =	shalt  }
0x7a: {  	_ =	shalt  }
0x7b: {  	_ =	shalt  }
0x7c: {  	_ =	shalt  }
0x7d: {  	_ =	shalt  }
0x7e: {  	_ =	shalt  }
0x7f: {  	_ =	shalt  }
0x80: {  	_ =	shalt  }
0x81: {  	_ =	shalt  }
0x82: {  	_ =	shalt  }
0x83: {  	_ =	shalt  }
0x84: {  	_ =	shalt  }
0x85: {  	_ =	shalt  }
0x86: {  	_ =	shalt  }
0x87: {  	_ =	shalt  }
.Lfunc_end0:
.L_simem_size_0:
called_computation.3_lowered:
.L_overlay_start_0:
0x88: {  	s2 =	sld [smem:$0x3FD9]  }
0x89: {  	s3 =	sld [smem:$0x3FFE];
	_ =	sdelay $0x1  }
0x8a: {  	s1 =	srdreg.scid  }
0x8b: {  	s0 =	sand.u32 $0x1, s1  }
0x8c: {  	s14 =	sshll.u32 s0, $0xA;
	s2 =	sadd.s32 s3, s2  }
0x8d: {  	s2 =	sadd.s32 s2, s14  }
0x8e: {  	[smem:$0x3FC0] =	sst s2  }
0x8f: {  	_ = 	snop  }
0x90: {  	s2 =	sld [smem:$0x3FD0];
	_ =	sdelay $0x2  }
0x91: {  	s15 =	simm.s32 $0xA;
	s4 =	simm.s32 $0x10  }
0x92: {  	[smem:s4], [sflag:s15] =	dma.local [hbm:s2], $0x1  }
0x93: {  	_ =	swait.eq [sflag:s15], $0x1  }
0x94: {  	[sflag:s15] =	ssyncset.done $0x0  }
0x95: {  	s16 =	sld [smem:$0x10];
	[sflag:s15] =	ssyncadd.s32 $0xFFFFFFFF  }
0x96: {  	s17 =	sld [smem:$0x11];
	(tm) =	ssettm $0x1  }
0x97: {  	s18 =	sld [smem:$0x3FFB];
	_ =	sdelay $0x3  }
0x98: {  	_ =	strace s18  }
0x99: {  	s4 =	sld [smem:$0x3FFC];
	_ =	sdelay $0x3  }
0x9a: {  	_ =	strace s4  }
0x9b: {  	s4 =	sld [smem:$0x3FFD];
	_ =	sdelay $0x3  }
0x9c: {  	_ =	strace s4  }
0x9d: {  	_ =	strace $0x8FFFFFFF  }
0x9e: {  	s19 =	sld [smem:$0x3FDB];
	_ =	sdelay $0x1  }
0x9f: {  	s5 =	simm.s32 $_scs_section_size  }
0xa0: {  	s6 =	simm.s32 $_size__tile_overlayer_lowered;
	s7 =	simm.s32 $_tile_overlayer_lowered  }
0xa1: {  	s22 =	simm.s32 $0x1BFF;
	s21 =	sshll.u32 s7, $0x1;
	s4 =	sadd.s32 s5, s19  }
0xa2: {  	s8 =	simm.s32 $0x0;
	s20 =	sshll.u32 s6, $0x1;
	s6 =	sadd.s32 s21, s4  }
0xa3: {  	[timem:s8], [sflag:s22] =	dma.local [hbm:s6], s20  }
0xa4: {  	_ =	swait.ge [sflag:s22], s20  }
0xa5: {  	s5 =	ssub.s32 $0x0, s20;
	[sflag:s22] =	ssyncset.done $0x0  }
0xa6: {  	[sflag:s22] =	ssyncadd.s32 s5;
	_ =	sdelay $0x1  }
0xa7: {  	s23 =	simm.s32 $0x1B8B  }
0xa8: {  	_ =	swait.ge [sflag:s23], $0x1  }
0xa9: {  	[sflag:s23] =	ssyncset.done $0x0  }
0xaa: {  	s25 =	simm.s32 $0x1B8E;
	s24 =	sld [smem:$0x3FFE];
	[sflag:s23] =	ssyncadd.s32 $0xFFFFFFFF  }
0xab: {  	s26 =	simm.s32 $execute0_lowered;
	[smem:$0x3FD2] =	sst s25  }
0xac: {  	s6 =	sshll.u32 s26, $0x1;
	_ =	strace $0x8000004F;
	[dreg:$0x1] =	wrdreg $0xFFFFFFFF  }
0xad: {  	s28 =	simm.s32 $_size_execute0_lowered;
	s4 =	sadd.s32 s4, s6;
	[dreg:$0x0] =	wrdreg $0x0  }
0xae: {  	s6 =	sshll.u32 s28, $0x1;
	[dreg:$0x2] =	wrdreg s4  }
0xaf: {  	[dreg:$0x3] =	wrdreg s6  }
0xb0: {  	[dreg:$0x4] =	wrdreg $0xC0  }
0xb1: {  	_ =	task [dreg:s8], $0x5FFFF  }
0xb2: {  	[dreg:$0x1] =	wrdreg $0xFFFFFFFF  }
0xb3: {  	[dreg:$0x0] =	wrdreg $0x60  }
0xb4: {  	[dreg:$0x2] =	wrdreg s17  }
0xb5: {  	[dreg:$0x3] =	wrdreg s24  }
0xb6: {  	[dreg:$0x4] =	wrdreg s16  }
0xb7: {  	[dreg:$0x5] =	wrdreg $0x3D400  }
0xb8: {  	[dreg:$0x6] =	wrdreg $0x9  }
0xb9: {  	_ =	task.clear_ibuf [dreg:s8], $0x7FFFF;
	_ =	strace $0x9000004F  }
0xba: {  	s29 =	simm.s32 $0x9;
	_ =	strace $0x80000051  }
0xbb: {  	_ =	swait.ge [sflag:s29], $0x1  }
0xbc: {  	[sflag:s29] =	ssyncadd.s32 $0xFFFFFFFF  }
0xbd: {  	_ =	strace $0x90000051  }
0xbe: {  	_ =	sfence  }
0xbf: {  	s30 =	sld [smem:$0x0];
	_ =	sdelay $0x2  }
0xc0: {  	s31 =	sshll.u32 s1, $0xD;
	s1 =	sshrl.u32 s1, $0x2  }
0xc1: {  	s3 =	sand.u32 $0x4000, s31;
	s1 =	sadd.s32 s1, s30  }
0xc2: {  	s0 =	sor.u32 s3, s0;
	s1 =	sshll.u32 s1, $0x11  }
0xc3: {  	s0 =	sor.u32 s1, s0  }
0xc4: {  	s0 =	sadd.s32 $0x8F2B, s0  }
0xc5: {  	[sflag:s0] =	ssyncadd.remote.s32 $0x1  }
0xc6: {  	_ =	sfence.sel $0xFFFF  }
0xc7: {  	[dreg:$0x0] =	wrdreg $0xFFFFFFFF;
	(pc) =	sbr.abs _section_cstart, $3  }
0xc8: {  	[dreg:$0x1] =	wrdreg $0xFFFFFFFF  }
0xc9: {  	_ =	task.clear_ibuf [dreg:s8], $0x2FFFF;
	_ =	strace $0x9FFFFFFF  }
0xca: {  	(tm) =	ssettm $0x7FFFFFFF  }
0xcb: {  	_ =	shalt  }
tec
execute0_lowered:
.L_overlay_start_1:
0x0: {  	(tag) =	ssettag $0x1  }
0x1: {  	s0 =	rddreg [dreg:$0x0]  }
0x2: {  	s1 =	rddreg [dreg:$0x1]  }
0x3: {  	s2 =	rddreg [dreg:$0x2];
	s4 =	srdreg.scid  }
0x4: {  	s3 =	rddreg [dreg:$0x3];
	s13 =	stileid.u32;
	s22 =	simm.s32 $0xE0  }
0x5: {  	s14 =	simm.s32 $0x1A40;
	s15 =	simm.s32 $0x1;
	s16 =	simm.s32 $0x2BC0  }
0x6: {  	s17 =	simm.s32 $0x2;
	s23 =	simm.s32 $0x150;
	s24 =	simm.s32 $0x4D0  }
0x7: {  	s25 =	simm.s32 $0x1C0;
	s26 =	simm.s32 $0x540;
	s28 =	simm.s32 $0x690  }
0x8: {  	s29 =	simm.s32 $0x380;
	s5 =	sand.u32 $0x1, s4;
	s4 =	simm.s32 $0x0  }
0x9: {  	s30 =	simm.s32 $0x700;
	s31 =	simm.s32 $0x3F0;
	[smem:$0x7FF] =	sst s4  }
0xa: {  	s7 =	smul.u32 $0x6400, s13;
	_ =	strace $0x80000050;
	[dreg:$0x7] =	wrdreg s22  }
0xb: {  	s12 =	smul.u32 $0x4EC, s13;
	s20 =	sshll.u32 s13, $0x6;
	[dreg:$0x8] =	wrdreg s23  }
0xc: {  	s13 =	simm.s32 $0x8C0;
	s6 =	smul.u32 $0x4EC0, s5;
	[dreg:$0x9] =	wrdreg s24  }
0xd: {  	s8 =	smul.u32 $0x64000, s5;
	s5 =	ssub.s32 $0x2, s5;
	[dreg:$0xa] =	wrdreg s25  }
0xe: {  	s10 =	sshrl.u32 s7, $0x3;
	s11 =	sshrl.u32 s5, $0x1;
	[dreg:$0xb] =	wrdreg s26  }
0xf: {  	s22 =	simm.s32 $0x230;
	s23 =	simm.s32 $0x5B0;
	s24 =	simm.s32 $0x2A0  }
0x10: {  	s25 =	simm.s32 $0x620;
	s26 =	simm.s32 $0x310;
	s9 =	sadd.s32 s6, s1  }
0x11: {  	s8 =	sadd.s32 s7, s8;
	s10 =	sadd.s32 s10, s1;
	s5 =	ssub.s32 s5, s11  }
0x12: {  	s7 =	sadd.s32 s7, s3;
	s2 =	sadd.s32 s6, s2;
	s11 =	simm.s32 $0x460  }
0x13: {  	s8 =	sshrl.u32 s8, $0x3;
	s18 =	sadd.s32 $0xEE00, s10;
	s19 =	sadd.s32 s12, s9  }
0x14: {  	s9 =	sor.u32 $0x1C07, s20;
	s2 =	sadd.s32 s12, s2;
	s21 =	smax.u32 s5, $0x1  }
0x15: {  	s7 =	sshrl.u32 s7, $0x3;
	s10 =	simm.s32 $0x7;
	[dreg:$0xc] =	wrdreg s18  }
0x16: {  	s12 =	simm.s32 $0x70;
	s20 =	simm.s32 $0x5;
	[dreg:$0xf] =	wrdreg s21  }
0x17: {  	s5 =	simm.s32 $0x850;
	s1 =	sadd.s32 s8, s1;
	[dreg:$0x6] =	wrdreg s2  }
0x18: {  	s8 =	sadd.s32 $0x5000, s19;
	s18 =	simm.s32 $0x4;
	[dreg:$0xd] =	wrdreg s9  }
0x19: {  	s19 =	simm.s32 $0x3;
	s21 =	simm.s32 $0x6;
	[dreg:$0x10] =	wrdreg s7  }
0x1a: {  	s2 =	simm.s32 $0x7E0;
	[dreg:$0x5] =	wrdreg s8;
	s1 =	sadd.s32 $0x1B600, s1  }
0x1b: {  	s8 =	simm.s32 $0x0;
	[dreg:$0xe] =	wrdreg s1;
	s1 =	simm.s32 $0x770  }
.LBB2_1:
0x1c: {  	[dreg:$0x11] =	wrdreg s8  }
0x1d: {  	s6 =	rddreg [dreg:$0xc]  }
0x1e: {  	[spmem:s7], [sflag:s9] =	dma.local [hbm:s6], $0xC80  }
0x1f: {  	_ =	swait.ge [sflag:s10], $0xC80  }
0x20: {  	[sflag:s10] =	ssyncset.done $0x0  }
0x21: {  	[sflag:s10] =	ssyncadd.s32 $0xFFFFF380  }
0x22: {  	[bflag:$0x0] =	sbarrier.arrive $0xFFFF  }
0x23: {  	s9 =	rddreg [dreg:$0x5]  }
0x24: {  	s6 =	sadd.s32 $0x0, s9  }
0x25: {  	[tilespmem:s4], [sflag:$0x7] =	stream.linear.gather [hbm4b:s6+s4], $0x460, $0x38;
	[tilespmem:$0xA140] =	vst v63  }
0x26: {  	_ =	swait.ge [sflag:s10], $0x460  }
0x27: {  	s7 =	rddreg [dreg:$0x6];
	[sflag:s10] =	ssyncset.done $0x0  }
0x28: {  	[sflag:s10] =	ssyncadd.s32 $0xFFFFFBA0;
	s6 =	sadd.s32 $0x0, s7  }
0x29: {  	[tilespmem:s11], [sflag:$0x7] =	stream.linear.gather [hbm4b:s6+s4], $0x460, $0x38;
	[tilespmem:$0xA140] =	vst v63  }
0x2a: {  	_ =	swait.ge [sflag:s10], $0x460  }
0x2b: {  	[sflag:s10] =	ssyncset.done $0x0  }
0x2c: {  	[sflag:s10] =	ssyncadd.s32 $0xFFFFFBA0  }
0x2d: {  	[tilespmem:s13], [sflag:$0x1] =	stream.indirect.gather [hbm4b:s0+s12], $0x28, s4, s12, $0xb8;
	[tilespmem:$0xA140] =	vst v63  }
0x2e: {  	_ = 	snop  }
0x2f: {  	[tilespmem:s14], [sflag:$0x2] =	stream.indirect.gather [hbm4b:s0+s12], $0x28, s12, s12, $0xb8;
	[tilespmem:$0xA140] =	vst v63  }
0x30: {  	_ =	swait.ge [sflag:s15], $0x1180  }
0x31: {  	[sflag:s15] =	ssyncset.done $0x0  }
0x32: {  	s8 =	rddreg [dreg:$0x7];
	[sflag:s15] =	ssyncadd.s32 $0xFFFFEE80  }
0x33: {  	[tilespmem:s16], [sflag:$0x3] =	stream.indirect.gather [hbm4b:s0+s12], $0x28, s8, s12, $0xb8;
	[tilespmem:$0xA140] =	vst v63  }
0x34: {  	_ = 	snop  }
0x35: {  	[spmem:s3] =	stream.indirect.scatter.add.f32 [tilespmem:s13], [sflag:$0x4], $0x28, s11, s12, $0xb8;
	[tilespmem:$0xA140] =	vst v63  }
0x36: {  	_ =	swait.ge [sflag:s17], $0x1180  }
0x37: {  	[sflag:s17] =	ssyncset.done $0x0  }
0x38: {  	[sflag:s17] =	ssyncadd.s32 $0xFFFFEE80  }
0x39: {  	_ =	swait.ge [sflag:s18], $0x1180  }
0x3a: {  	[sflag:s18] =	ssyncset.done $0x0  }
0x3b: {  	s9 =	rddreg [dreg:$0x8];
	[sflag:s18] =	ssyncadd.s32 $0xFFFFEE80  }
0x3c: {  	[tilespmem:s13], [sflag:$0x1] =	stream.indirect.gather [hbm4b:s0+s12], $0x28, s9, s12, $0xb8;
	[tilespmem:$0xA140] =	vst v63  }
0x3d: {  	s7 =	rddreg [dreg:$0x9]  }
0x3e: {  	[spmem:s3] =	stream.indirect.scatter.add.f32 [tilespmem:s14], [sflag:$0x5], $0x28, s7, s12, $0xb8;
	[tilespmem:$0xA140] =	vst v63  }
0x3f: {  	_ =	swait.ge [sflag:s19], $0x1180  }
0x40: {  	[sflag:s19] =	ssyncset.done $0x0  }
0x41: {  	[sflag:s19] =	ssyncadd.s32 $0xFFFFEE80  }
0x42: {  	_ =	swait.ge [sflag:s20], $0x1180  }
0x43: {  	[sflag:s20] =	ssyncset.done $0x0  }
0x44: {  	s8 =	rddreg [dreg:$0xa];
	[sflag:s20] =	ssyncadd.s32 $0xFFFFEE80  }
0x45: {  	[tilespmem:s14], [sflag:$0x2] =	stream.indirect.gather [hbm4b:s0+s12], $0x28, s8, s12, $0xb8;
	[tilespmem:$0xA140] =	vst v63  }
0x46: {  	s9 =	rddreg [dreg:$0xb]  }
0x47: {  	[spmem:s3] =	stream.indirect.scatter.add.f32 [tilespmem:s16], [sflag:$0x6], $0x28, s9, s12, $0xb8;
	[tilespmem:$0xA140] =	vst v63  }
0x48: {  	_ =	swait.ge [sflag:s15], $0x1180  }
0x49: {  	[sflag:s15] =	ssyncset.done $0x0  }
0x4a: {  	[sflag:s15] =	ssyncadd.s32 $0xFFFFEE80  }
0x4b: {  	_ =	swait.ge [sflag:s21], $0x1180  }
0x4c: {  	[sflag:s21] =	ssyncset.done $0x0  }
0x4d: {  	[sflag:s21] =	ssyncadd.s32 $0xFFFFEE80  }
0x4e: {  	[tilespmem:s16], [sflag:$0x3] =	stream.indirect.gather [hbm4b:s0+s12], $0x28, s22, s12, $0xb8;
	[tilespmem:$0xA140] =	vst v63  }
0x4f: {  	_ = 	snop  }
0x50: {  	[spmem:s3] =	stream.indirect.scatter.add.f32 [tilespmem:s13], [sflag:$0x4], $0x28, s23, s12, $0xb8;
	[tilespmem:$0xA140] =	vst v63  }
0x51: {  	_ =	swait.ge [sflag:s17], $0x1180  }
0x52: {  	[sflag:s17] =	ssyncset.done $0x0  }
0x53: {  	[sflag:s17] =	ssyncadd.s32 $0xFFFFEE80  }
0x54: {  	_ =	swait.ge [sflag:s18], $0x1180  }
0x55: {  	[sflag:s18] =	ssyncset.done $0x0  }
0x56: {  	[sflag:s18] =	ssyncadd.s32 $0xFFFFEE80  }
0x57: {  	[tilespmem:s13], [sflag:$0x1] =	stream.indirect.gather [hbm4b:s0+s12], $0x28, s24, s12, $0xb8;
	[tilespmem:$0xA140] =	vst v63  }
0x58: {  	_ = 	snop  }
0x59: {  	[spmem:s3] =	stream.indirect.scatter.add.f32 [tilespmem:s14], [sflag:$0x5], $0x28, s25, s12, $0xb8;
	[tilespmem:$0xA140] =	vst v63  }
0x5a: {  	_ =	swait.ge [sflag:s19], $0x1180  }
0x5b: {  	[sflag:s19] =	ssyncset.done $0x0  }
0x5c: {  	[sflag:s19] =	ssyncadd.s32 $0xFFFFEE80  }
0x5d: {  	_ =	swait.ge [sflag:s20], $0x1180  }
0x5e: {  	[sflag:s20] =	ssyncset.done $0x0  }
0x5f: {  	[sflag:s20] =	ssyncadd.s32 $0xFFFFEE80  }
0x60: {  	[tilespmem:s14], [sflag:$0x2] =	stream.indirect.gather [hbm4b:s0+s12], $0x28, s26, s12, $0xb8;
	[tilespmem:$0xA140] =	vst v63  }
0x61: {  	_ = 	snop  }
0x62: {  	[spmem:s3] =	stream.indirect.scatter.add.f32 [tilespmem:s16], [sflag:$0x6], $0x28, s28, s12, $0xb8;
	[tilespmem:$0xA140] =	vst v63  }
0x63: {  	_ =	swait.ge [sflag:s15], $0x1180  }
0x64: {  	[sflag:s15] =	ssyncset.done $0x0  }
0x65: {  	[sflag:s15] =	ssyncadd.s32 $0xFFFFEE80  }
0x66: {  	_ =	swait.ge [sflag:s21], $0x1180  }
0x67: {  	[sflag:s21] =	ssyncset.done $0x0  }
0x68: {  	[sflag:s21] =	ssyncadd.s32 $0xFFFFEE80  }
0x69: {  	[tilespmem:s16], [sflag:$0x3] =	stream.indirect.gather [hbm4b:s0+s12], $0x28, s29, s12, $0xb8;
	[tilespmem:$0xA140] =	vst v63  }
0x6a: {  	_ = 	snop  }
0x6b: {  	[spmem:s3] =	stream.indirect.scatter.add.f32 [tilespmem:s13], [sflag:$0x4], $0x28, s30, s12, $0xb8;
	[tilespmem:$0xA140] =	vst v63  }
0x6c: {  	_ =	swait.ge [sflag:s17], $0x1180  }
0x6d: {  	[sflag:s17] =	ssyncset.done $0x0  }
0x6e: {  	[sflag:s17] =	ssyncadd.s32 $0xFFFFEE80  }
0x6f: {  	_ =	swait.ge [sflag:s18], $0x1180  }
0x70: {  	[sflag:s18] =	ssyncset.done $0x0  }
0x71: {  	[sflag:s18] =	ssyncadd.s32 $0xFFFFEE80  }
0x72: {  	[tilespmem:s13], [sflag:$0x1] =	stream.indirect.gather [hbm4b:s0+s12], $0x28, s31, s12, $0xb8;
	[tilespmem:$0xA140] =	vst v63  }
0x73: {  	_ = 	snop  }
0x74: {  	[spmem:s3] =	stream.indirect.scatter.add.f32 [tilespmem:s14], [sflag:$0x5], $0x28, s1, s12, $0xb8;
	[tilespmem:$0xA140] =	vst v63  }
0x75: {  	_ =	swait.ge [sflag:s19], $0x1180  }
0x76: {  	[sflag:s19] =	ssyncset.done $0x0  }
0x77: {  	[sflag:s19] =	ssyncadd.s32 $0xFFFFEE80  }
0x78: {  	[spmem:s3] =	stream.indirect.scatter.add.f32 [tilespmem:s16], [sflag:$0x6], $0x28, s2, s12, $0xb8;
	[tilespmem:$0xA140] =	vst v63  }
0x79: {  	_ =	swait.ge [sflag:s15], $0x1180  }
0x7a: {  	[sflag:s15] =	ssyncset.done $0x0  }
0x7b: {  	[sflag:s15] =	ssyncadd.s32 $0xFFFFEE80  }
0x7c: {  	[spmem:s3] =	stream.indirect.scatter.add.f32 [tilespmem:s13], [sflag:$0x4], $0x28, s5, s12, $0xb8;
	[tilespmem:$0xA140] =	vst v63  }
0x7d: {  	_ =	swait.ge [sflag:s20], $0x1180  }
0x7e: {  	[sflag:s20] =	ssyncset.done $0x0  }
0x7f: {  	[sflag:s20] =	ssyncadd.s32 $0xFFFFEE80  }
0x80: {  	_ =	swait.ge [sflag:s21], $0x1180  }
0x81: {  	[sflag:s21] =	ssyncset.done $0x0  }
0x82: {  	[sflag:s21] =	ssyncadd.s32 $0xFFFFEE80  }
0x83: {  	s6 =	simm.s32 $0x118;
	_ =	swait.ge [sflag:s18], $0x1180  }
0x84: {  	s8 =	simm.s32 $0x8C;
	s9 =	rddreg [dreg:$0x5];
	[sflag:s18] =	ssyncset.done $0x0  }
.LBB2_2:
0x85: {  	[sflag:s18] =	ssyncadd.s32 $0xFFFFEE80;
	s9 =	sadd.s32 s8, s9  }
0x86: {  	[tilespmem:s4], [sflag:$0x7] =	stream.linear.gather [hbm4b:s9+s4], $0x460, $0x38;
	[tilespmem:$0xA140] =	vst v63  }
0x87: {  	_ =	swait.ge [sflag:s10], $0x460  }
0x88: {  	s9 =	rddreg [dreg:$0x6];
	[sflag:s10] =	ssyncset.done $0x0  }
0x89: {  	[sflag:s10] =	ssyncadd.s32 $0xFFFFFBA0;
	s9 =	sadd.s32 s8, s9  }
0x8a: {  	[tilespmem:s11], [sflag:$0x7] =	stream.linear.gather [hbm4b:s9+s4], $0x460, $0x38;
	[tilespmem:$0xA140] =	vst v63  }
0x8b: {  	_ =	swait.ge [sflag:s10], $0x460  }
0x8c: {  	[sflag:s10] =	ssyncset.done $0x0  }
0x8d: {  	[sflag:s10] =	ssyncadd.s32 $0xFFFFFBA0  }
0x8e: {  	[tilespmem:s13], [sflag:$0x1] =	stream.indirect.gather [hbm4b:s0+s12], $0x28, s4, s12, $0xb8;
	[tilespmem:$0xA140] =	vst v63  }
0x8f: {  	_ = 	snop  }
0x90: {  	[tilespmem:s14], [sflag:$0x2] =	stream.indirect.gather [hbm4b:s0+s12], $0x28, s12, s12, $0xb8;
	[tilespmem:$0xA140] =	vst v63  }
0x91: {  	_ =	swait.ge [sflag:s15], $0x1180  }
0x92: {  	[sflag:s15] =	ssyncset.done $0x0  }
0x93: {  	s9 =	rddreg [dreg:$0x7];
	[sflag:s15] =	ssyncadd.s32 $0xFFFFEE80  }
0x94: {  	[tilespmem:s16], [sflag:$0x3] =	stream.indirect.gather [hbm4b:s0+s12], $0x28, s9, s12, $0xb8;
	[tilespmem:$0xA140] =	vst v63  }
0x95: {  	_ = 	snop  }
0x96: {  	[spmem:s3] =	stream.indirect.scatter.add.f32 [tilespmem:s13], [sflag:$0x4], $0x28, s11, s12, $0xb8;
	[tilespmem:$0xA140] =	vst v63  }
0x97: {  	_ =	swait.ge [sflag:s17], $0x1180  }
0x98: {  	[sflag:s17] =	ssyncset.done $0x0  }
0x99: {  	[sflag:s17] =	ssyncadd.s32 $0xFFFFEE80  }
0x9a: {  	_ =	swait.ge [sflag:s18], $0x1180  }
0x9b: {  	s7 =	smov.u32 s6;
	[sflag:s18] =	ssyncset.done $0x0  }
0x9c: {  	s8 =	smov.u32 s7;
	s7 =	rddreg [dreg:$0x8];
	[sflag:s18] =	ssyncadd.s32 $0xFFFFEE80  }
0x9d: {  	[tilespmem:s13], [sflag:$0x1] =	stream.indirect.gather [hbm4b:s0+s12], $0x28, s7, s12, $0xb8;
	[tilespmem:$0xA140] =	vst v63  }
0x9e: {  	s9 =	rddreg [dreg:$0x9]  }
0x9f: {  	[spmem:s3] =	stream.indirect.scatter.add.f32 [tilespmem:s14], [sflag:$0x5], $0x28, s9, s12, $0xb8;
	[tilespmem:$0xA140] =	vst v63  }
0xa0: {  	_ =	swait.ge [sflag:s19], $0x1180  }
0xa1: {  	[sflag:s19] =	ssyncset.done $0x0  }
0xa2: {  	[sflag:s19] =	ssyncadd.s32 $0xFFFFEE80  }
0xa3: {  	_ =	swait.ge [sflag:s20], $0x1180  }
0xa4: {  	[sflag:s20] =	ssyncset.done $0x0  }
0xa5: {  	s7 =	rddreg [dreg:$0xa];
	[sflag:s20] =	ssyncadd.s32 $0xFFFFEE80  }
0xa6: {  	[tilespmem:s14], [sflag:$0x2] =	stream.indirect.gather [hbm4b:s0+s12], $0x28, s7, s12, $0xb8;
	[tilespmem:$0xA140] =	vst v63  }
0xa7: {  	s9 =	rddreg [dreg:$0xb]  }
0xa8: {  	[spmem:s3] =	stream.indirect.scatter.add.f32 [tilespmem:s16], [sflag:$0x6], $0x28, s9, s12, $0xb8;
	[tilespmem:$0xA140] =	vst v63  }
0xa9: {  	_ =	swait.ge [sflag:s15], $0x1180  }
0xaa: {  	[sflag:s15] =	ssyncset.done $0x0  }
0xab: {  	[sflag:s15] =	ssyncadd.s32 $0xFFFFEE80  }
0xac: {  	_ =	swait.ge [sflag:s21], $0x1180  }
0xad: {  	[sflag:s21] =	ssyncset.done $0x0  }
0xae: {  	[sflag:s21] =	ssyncadd.s32 $0xFFFFEE80  }
0xaf: {  	[tilespmem:s16], [sflag:$0x3] =	stream.indirect.gather [hbm4b:s0+s12], $0x28, s22, s12, $0xb8;
	[tilespmem:$0xA140] =	vst v63  }
0xb0: {  	_ = 	snop  }
0xb1: {  	[spmem:s3] =	stream.indirect.scatter.add.f32 [tilespmem:s13], [sflag:$0x4], $0x28, s23, s12, $0xb8;
	[tilespmem:$0xA140] =	vst v63  }
0xb2: {  	_ =	swait.ge [sflag:s17], $0x1180  }
0xb3: {  	[sflag:s17] =	ssyncset.done $0x0  }
0xb4: {  	[sflag:s17] =	ssyncadd.s32 $0xFFFFEE80  }
0xb5: {  	_ =	swait.ge [sflag:s18], $0x1180  }
0xb6: {  	[sflag:s18] =	ssyncset.done $0x0  }
0xb7: {  	[sflag:s18] =	ssyncadd.s32 $0xFFFFEE80  }
0xb8: {  	[tilespmem:s13], [sflag:$0x1] =	stream.indirect.gather [hbm4b:s0+s12], $0x28, s24, s12, $0xb8;
	[tilespmem:$0xA140] =	vst v63  }
0xb9: {  	_ = 	snop  }
0xba: {  	[spmem:s3] =	stream.indirect.scatter.add.f32 [tilespmem:s14], [sflag:$0x5], $0x28, s25, s12, $0xb8;
	[tilespmem:$0xA140] =	vst v63  }
0xbb: {  	_ =	swait.ge [sflag:s19], $0x1180  }
0xbc: {  	[sflag:s19] =	ssyncset.done $0x0  }
0xbd: {  	[sflag:s19] =	ssyncadd.s32 $0xFFFFEE80  }
0xbe: {  	_ =	swait.ge [sflag:s20], $0x1180  }
0xbf: {  	[sflag:s20] =	ssyncset.done $0x0  }
0xc0: {  	[sflag:s20] =	ssyncadd.s32 $0xFFFFEE80  }
0xc1: {  	[tilespmem:s14], [sflag:$0x2] =	stream.indirect.gather [hbm4b:s0+s12], $0x28, s26, s12, $0xb8;
	[tilespmem:$0xA140] =	vst v63  }
0xc2: {  	_ = 	snop  }
0xc3: {  	[spmem:s3] =	stream.indirect.scatter.add.f32 [tilespmem:s16], [sflag:$0x6], $0x28, s28, s12, $0xb8;
	[tilespmem:$0xA140] =	vst v63  }
0xc4: {  	_ =	swait.ge [sflag:s15], $0x1180  }
0xc5: {  	[sflag:s15] =	ssyncset.done $0x0  }
0xc6: {  	[sflag:s15] =	ssyncadd.s32 $0xFFFFEE80  }
0xc7: {  	_ =	swait.ge [sflag:s21], $0x1180  }
0xc8: {  	[sflag:s21] =	ssyncset.done $0x0  }
0xc9: {  	[sflag:s21] =	ssyncadd.s32 $0xFFFFEE80  }
0xca: {  	[tilespmem:s16], [sflag:$0x3] =	stream.indirect.gather [hbm4b:s0+s12], $0x28, s29, s12, $0xb8;
	[tilespmem:$0xA140] =	vst v63  }
0xcb: {  	_ = 	snop  }
0xcc: {  	[spmem:s3] =	stream.indirect.scatter.add.f32 [tilespmem:s13], [sflag:$0x4], $0x28, s30, s12, $0xb8;
	[tilespmem:$0xA140] =	vst v63  }
0xcd: {  	_ =	swait.ge [sflag:s17], $0x1180  }
0xce: {  	[sflag:s17] =	ssyncset.done $0x0  }
0xcf: {  	[sflag:s17] =	ssyncadd.s32 $0xFFFFEE80  }
0xd0: {  	_ =	swait.ge [sflag:s18], $0x1180  }
0xd1: {  	[sflag:s18] =	ssyncset.done $0x0  }
0xd2: {  	[sflag:s18] =	ssyncadd.s32 $0xFFFFEE80  }
0xd3: {  	[tilespmem:s13], [sflag:$0x1] =	stream.indirect.gather [hbm4b:s0+s12], $0x28, s31, s12, $0xb8;
	[tilespmem:$0xA140] =	vst v63  }
0xd4: {  	_ = 	snop  }
0xd5: {  	[spmem:s3] =	stream.indirect.scatter.add.f32 [tilespmem:s14], [sflag:$0x5], $0x28, s1, s12, $0xb8;
	[tilespmem:$0xA140] =	vst v63  }
0xd6: {  	_ =	swait.ge [sflag:s19], $0x1180  }
0xd7: {  	[sflag:s19] =	ssyncset.done $0x0  }
0xd8: {  	[sflag:s19] =	ssyncadd.s32 $0xFFFFEE80  }
0xd9: {  	[spmem:s3] =	stream.indirect.scatter.add.f32 [tilespmem:s16], [sflag:$0x6], $0x28, s2, s12, $0xb8;
	[tilespmem:$0xA140] =	vst v63  }
0xda: {  	_ =	swait.ge [sflag:s15], $0x1180  }
0xdb: {  	[sflag:s15] =	ssyncset.done $0x0  }
0xdc: {  	[sflag:s15] =	ssyncadd.s32 $0xFFFFEE80  }
0xdd: {  	[spmem:s3] =	stream.indirect.scatter.add.f32 [tilespmem:s13], [sflag:$0x4], $0x28, s5, s12, $0xb8;
	[tilespmem:$0xA140] =	vst v63  }
0xde: {  	_ =	swait.ge [sflag:s20], $0x1180  }
0xdf: {  	[sflag:s20] =	ssyncset.done $0x0  }
0xe0: {  	p0 =	sne.s32 s6, $0x460;
	[sflag:s20] =	ssyncadd.s32 $0xFFFFEE80  }
.Ltmp0:
0xe1: {  	_ =	swait.ge [sflag:s21], $0x1180;
	(pc) =	sbr.rel @p0 .LBB2_2-.Ltmp0, $4  }
0xe2: {  	[sflag:s21] =	ssyncset.done $0x0  }
0xe3: {  	[sflag:s21] =	ssyncadd.s32 $0xFFFFEE80  }
0xe4: {  	_ =	swait.ge [sflag:s18], $0x1180  }
0xe5: {  	s6 =	sadd.s32 $0x8C, s6;
	s9 =	rddreg [dreg:$0x5];
	[sflag:s18] =	ssyncset.done $0x0  }
0xe6: {  	[sflag:s18] =	ssyncadd.s32 $0xFFFFEE80;
	s6 =	sadd.s32 s8, s9  }
0xe7: {  	[tilespmem:s4], [sflag:$0x7] =	stream.linear.gather [hbm4b:s6+s4], $0x460, $0x38;
	[tilespmem:$0xA140] =	vst v63  }
0xe8: {  	_ =	swait.ge [sflag:s10], $0x460  }
0xe9: {  	s7 =	rddreg [dreg:$0x6];
	[sflag:s10] =	ssyncset.done $0x0  }
0xea: {  	[sflag:s10] =	ssyncadd.s32 $0xFFFFFBA0;
	s6 =	sadd.s32 s8, s7  }
0xeb: {  	[tilespmem:s11], [sflag:$0x7] =	stream.linear.gather [hbm4b:s6+s4], $0x460, $0x38;
	[tilespmem:$0xA140] =	vst v63  }
0xec: {  	_ =	swait.ge [sflag:s10], $0x460  }
0xed: {  	[sflag:s10] =	ssyncset.done $0x0  }
0xee: {  	[sflag:s10] =	ssyncadd.s32 $0xFFFFFBA0  }
0xef: {  	[tilespmem:s13], [sflag:$0x1] =	stream.indirect.gather [hbm4b:s0+s12], $0x28, s4, s12, $0xb8;
	[tilespmem:$0xA140] =	vst v63  }
0xf0: {  	_ = 	snop  }
0xf1: {  	[tilespmem:s14], [sflag:$0x2] =	stream.indirect.gather [hbm4b:s0+s12], $0x28, s12, s12, $0xb8;
	[tilespmem:$0xA140] =	vst v63  }
0xf2: {  	_ =	swait.ge [sflag:s15], $0x1180  }
0xf3: {  	[sflag:s15] =	ssyncset.done $0x0  }
0xf4: {  	s8 =	rddreg [dreg:$0x7];
	[sflag:s15] =	ssyncadd.s32 $0xFFFFEE80  }
0xf5: {  	[tilespmem:s16], [sflag:$0x3] =	stream.indirect.gather [hbm4b:s0+s12], $0x28, s8, s12, $0xb8;
	[tilespmem:$0xA140] =	vst v63  }
0xf6: {  	_ = 	snop  }
0xf7: {  	[spmem:s3] =	stream.indirect.scatter.add.f32 [tilespmem:s13], [sflag:$0x4], $0x28, s11, s12, $0xb8;
	[tilespmem:$0xA140] =	vst v63  }
0xf8: {  	_ =	swait.ge [sflag:s17], $0x1180  }
0xf9: {  	[sflag:s17] =	ssyncset.done $0x0  }
0xfa: {  	[sflag:s17] =	ssyncadd.s32 $0xFFFFEE80  }
0xfb: {  	_ =	swait.ge [sflag:s18], $0x1180  }
0xfc: {  	[sflag:s18] =	ssyncset.done $0x0  }
0xfd: {  	s9 =	rddreg [dreg:$0x8];
	[sflag:s18] =	ssyncadd.s32 $0xFFFFEE80  }
0xfe: {  	[tilespmem:s13], [sflag:$0x1] =	stream.indirect.gather [hbm4b:s0+s12], $0x28, s9, s12, $0xb8;
	[tilespmem:$0xA140] =	vst v63  }
0xff: {  	s7 =	rddreg [dreg:$0x9]  }
0x100: {  	[spmem:s3] =	stream.indirect.scatter.add.f32 [tilespmem:s14], [sflag:$0x5], $0x28, s7, s12, $0xb8;
	[tilespmem:$0xA140] =	vst v63  }
0x101: {  	_ =	swait.ge [sflag:s19], $0x1180  }
0x102: {  	[sflag:s19] =	ssyncset.done $0x0  }
0x103: {  	[sflag:s19] =	ssyncadd.s32 $0xFFFFEE80  }
0x104: {  	_ =	swait.ge [sflag:s20], $0x1180  }
0x105: {  	[sflag:s20] =	ssyncset.done $0x0  }
0x106: {  	s8 =	rddreg [dreg:$0xa];
	[sflag:s20] =	ssyncadd.s32 $0xFFFFEE80  }
0x107: {  	[tilespmem:s14], [sflag:$0x2] =	stream.indirect.gather [hbm4b:s0+s12], $0x28, s8, s12, $0xb8;
	[tilespmem:$0xA140] =	vst v63  }
0x108: {  	s9 =	rddreg [dreg:$0xb]  }
0x109: {  	[spmem:s3] =	stream.indirect.scatter.add.f32 [tilespmem:s16], [sflag:$0x6], $0x28, s9, s12, $0xb8;
	[tilespmem:$0xA140] =	vst v63  }
0x10a: {  	_ =	swait.ge [sflag:s15], $0x1180  }
0x10b: {  	[sflag:s15] =	ssyncset.done $0x0  }
0x10c: {  	[sflag:s15] =	ssyncadd.s32 $0xFFFFEE80  }
0x10d: {  	_ =	swait.ge [sflag:s21], $0x1180  }
0x10e: {  	[sflag:s21] =	ssyncset.done $0x0  }
0x10f: {  	[sflag:s21] =	ssyncadd.s32 $0xFFFFEE80  }
0x110: {  	[tilespmem:s16], [sflag:$0x3] =	stream.indirect.gather [hbm4b:s0+s12], $0x28, s22, s12, $0xb8;
	[tilespmem:$0xA140] =	vst v63  }
0x111: {  	_ = 	snop  }
0x112: {  	[spmem:s3] =	stream.indirect.scatter.add.f32 [tilespmem:s13], [sflag:$0x4], $0x28, s23, s12, $0xb8;
	[tilespmem:$0xA140] =	vst v63  }
0x113: {  	_ =	swait.ge [sflag:s17], $0x1180  }
0x114: {  	[sflag:s17] =	ssyncset.done $0x0  }
0x115: {  	[sflag:s17] =	ssyncadd.s32 $0xFFFFEE80  }
0x116: {  	_ =	swait.ge [sflag:s18], $0x1180  }
0x117: {  	[sflag:s18] =	ssyncset.done $0x0  }
0x118: {  	[sflag:s18] =	ssyncadd.s32 $0xFFFFEE80  }
0x119: {  	[tilespmem:s13], [sflag:$0x1] =	stream.indirect.gather [hbm4b:s0+s12], $0x28, s24, s12, $0xb8;
	[tilespmem:$0xA140] =	vst v63  }
0x11a: {  	_ = 	snop  }
0x11b: {  	[spmem:s3] =	stream.indirect.scatter.add.f32 [tilespmem:s14], [sflag:$0x5], $0x28, s25, s12, $0xb8;
	[tilespmem:$0xA140] =	vst v63  }
0x11c: {  	_ =	swait.ge [sflag:s19], $0x1180  }
0x11d: {  	[sflag:s19] =	ssyncset.done $0x0  }
0x11e: {  	[sflag:s19] =	ssyncadd.s32 $0xFFFFEE80  }
0x11f: {  	_ =	swait.ge [sflag:s20], $0x1180  }
0x120: {  	[sflag:s20] =	ssyncset.done $0x0  }
0x121: {  	[sflag:s20] =	ssyncadd.s32 $0xFFFFEE80  }
0x122: {  	[tilespmem:s14], [sflag:$0x2] =	stream.indirect.gather [hbm4b:s0+s12], $0x28, s26, s12, $0xb8;
	[tilespmem:$0xA140] =	vst v63  }
0x123: {  	_ = 	snop  }
0x124: {  	[spmem:s3] =	stream.indirect.scatter.add.f32 [tilespmem:s16], [sflag:$0x6], $0x28, s28, s12, $0xb8;
	[tilespmem:$0xA140] =	vst v63  }
0x125: {  	_ =	swait.ge [sflag:s15], $0x1180  }
0x126: {  	[sflag:s15] =	ssyncset.done $0x0  }
0x127: {  	[sflag:s15] =	ssyncadd.s32 $0xFFFFEE80  }
0x128: {  	_ =	swait.ge [sflag:s21], $0x1180  }
0x129: {  	[sflag:s21] =	ssyncset.done $0x0  }
0x12a: {  	[sflag:s21] =	ssyncadd.s32 $0xFFFFEE80  }
0x12b: {  	[tilespmem:s16], [sflag:$0x3] =	stream.indirect.gather [hbm4b:s0+s12], $0x28, s29, s12, $0xb8;
	[tilespmem:$0xA140] =	vst v63  }
0x12c: {  	_ = 	snop  }
0x12d: {  	[spmem:s3] =	stream.indirect.scatter.add.f32 [tilespmem:s13], [sflag:$0x4], $0x28, s30, s12, $0xb8;
	[tilespmem:$0xA140] =	vst v63  }
0x12e: {  	_ =	swait.ge [sflag:s17], $0x1180  }
0x12f: {  	[sflag:s17] =	ssyncset.done $0x0  }
0x130: {  	[sflag:s17] =	ssyncadd.s32 $0xFFFFEE80  }
0x131: {  	_ =	swait.ge [sflag:s18], $0x1180  }
0x132: {  	[sflag:s18] =	ssyncset.done $0x0  }
0x133: {  	[sflag:s18] =	ssyncadd.s32 $0xFFFFEE80  }
0x134: {  	[tilespmem:s13], [sflag:$0x1] =	stream.indirect.gather [hbm4b:s0+s12], $0x28, s31, s12, $0xb8;
	[tilespmem:$0xA140] =	vst v63  }
0x135: {  	_ = 	snop  }
0x136: {  	[spmem:s3] =	stream.indirect.scatter.add.f32 [tilespmem:s14], [sflag:$0x5], $0x28, s1, s12, $0xb8;
	[tilespmem:$0xA140] =	vst v63  }
0x137: {  	_ =	swait.ge [sflag:s19], $0x1180  }
0x138: {  	[sflag:s19] =	ssyncset.done $0x0  }
0x139: {  	[sflag:s19] =	ssyncadd.s32 $0xFFFFEE80  }
0x13a: {  	[spmem:s3] =	stream.indirect.scatter.add.f32 [tilespmem:s16], [sflag:$0x6], $0x28, s2, s12, $0xb8;
	[tilespmem:$0xA140] =	vst v63  }
0x13b: {  	_ =	swait.ge [sflag:s15], $0x1180  }
0x13c: {  	[sflag:s15] =	ssyncset.done $0x0  }
0x13d: {  	[sflag:s15] =	ssyncadd.s32 $0xFFFFEE80  }
0x13e: {  	[spmem:s3] =	stream.indirect.scatter.add.f32 [tilespmem:s13], [sflag:$0x4], $0x28, s5, s12, $0xb8;
	[tilespmem:$0xA140] =	vst v63  }
0x13f: {  	_ =	swait.ge [sflag:s20], $0x1180  }
0x140: {  	[sflag:s20] =	ssyncset.done $0x0  }
0x141: {  	[sflag:s20] =	ssyncadd.s32 $0xFFFFEE80  }
0x142: {  	_ =	swait.ge [sflag:s21], $0x1180  }
0x143: {  	[sflag:s21] =	ssyncset.done $0x0  }
0x144: {  	[sflag:s21] =	ssyncadd.s32 $0xFFFFEE80  }
0x145: {  	_ =	swait.ge [sflag:s18], $0x1180  }
0x146: {  	[sflag:s18] =	ssyncset.done $0x0  }
0x147: {  	[sflag:s18] =	ssyncadd.s32 $0xFFFFEE80  }
0x148: {  	[bflag:$0x0] =	sbarrier.arrive $0xFFFF  }
0x149: {  	s9 =	rddreg [dreg:$0xd]  }
0x14a: {  	s8 =	rddreg [dreg:$0xe]  }
0x14b: {  	s7 =	rddreg [dreg:$0x10]  }
0x14c: {  	[hbm:s8], [sflag:s9] =	dma.local [spmem:s7], $0xC80  }
0x14d: {  	_ =	swait.ge [sflag:s10], $0xC80  }
0x14e: {  	s6 =	rddreg [dreg:$0x11]  }
0x14f: {  	s8 =	sadd.s32 $0x1, s6;
	s6 =	rddreg [dreg:$0xf]  }
0x150: {  	p0 =	sne.s32 s8, s6  }
.Ltmp1:
0x151: {  	_ = 	snop;
	(pc) =	sbr.rel @p0 .LBB2_1-.Ltmp1, $3  }
0x152: {  	_ =	sdelay $0x1  }
0x153: {  	[sflag:s10] =	ssyncset.done $0x0  }
0x154: {  	[sflag:s10] =	ssyncadd.s32 $0xFFFFF380  }
0x155: {  	_ =	sfence.sel $0x180000  }
0x156: {  	[bflag:$0x0] =	sbarrier.arrive $0xFFFF  }
0x157: {  	_ =	strace $0x90000050  }
0x158: {  	s0 =	stileid.u32;
	[bflag:$0x2] =	sbarrier.arrive $0xFFFF  }
0x159: {  	p0 =	sne.s32 s0, $0x0;
	s0 =	rddreg [dreg:$0x4]  }
0x15a: {  	s0 =	sadd.s32 @!p0 $0x100000, s0  }
0x15b: {  	[sflag:s0] =	ssyncadd.tile.s32 @!p0 $0x1;
	_ =	shalt  }
.Lfunc_end2:
_tile_overlayer_lowered:
.L_overlay_start_2:
0x15c: {  	(tag) =	ssettag $0x2  }
0x15d: {  	s0 =	rddreg [dreg:$0x0];
	s2 =	stileid.u32  }
0x15e: {  	s1 =	rddreg [dreg:$0x1];
	p0 =	sne.s32 s2, $0x0  }
0x15f: {  	s3 =	rddreg [dreg:$0x2];
	[bflag:$0x3] =	sbarrier.arrive $0xFFFF;
	s2 =	simm.s32 @!p0 $0x1C07  }
0x160: {  	[timem:s3], [sflag:s2] =	dma.local @!p0 [hbm:s0], s1  }
0x161: {  	s0 =	simm.s32 @!p0 $0x7  }
0x162: {  	_ =	swait.ge @!p0 [sflag:s0], s1  }
0x163: {  	s1 =	ssub.s32 @!p0 $0x0, s1;
	[sflag:s0] =	ssyncset.done @!p0 $0x0  }
0x164: {  	[sflag:s0] =	ssyncadd.s32 @!p0 s1  }
0x165: {  	[bflag:$0x3] =	sbarrier.arrive $0xFFFF  }
0x166: {  	_ =	shalt  }

</sc_bundles>
